<compile_context>
chip_gen: v7x
topology: tpu7x:2x2x1
jax: 0.10.2.dev20260603
libtpu: 0.0.44.dev20260713+nightly
codegen_flags: <defaults>
</compile_context>

<pallas_src>
import functools

import jax
import jax.numpy as jnp
from jax import lax
from jax.experimental import pallas as pl
from jax.experimental.pallas import tpu as pltpu
from jax.experimental.pallas import tpu_sc as plsc

D = 128
S = 9
O = 128

NC = 2
NS = 16
L = 16
NW = NC * NS

CH = 40
K0 = 61
K1 = 19
CORE0_TOTAL = NS * K0 * CH
NPAD = NS * (K0 + K1) * CH
ROWS = CH * S
GR = 120
NG = ROWS // GR
IDX_MAX = max(K0, K1) * CH * S
FCHUNKS = -(-IDX_MAX // 16)

BR = 25088
NBLK = 2
NP = NBLK * BR


def _matmul_body(x_ref, w_ref, z_ref):
    z_ref[...] = jnp.dot(x_ref[...], w_ref[...],
                         preferred_element_type=jnp.float32)


def _tc_matmul(x, wcat):
    return pl.pallas_call(
        _matmul_body,
        grid=(NBLK, S),
        in_specs=[
            pl.BlockSpec((BR, D), lambda i, s: (i, 0)),
            pl.BlockSpec((D, O), lambda i, s: (0, s)),
        ],
        out_specs=pl.BlockSpec((BR, O), lambda i, s: (s * NBLK + i, 0)),
        out_shape=jax.ShapeDtypeStruct((S * NP, O), jnp.float32),
    )(x, wcat)


def _sc_body(z_ref, idx_ref, b_ref, out_ref,
             fbuf, gb0, gb1, ob0, ob1, bbuf, semA, semB, osemA, osemB):
    cid = lax.axis_index("c")
    sid = lax.axis_index("s")
    base = jnp.where(cid == 0, sid * (K0 * CH), CORE0_TOTAL + sid * (K1 * CH))
    nch = jnp.where(cid == 0, K0, K1)
    bufA = (gb0, ob0, semA, osemA)
    bufB = (gb1, ob1, semB, osemB)

    pltpu.sync_copy(b_ref, bbuf)
    bvecs = [bbuf[pl.ds(p * L, L)] for p in range(O // L)]

    @pl.when(cid == 0)
    def _():
        pltpu.sync_copy(idx_ref.at[pl.ds(base * S, K0 * CH * S)],
                        fbuf.at[pl.ds(0, K0 * CH * S)])

    @pl.when(cid == 1)
    def _():
        pltpu.sync_copy(idx_ref.at[pl.ds(base * S, K1 * CH * S)],
                        fbuf.at[pl.ds(0, K1 * CH * S)])

    def flat_body(c, carry):
        jv = lax.iota(jnp.int32, L) + c * L
        sv = lax.rem(jv, S)
        fbuf[pl.ds(c * L, L)] = sv * NP + fbuf[pl.ds(c * L, L)]
        return carry

    lax.fori_loop(0, FCHUNKS, flat_body, 0)

    def fire(k, buf):
        gbuf = buf[0]
        for g in range(NG):
            pltpu.async_copy(
                z_ref.at[fbuf.at[pl.ds(k * ROWS + g * GR, GR)]],
                gbuf.at[pl.ds(g * GR, GR)], buf[2])

    def drain_acc_store(k, buf):
        gbuf, obuf, sem, osem = buf

        @pl.when(jnp.logical_and(k >= 2, k < nch))
        def _():
            pltpu.make_async_copy(
                obuf, out_ref.at[pl.ds(base, CH)], osem).wait()

        for g in range(NG):
            pltpu.make_async_copy(
                z_ref.at[fbuf.at[pl.ds(k * ROWS + g * GR, GR)]],
                gbuf.at[pl.ds(g * GR, GR)], sem).wait()

        @plsc.parallel_loop(0, CH, 1, unroll=2)
        def acc_body(n):
            accs = list(bvecs)
            for s in range(S):
                row = n * S + s
                for p in range(O // L):
                    accs[p] = accs[p] + gbuf[row, pl.ds(p * L, L)]
            for p in range(O // L):
                obuf[n, pl.ds(p * L, L)] = accs[p]

        pltpu.async_copy(obuf, out_ref.at[pl.ds(base + k * CH, CH)], osem)

    fire(0, bufA)

    def guarded(cond, fn, *args):
        @pl.when(cond)
        def _():
            fn(*args)

    def pair_body(t, carry):
        k0 = 2 * t
        guarded(k0 + 1 < nch, fire, k0 + 1, bufB)
        guarded(k0 < nch, drain_acc_store, k0, bufA)
        guarded(k0 + 2 < nch, fire, k0 + 2, bufA)
        guarded(k0 + 1 < nch, drain_acc_store, k0 + 1, bufB)
        return carry

    lax.fori_loop(0, (max(K0, K1) + 1) // 2, pair_body, 0)

    pltpu.make_async_copy(ob0, out_ref.at[pl.ds(base, CH)], osemA).wait()
    pltpu.make_async_copy(ob1, out_ref.at[pl.ds(base, CH)], osemB).wait()


_sc_gather_sum = functools.partial(
    pl.kernel,
    out_type=jax.ShapeDtypeStruct((NPAD, O), jnp.float32),
    mesh=plsc.VectorSubcoreMesh(core_axis_name="c", subcore_axis_name="s",
                                num_cores=NC, num_subcores=NS),
    scratch_types=(
        [pltpu.VMEM((FCHUNKS * 16,), jnp.int32)]
        + [pltpu.VMEM((ROWS, O), jnp.float32)] * 2
        + [pltpu.VMEM((CH, O), jnp.float32)] * 2
        + [pltpu.VMEM((O,), jnp.float32),
           pltpu.SemaphoreType.DMA,
           pltpu.SemaphoreType.DMA,
           pltpu.SemaphoreType.DMA,
           pltpu.SemaphoreType.DMA]
    ),
)(_sc_body)


def kernel(x, indices, W, b):
    n_nodes = x.shape[0]
    wcat = W.reshape(S, D, O).transpose(1, 0, 2).reshape(D, S * O)
    z = _tc_matmul(x.astype(jnp.bfloat16), wcat.astype(jnp.bfloat16))
    idx_pad = jnp.pad(indices, ((0, NPAD - n_nodes + 8), (0, 0))).reshape(-1)
    out = _sc_gather_sum(z, idx_pad.astype(jnp.int32), b)
    return out[:n_nodes]

# --- scband reference (transcript-rebuilt; emitter-appended) ---
"""Pipeline reference for scband-vertex-spiral-net-18056042512450 (READ-ONLY COPY).

The authoritative reference and input builder live on the scoring server;
editing this copy changes nothing except your own understanding.
"""

import jax, jax.numpy as jnp
import numpy as np

N_NODES = 50000
D_FEAT = 128
SEQ_LEN = 9
OUT_CH = 128


def setup_inputs(seed: int = 0) -> dict:
    key = jax.random.key(seed)
    k1, k2, k3 = jax.random.split(key, 3)
    x = jax.random.normal(k1, (N_NODES, D_FEAT), dtype=jnp.float32)
    # spiral indices: for each vertex, seq_length neighbor vertex ids (vertex itself first in real meshes)
    indices = jax.random.randint(k2, (N_NODES, SEQ_LEN), 0, N_NODES)
    # SpiralConv learned params: Linear(in_channels * seq_length -> out_channels), xavier-uniform weight, zero bias
    fan_in = D_FEAT * SEQ_LEN
    limit = float(np.sqrt(6.0 / (fan_in + OUT_CH)))
    W = jax.random.uniform(k3, (fan_in, OUT_CH), dtype=jnp.float32, minval=-limit, maxval=limit)
    b = jnp.zeros((OUT_CH,), dtype=jnp.float32)
    return {"x": x, "indices": indices, "W": W, "b": b}


def reference(x, indices, W, b):
    # SpiralConv.forward for 2-D input:
    #   x = torch.index_select(x, 0, indices.view(-1)).view(n_nodes, -1)
    #   x = self.layer(x)
    n_nodes, seq_len = indices.shape
    gathered = jnp.take(x, indices.reshape(-1), axis=0)  # [n_nodes*seq_len, d]
    gathered = gathered.reshape(n_nodes, seq_len * x.shape[-1])  # [n_nodes, seq_len*d]
    out = gathered @ W + b  # nn.Linear
    return out

if __name__ == "__main__":
    import jax
    _d = setup_inputs()
    print(jax.jit(kernel)(*tuple(_d.values())))

</pallas_src>

<mosaic_0001>
#map = affine_map<(d0, d1) -> (0, 0)>
#map1 = affine_map<(d0, d1) -> (0)>
module attributes {stable_mosaic.version = 14 : i64} {
  func.func @_sc_body(%arg0: i32, %arg1: i32, %arg2: memref<451584x128xf32, #tpu.memory_space<hbm>>, %arg3: memref<460872xi32, #tpu.memory_space<hbm>>, %arg4: memref<128xf32, #tpu.memory_space<hbm>>, %arg5: memref<51200x128xf32, #tpu.memory_space<hbm>>, %arg6: memref<21968xi32, #tpu.memory_space<vmem>>, %arg7: memref<360x128xf32, #tpu.memory_space<vmem>>, %arg8: memref<360x128xf32, #tpu.memory_space<vmem>>, %arg9: memref<40x128xf32, #tpu.memory_space<vmem>>, %arg10: memref<40x128xf32, #tpu.memory_space<vmem>>, %arg11: memref<128xf32, #tpu.memory_space<vmem>>, %arg12: memref<!tpu.dma_semaphore, #tpu.memory_space<semaphore_mem>>, %arg13: memref<!tpu.dma_semaphore, #tpu.memory_space<semaphore_mem>>, %arg14: memref<!tpu.dma_semaphore, #tpu.memory_space<semaphore_mem>>, %arg15: memref<!tpu.dma_semaphore, #tpu.memory_space<semaphore_mem>>) attributes {dimension_semantics = [#tpu.dimension_semantics<core_parallel>, #tpu.dimension_semantics<subcore_parallel>], iteration_bounds = array<i64: 2, 16>, scalar_prefetch = 0 : i64, scratch_operands = 10 : i64, tpu.core_type = #tpu.core_type<sc_vector_subcore>, window_params = [{transform_indices = #map}, {transform_indices = #map1}, {transform_indices = #map1}, {transform_indices = #map}]} {
    %eq3A = arith.constant 0 : i32
    %eq3A_0 = arith.cmpi eq, %arg0, %eq3A : i32
    %mul3A = arith.constant 2440 : i32
    %mul3A_1 = arith.muli %arg1, %mul3A : i32
    %mul3A_2 = arith.constant 760 : i32
    %mul3A_3 = arith.muli %arg1, %mul3A_2 : i32
    %add3A = arith.constant 39040 : i32
    %add3A_4 = arith.addi %add3A, %mul3A_3 : i32
    %select_n3A = arith.select %eq3A_0, %mul3A_1, %add3A_4 : i32
    %eq3A_5 = arith.constant 0 : i32
    %eq3A_6 = arith.cmpi eq, %arg0, %eq3A_5 : i32
    %jit3A = arith.constant 61 : i32
    %jit3A_7 = arith.constant 19 : i32
    %select_n3A_8 = arith.select %eq3A_6, %jit3A, %jit3A_7 : i32
    "tpu.region"() ({
      %run_scoped3A = tpu.sem_alloc : memref<!tpu.dma_semaphore, #tpu.memory_space<semaphore_mem>>
      tpu.enqueue_dma source(%arg4 : memref<128xf32, #tpu.memory_space<hbm>>) target(%arg11 : memref<128xf32, #tpu.memory_space<vmem>>) target_semaphore(%run_scoped3A : memref<!tpu.dma_semaphore, #tpu.memory_space<semaphore_mem>>)
      tpu.wait_dma2 semaphore(%run_scoped3A : memref<!tpu.dma_semaphore, #tpu.memory_space<semaphore_mem>>) src(%arg4 : memref<128xf32, #tpu.memory_space<hbm>>) dst(%arg11 : memref<128xf32, #tpu.memory_space<vmem>>)
      tpu.yield
    }) : () -> ()
    %get3A = arith.constant 0 : index
    %get3A_9 = tpu.vector_load %arg11[%get3A] {strides = array<i32>} : memref<128xf32, #tpu.memory_space<vmem>>, vector<16xf32>,
    %get3A_10 = vector.shape_cast %get3A_9 : vector<16xf32> to vector<16xf32>
    %get3A_11 = arith.constant 16 : index
    %get3A_12 = tpu.vector_load %arg11[%get3A_11] {strides = array<i32>} : memref<128xf32, #tpu.memory_space<vmem>>, vector<16xf32>,
    %get3A_13 = vector.shape_cast %get3A_12 : vector<16xf32> to vector<16xf32>
    %get3A_14 = arith.constant 32 : index
    %get3A_15 = tpu.vector_load %arg11[%get3A_14] {strides = array<i32>} : memref<128xf32, #tpu.memory_space<vmem>>, vector<16xf32>,
    %get3A_16 = vector.shape_cast %get3A_15 : vector<16xf32> to vector<16xf32>
    %get3A_17 = arith.constant 48 : index
    %get3A_18 = tpu.vector_load %arg11[%get3A_17] {strides = array<i32>} : memref<128xf32, #tpu.memory_space<vmem>>, vector<16xf32>,
    %get3A_19 = vector.shape_cast %get3A_18 : vector<16xf32> to vector<16xf32>
    %get3A_20 = arith.constant 64 : index
    %get3A_21 = tpu.vector_load %arg11[%get3A_20] {strides = array<i32>} : memref<128xf32, #tpu.memory_space<vmem>>, vector<16xf32>,
    %get3A_22 = vector.shape_cast %get3A_21 : vector<16xf32> to vector<16xf32>
    %get3A_23 = arith.constant 80 : index
    %get3A_24 = tpu.vector_load %arg11[%get3A_23] {strides = array<i32>} : memref<128xf32, #tpu.memory_space<vmem>>, vector<16xf32>,
    %get3A_25 = vector.shape_cast %get3A_24 : vector<16xf32> to vector<16xf32>
    %get3A_26 = arith.constant 96 : index
    %get3A_27 = tpu.vector_load %arg11[%get3A_26] {strides = array<i32>} : memref<128xf32, #tpu.memory_space<vmem>>, vector<16xf32>,
    %get3A_28 = vector.shape_cast %get3A_27 : vector<16xf32> to vector<16xf32>
    %get3A_29 = arith.constant 112 : index
    %get3A_30 = tpu.vector_load %arg11[%get3A_29] {strides = array<i32>} : memref<128xf32, #tpu.memory_space<vmem>>, vector<16xf32>,
    %get3A_31 = vector.shape_cast %get3A_30 : vector<16xf32> to vector<16xf32>
    %eq3A_32 = arith.constant 0 : i32
    %eq3A_33 = arith.cmpi eq, %arg0, %eq3A_32 : i32
    %convert_element_type3A = arith.extui %eq3A_33 : i1 to i32
    %cond3A = arith.constant 0 : i32
    %cond3A_34 = arith.cmpi ne, %convert_element_type3A, %cond3A : i32
    scf.if %cond3A_34 {
      %mul3A_81 = arith.constant 9 : i32
      %mul3A_82 = arith.muli %select_n3A, %mul3A_81 : i32
      "tpu.region"() ({
        %run_scoped3A = tpu.sem_alloc : memref<!tpu.dma_semaphore, #tpu.memory_space<semaphore_mem>>
        %dma_start3A_83 = arith.constant 0 : i32
        %dma_start3A_84 = tpu.memref_slice %arg6[%dma_start3A_83] : memref<21968xi32, #tpu.memory_space<vmem>> -> memref<21960xi32, #tpu.memory_space<vmem>>
        %dma_start3A_85 = tpu.memref_slice %arg3[%mul3A_82] : memref<460872xi32, #tpu.memory_space<hbm>> -> memref<21960xi32, #tpu.memory_space<hbm>>
        %dma_start3A_86 = arith.constant 0 : i32
        %dma_start3A_87 = tpu.memref_slice %arg6[%dma_start3A_86] : memref<21968xi32, #tpu.memory_space<vmem>> -> memref<21960xi32, #tpu.memory_space<vmem>>
        %dma_start3A_88 = tpu.memref_slice %arg3[%mul3A_82] : memref<460872xi32, #tpu.memory_space<hbm>> -> memref<21960xi32, #tpu.memory_space<hbm>>
        tpu.enqueue_dma source(%dma_start3A_88 : memref<21960xi32, #tpu.memory_space<hbm>>) target(%dma_start3A_87 : memref<21960xi32, #tpu.memory_space<vmem>>) target_semaphore(%run_scoped3A : memref<!tpu.dma_semaphore, #tpu.memory_space<semaphore_mem>>)
        %dma_wait3A_89 = arith.constant 0 : i32
        %dma_wait3A_90 = tpu.memref_slice %arg6[%dma_wait3A_89] : memref<21968xi32, #tpu.memory_space<vmem>> -> memref<21960xi32, #tpu.memory_space<vmem>>
        %dma_wait3A_91 = tpu.memref_slice %arg3[%mul3A_82] : memref<460872xi32, #tpu.memory_space<hbm>> -> memref<21960xi32, #tpu.memory_space<hbm>>
        %dma_wait3A_92 = arith.constant 0 : i32
        %dma_wait3A_93 = tpu.memref_slice %arg6[%dma_wait3A_92] : memref<21968xi32, #tpu.memory_space<vmem>> -> memref<21960xi32, #tpu.memory_space<vmem>>
        %dma_wait3A_94 = tpu.memref_slice %arg3[%mul3A_82] : memref<460872xi32, #tpu.memory_space<hbm>> -> memref<21960xi32, #tpu.memory_space<hbm>>
        tpu.wait_dma2 semaphore(%run_scoped3A : memref<!tpu.dma_semaphore, #tpu.memory_space<semaphore_mem>>) src(%dma_wait3A_94 : memref<21960xi32, #tpu.memory_space<hbm>>) dst(%dma_wait3A_93 : memref<21960xi32, #tpu.memory_space<vmem>>)
        tpu.yield
      }) : () -> ()
    } else {
    }
    %eq3A_35 = arith.constant 1 : i32
    %eq3A_36 = arith.cmpi eq, %arg0, %eq3A_35 : i32
    %convert_element_type3A_37 = arith.extui %eq3A_36 : i1 to i32
    %cond3A_38 = arith.constant 0 : i32
    %cond3A_39 = arith.cmpi ne, %convert_element_type3A_37, %cond3A_38 : i32
    scf.if %cond3A_39 {
      %mul3A_81 = arith.constant 9 : i32
      %mul3A_82 = arith.muli %select_n3A, %mul3A_81 : i32
      "tpu.region"() ({
        %run_scoped3A = tpu.sem_alloc : memref<!tpu.dma_semaphore, #tpu.memory_space<semaphore_mem>>
        %dma_start3A_83 = arith.constant 0 : i32
        %dma_start3A_84 = tpu.memref_slice %arg6[%dma_start3A_83] : memref<21968xi32, #tpu.memory_space<vmem>> -> memref<6840xi32, #tpu.memory_space<vmem>>
        %dma_start3A_85 = tpu.memref_slice %arg3[%mul3A_82] : memref<460872xi32, #tpu.memory_space<hbm>> -> memref<6840xi32, #tpu.memory_space<hbm>>
        %dma_start3A_86 = arith.constant 0 : i32
        %dma_start3A_87 = tpu.memref_slice %arg6[%dma_start3A_86] : memref<21968xi32, #tpu.memory_space<vmem>> -> memref<6840xi32, #tpu.memory_space<vmem>>
        %dma_start3A_88 = tpu.memref_slice %arg3[%mul3A_82] : memref<460872xi32, #tpu.memory_space<hbm>> -> memref<6840xi32, #tpu.memory_space<hbm>>
        tpu.enqueue_dma source(%dma_start3A_88 : memref<6840xi32, #tpu.memory_space<hbm>>) target(%dma_start3A_87 : memref<6840xi32, #tpu.memory_space<vmem>>) target_semaphore(%run_scoped3A : memref<!tpu.dma_semaphore, #tpu.memory_space<semaphore_mem>>)
        %dma_wait3A_89 = arith.constant 0 : i32
        %dma_wait3A_90 = tpu.memref_slice %arg6[%dma_wait3A_89] : memref<21968xi32, #tpu.memory_space<vmem>> -> memref<6840xi32, #tpu.memory_space<vmem>>
        %dma_wait3A_91 = tpu.memref_slice %arg3[%mul3A_82] : memref<460872xi32, #tpu.memory_space<hbm>> -> memref<6840xi32, #tpu.memory_space<hbm>>
        %dma_wait3A_92 = arith.constant 0 : i32
        %dma_wait3A_93 = tpu.memref_slice %arg6[%dma_wait3A_92] : memref<21968xi32, #tpu.memory_space<vmem>> -> memref<6840xi32, #tpu.memory_space<vmem>>
        %dma_wait3A_94 = tpu.memref_slice %arg3[%mul3A_82] : memref<460872xi32, #tpu.memory_space<hbm>> -> memref<6840xi32, #tpu.memory_space<hbm>>
        tpu.wait_dma2 semaphore(%run_scoped3A : memref<!tpu.dma_semaphore, #tpu.memory_space<semaphore_mem>>) src(%dma_wait3A_94 : memref<6840xi32, #tpu.memory_space<hbm>>) dst(%dma_wait3A_93 : memref<6840xi32, #tpu.memory_space<vmem>>)
        tpu.yield
      }) : () -> ()
    } else {
    }
    %scan3A = arith.constant 0 : i32
    %scan3A_40 = arith.constant 0 : i32
    %scan3A_41 = arith.constant 1373 : i32
    %scan3A_42 = arith.addi %scan3A_40, %scan3A_41 : i32
    %scan3A_43 = arith.constant 1 : i32
    scf.for %scan3A_81 = %scan3A_40 to %scan3A_42 step %scan3A_43  : i32 {
      %iota3A = tpu.iota {dimensions = array<i32: 0>} : vector<16xi32>
      %mul3A_82 = arith.constant 16 : i32
      %mul3A_83 = arith.muli %scan3A_81, %mul3A_82 : i32
      %add3A_84 = vector.broadcast %mul3A_83 : i32 to vector<16xi32>
      %add3A_85 = arith.addi %iota3A, %add3A_84 : vector<16xi32>
      %rem3A = arith.constant 9 : i32
      %rem3A_86 = vector.broadcast %rem3A : i32 to vector<16xi32>
      %rem3A_87 = arith.remsi %add3A_85, %rem3A_86 : vector<16xi32>
      %mul3A_88 = arith.constant 50176 : i32
      %mul3A_89 = vector.broadcast %mul3A_88 : i32 to vector<16xi32>
      %mul3A_90 = arith.muli %rem3A_87, %mul3A_89 : vector<16xi32>
      %mul3A_91 = arith.constant 16 : i32
      %mul3A_92 = arith.muli %scan3A_81, %mul3A_91 : i32
      %get3A_93 = arith.index_cast %mul3A_92 : i32 to index
      %get3A_94 = tpu.vector_load %arg6[%get3A_93] {strides = array<i32>} : memref<21968xi32, #tpu.memory_space<vmem>>, vector<16xi32>,
      %get3A_95 = vector.shape_cast %get3A_94 : vector<16xi32> to vector<16xi32>
      %add3A_96 = arith.addi %mul3A_90, %get3A_95 : vector<16xi32>
      %mul3A_97 = arith.constant 16 : i32
      %mul3A_98 = arith.muli %scan3A_81, %mul3A_97 : i32
      %swap3A = arith.index_cast %mul3A_98 : i32 to index
      %swap3A_99 = tpu.vector_load %arg6[%swap3A] {strides = array<i32>} : memref<21968xi32, #tpu.memory_space<vmem>>, vector<16xi32>,
      %swap3A_100 = vector.shape_cast %swap3A_99 : vector<16xi32> to vector<16xi32>
      %swap3A_101 = vector.shape_cast %add3A_96 : vector<16xi32> to vector<16xi32>
      tpu.vector_store %arg6[%swap3A], %swap3A_101 {strides = array<i32>} : memref<21968xi32, #tpu.memory_space<vmem>>, vector<16xi32>,
    }
    %scan3A_44 = arith.constant 1373 : i32
    %dma_start3A = arith.constant 0 : i32
    %dma_start3A_45 = arith.constant 0 : i32
    %dma_start3A_46 = tpu.memref_slice %arg7[%dma_start3A, %dma_start3A_45] : memref<360x128xf32, #tpu.memory_space<vmem>> -> memref<120x128xf32, #tpu.memory_space<vmem>>
    %dma_start3A_47 = arith.constant 0 : i32
    %dma_start3A_48 = tpu.memref_slice %arg6[%dma_start3A_47] : memref<21968xi32, #tpu.memory_space<vmem>> -> memref<120xi32, #tpu.memory_space<vmem>>
    %dma_start3A_49 = arith.constant 0 : i32
    %dma_start3A_50 = arith.constant 0 : i32
    %dma_start3A_51 = tpu.memref_slice %arg2[%dma_start3A_49, %dma_start3A_50] : memref<451584x128xf32, #tpu.memory_space<hbm>> -> memref<451584x128xf32, #tpu.memory_space<hbm>>
    tpu.enqueue_indirect_dma source(%dma_start3A_51 : memref<451584x128xf32, #tpu.memory_space<hbm>>) target(%dma_start3A_46 : memref<120x128xf32, #tpu.memory_space<vmem>>) offsets(%dma_start3A_48 : memref<120xi32, #tpu.memory_space<vmem>>) semaphore(%arg12 : memref<!tpu.dma_semaphore, #tpu.memory_space<semaphore_mem>>)
    %dma_start3A_52 = arith.constant 120 : i32
    %dma_start3A_53 = arith.constant 0 : i32
    %dma_start3A_54 = tpu.memref_slice %arg7[%dma_start3A_52, %dma_start3A_53] : memref<360x128xf32, #tpu.memory_space<vmem>> -> memref<120x128xf32, #tpu.memory_space<vmem>>
    %dma_start3A_55 = arith.constant 120 : i32
    %dma_start3A_56 = tpu.memref_slice %arg6[%dma_start3A_55] : memref<21968xi32, #tpu.memory_space<vmem>> -> memref<120xi32, #tpu.memory_space<vmem>>
    %dma_start3A_57 = arith.constant 0 : i32
    %dma_start3A_58 = arith.constant 0 : i32
    %dma_start3A_59 = tpu.memref_slice %arg2[%dma_start3A_57, %dma_start3A_58] : memref<451584x128xf32, #tpu.memory_space<hbm>> -> memref<451584x128xf32, #tpu.memory_space<hbm>>
    tpu.enqueue_indirect_dma source(%dma_start3A_59 : memref<451584x128xf32, #tpu.memory_space<hbm>>) target(%dma_start3A_54 : memref<120x128xf32, #tpu.memory_space<vmem>>) offsets(%dma_start3A_56 : memref<120xi32, #tpu.memory_space<vmem>>) semaphore(%arg12 : memref<!tpu.dma_semaphore, #tpu.memory_space<semaphore_mem>>)
    %dma_start3A_60 = arith.constant 240 : i32
    %dma_start3A_61 = arith.constant 0 : i32
    %dma_start3A_62 = tpu.memref_slice %arg7[%dma_start3A_60, %dma_start3A_61] : memref<360x128xf32, #tpu.memory_space<vmem>> -> memref<120x128xf32, #tpu.memory_space<vmem>>
    %dma_start3A_63 = arith.constant 240 : i32
    %dma_start3A_64 = tpu.memref_slice %arg6[%dma_start3A_63] : memref<21968xi32, #tpu.memory_space<vmem>> -> memref<120xi32, #tpu.memory_space<vmem>>
    %dma_start3A_65 = arith.constant 0 : i32
    %dma_start3A_66 = arith.constant 0 : i32
    %dma_start3A_67 = tpu.memref_slice %arg2[%dma_start3A_65, %dma_start3A_66] : memref<451584x128xf32, #tpu.memory_space<hbm>> -> memref<451584x128xf32, #tpu.memory_space<hbm>>
    tpu.enqueue_indirect_dma source(%dma_start3A_67 : memref<451584x128xf32, #tpu.memory_space<hbm>>) target(%dma_start3A_62 : memref<120x128xf32, #tpu.memory_space<vmem>>) offsets(%dma_start3A_64 : memref<120xi32, #tpu.memory_space<vmem>>) semaphore(%arg12 : memref<!tpu.dma_semaphore, #tpu.memory_space<semaphore_mem>>)
    %scan3A_68 = arith.constant 0 : i32
    %scan3A_69 = arith.constant 0 : i32
    %scan3A_70 = arith.constant 31 : i32
    %scan3A_71 = arith.addi %scan3A_69, %scan3A_70 : i32
    %scan3A_72 = arith.constant 1 : i32
    scf.for %scan3A_81 = %scan3A_69 to %scan3A_71 step %scan3A_72  : i32 {
      %mul3A_82 = arith.constant 2 : i32
      %mul3A_83 = arith.muli %mul3A_82, %scan3A_81 : i32
      %add3A_84 = arith.constant 1 : i32
      %add3A_85 = arith.addi %mul3A_83, %add3A_84 : i32
      %lt3A = arith.cmpi slt, %add3A_85, %select_n3A_8 : i32
      %add3A_86 = arith.constant 1 : i32
      %add3A_87 = arith.addi %mul3A_83, %add3A_86 : i32
      %convert_element_type3A_88 = arith.extui %lt3A : i1 to i32
      %cond3A_89 = arith.constant 0 : i32
      %cond3A_90 = arith.cmpi ne, %convert_element_type3A_88, %cond3A_89 : i32
      scf.if %cond3A_90 {
        %mul3A_111 = arith.constant 360 : i32
        %mul3A_112 = arith.muli %add3A_87, %mul3A_111 : i32
        %add3A_113 = arith.constant 0 : i32
        %add3A_114 = arith.addi %mul3A_112, %add3A_113 : i32
        %dma_start3A_115 = arith.constant 0 : i32
        %dma_start3A_116 = arith.constant 0 : i32
        %dma_start3A_117 = tpu.memref_slice %arg8[%dma_start3A_115, %dma_start3A_116] : memref<360x128xf32, #tpu.memory_space<vmem>> -> memref<120x128xf32, #tpu.memory_space<vmem>>
        %dma_start3A_118 = tpu.memref_slice %arg6[%add3A_114] : memref<21968xi32, #tpu.memory_space<vmem>> -> memref<120xi32, #tpu.memory_space<vmem>>
        %dma_start3A_119 = arith.constant 0 : i32
        %dma_start3A_120 = arith.constant 0 : i32
        %dma_start3A_121 = tpu.memref_slice %arg2[%dma_start3A_119, %dma_start3A_120] : memref<451584x128xf32, #tpu.memory_space<hbm>> -> memref<451584x128xf32, #tpu.memory_space<hbm>>
        tpu.enqueue_indirect_dma source(%dma_start3A_121 : memref<451584x128xf32, #tpu.memory_space<hbm>>) target(%dma_start3A_117 : memref<120x128xf32, #tpu.memory_space<vmem>>) offsets(%dma_start3A_118 : memref<120xi32, #tpu.memory_space<vmem>>) semaphore(%arg13 : memref<!tpu.dma_semaphore, #tpu.memory_space<semaphore_mem>>)
        %mul3A_122 = arith.constant 360 : i32
        %mul3A_123 = arith.muli %add3A_87, %mul3A_122 : i32
        %add3A_124 = arith.constant 120 : i32
        %add3A_125 = arith.addi %mul3A_123, %add3A_124 : i32
        %dma_start3A_126 = arith.constant 120 : i32
        %dma_start3A_127 = arith.constant 0 : i32
        %dma_start3A_128 = tpu.memref_slice %arg8[%dma_start3A_126, %dma_start3A_127] : memref<360x128xf32, #tpu.memory_space<vmem>> -> memref<120x128xf32, #tpu.memory_space<vmem>>
        %dma_start3A_129 = tpu.memref_slice %arg6[%add3A_125] : memref<21968xi32, #tpu.memory_space<vmem>> -> memref<120xi32, #tpu.memory_space<vmem>>
        %dma_start3A_130 = arith.constant 0 : i32
        %dma_start3A_131 = arith.constant 0 : i32
        %dma_start3A_132 = tpu.memref_slice %arg2[%dma_start3A_130, %dma_start3A_131] : memref<451584x128xf32, #tpu.memory_space<hbm>> -> memref<451584x128xf32, #tpu.memory_space<hbm>>
        tpu.enqueue_indirect_dma source(%dma_start3A_132 : memref<451584x128xf32, #tpu.memory_space<hbm>>) target(%dma_start3A_128 : memref<120x128xf32, #tpu.memory_space<vmem>>) offsets(%dma_start3A_129 : memref<120xi32, #tpu.memory_space<vmem>>) semaphore(%arg13 : memref<!tpu.dma_semaphore, #tpu.memory_space<semaphore_mem>>)
        %mul3A_133 = arith.constant 360 : i32
        %mul3A_134 = arith.muli %add3A_87, %mul3A_133 : i32
        %add3A_135 = arith.constant 240 : i32
        %add3A_136 = arith.addi %mul3A_134, %add3A_135 : i32
        %dma_start3A_137 = arith.constant 240 : i32
        %dma_start3A_138 = arith.constant 0 : i32
        %dma_start3A_139 = tpu.memref_slice %arg8[%dma_start3A_137, %dma_start3A_138] : memref<360x128xf32, #tpu.memory_space<vmem>> -> memref<120x128xf32, #tpu.memory_space<vmem>>
        %dma_start3A_140 = tpu.memref_slice %arg6[%add3A_136] : memref<21968xi32, #tpu.memory_space<vmem>> -> memref<120xi32, #tpu.memory_space<vmem>>
        %dma_start3A_141 = arith.constant 0 : i32
        %dma_start3A_142 = arith.constant 0 : i32
        %dma_start3A_143 = tpu.memref_slice %arg2[%dma_start3A_141, %dma_start3A_142] : memref<451584x128xf32, #tpu.memory_space<hbm>> -> memref<451584x128xf32, #tpu.memory_space<hbm>>
        tpu.enqueue_indirect_dma source(%dma_start3A_143 : memref<451584x128xf32, #tpu.memory_space<hbm>>) target(%dma_start3A_139 : memref<120x128xf32, #tpu.memory_space<vmem>>) offsets(%dma_start3A_140 : memref<120xi32, #tpu.memory_space<vmem>>) semaphore(%arg13 : memref<!tpu.dma_semaphore, #tpu.memory_space<semaphore_mem>>)
      } else {
      }
      %lt3A_91 = arith.cmpi slt, %mul3A_83, %select_n3A_8 : i32
      %convert_element_type3A_92 = arith.extui %lt3A_91 : i1 to i32
      %cond3A_93 = arith.constant 0 : i32
      %cond3A_94 = arith.cmpi ne, %convert_element_type3A_92, %cond3A_93 : i32
      scf.if %cond3A_94 {
        %ge3A = arith.constant 2 : i32
        %ge3A_111 = arith.cmpi sge, %mul3A_83, %ge3A : i32
        %lt3A_112 = arith.cmpi slt, %mul3A_83, %select_n3A_8 : i32
        %and3A = arith.andi %ge3A_111, %lt3A_112 : i1
        %convert_element_type3A_113 = arith.extui %and3A : i1 to i32
        %cond3A_114 = arith.constant 0 : i32
        %cond3A_115 = arith.cmpi ne, %convert_element_type3A_113, %cond3A_114 : i32
        scf.if %cond3A_115 {
          %dma_wait3A_158 = arith.constant 0 : i32
          %dma_wait3A_159 = tpu.memref_slice %arg5[%select_n3A, %dma_wait3A_158] : memref<51200x128xf32, #tpu.memory_space<hbm>> -> memref<40x128xf32, #tpu.memory_space<hbm>>
          %dma_wait3A_160 = arith.constant 0 : i32
          %dma_wait3A_161 = tpu.memref_slice %arg5[%select_n3A, %dma_wait3A_160] : memref<51200x128xf32, #tpu.memory_space<hbm>> -> memref<40x128xf32, #tpu.memory_space<hbm>>
          tpu.wait_dma2 semaphore(%arg14 : memref<!tpu.dma_semaphore, #tpu.memory_space<semaphore_mem>>) src(%arg9 : memref<40x128xf32, #tpu.memory_space<vmem>>) dst(%dma_wait3A_161 : memref<40x128xf32, #tpu.memory_space<hbm>>)
        } else {
        }
        %mul3A_116 = arith.constant 360 : i32
        %mul3A_117 = arith.muli %mul3A_83, %mul3A_116 : i32
        %add3A_118 = arith.constant 0 : i32
        %add3A_119 = arith.addi %mul3A_117, %add3A_118 : i32
        %dma_wait3A_120 = arith.constant 0 : i32
        %dma_wait3A_121 = arith.constant 0 : i32
        %dma_wait3A_122 = tpu.memref_slice %arg7[%dma_wait3A_120, %dma_wait3A_121] : memref<360x128xf32, #tpu.memory_space<vmem>> -> memref<120x128xf32, #tpu.memory_space<vmem>>
        %dma_wait3A_123 = tpu.memref_slice %arg6[%add3A_119] : memref<21968xi32, #tpu.memory_space<vmem>> -> memref<120xi32, #tpu.memory_space<vmem>>
        %dma_wait3A_124 = arith.constant 0 : i32
        %dma_wait3A_125 = arith.constant 0 : i32
        %dma_wait3A_126 = tpu.memref_slice %arg2[%dma_wait3A_124, %dma_wait3A_125] : memref<451584x128xf32, #tpu.memory_space<hbm>> -> memref<451584x128xf32, #tpu.memory_space<hbm>>
        tpu.wait_indirect_dma semaphore(%arg12 : memref<!tpu.dma_semaphore, #tpu.memory_space<semaphore_mem>>) src(%dma_wait3A_126 : memref<451584x128xf32, #tpu.memory_space<hbm>>) dst(%dma_wait3A_122 : memref<120x128xf32, #tpu.memory_space<vmem>>)
        %mul3A_127 = arith.constant 360 : i32
        %mul3A_128 = arith.muli %mul3A_83, %mul3A_127 : i32
        %add3A_129 = arith.constant 120 : i32
        %add3A_130 = arith.addi %mul3A_128, %add3A_129 : i32
        %dma_wait3A_131 = arith.constant 120 : i32
        %dma_wait3A_132 = arith.constant 0 : i32
        %dma_wait3A_133 = tpu.memref_slice %arg7[%dma_wait3A_131, %dma_wait3A_132] : memref<360x128xf32, #tpu.memory_space<vmem>> -> memref<120x128xf32, #tpu.memory_space<vmem>>
        %dma_wait3A_134 = tpu.memref_slice %arg6[%add3A_130] : memref<21968xi32, #tpu.memory_space<vmem>> -> memref<120xi32, #tpu.memory_space<vmem>>
        %dma_wait3A_135 = arith.constant 0 : i32
        %dma_wait3A_136 = arith.constant 0 : i32
        %dma_wait3A_137 = tpu.memref_slice %arg2[%dma_wait3A_135, %dma_wait3A_136] : memref<451584x128xf32, #tpu.memory_space<hbm>> -> memref<451584x128xf32, #tpu.memory_space<hbm>>
        tpu.wait_indirect_dma semaphore(%arg12 : memref<!tpu.dma_semaphore, #tpu.memory_space<semaphore_mem>>) src(%dma_wait3A_137 : memref<451584x128xf32, #tpu.memory_space<hbm>>) dst(%dma_wait3A_133 : memref<120x128xf32, #tpu.memory_space<vmem>>)
        %mul3A_138 = arith.constant 360 : i32
        %mul3A_139 = arith.muli %mul3A_83, %mul3A_138 : i32
        %add3A_140 = arith.constant 240 : i32
        %add3A_141 = arith.addi %mul3A_139, %add3A_140 : i32
        %dma_wait3A_142 = arith.constant 240 : i32
        %dma_wait3A_143 = arith.constant 0 : i32
        %dma_wait3A_144 = tpu.memref_slice %arg7[%dma_wait3A_142, %dma_wait3A_143] : memref<360x128xf32, #tpu.memory_space<vmem>> -> memref<120x128xf32, #tpu.memory_space<vmem>>
        %dma_wait3A_145 = tpu.memref_slice %arg6[%add3A_141] : memref<21968xi32, #tpu.memory_space<vmem>> -> memref<120xi32, #tpu.memory_space<vmem>>
        %dma_wait3A_146 = arith.constant 0 : i32
        %dma_wait3A_147 = arith.constant 0 : i32
        %dma_wait3A_148 = tpu.memref_slice %arg2[%dma_wait3A_146, %dma_wait3A_147] : memref<451584x128xf32, #tpu.memory_space<hbm>> -> memref<451584x128xf32, #tpu.memory_space<hbm>>
        tpu.wait_indirect_dma semaphore(%arg12 : memref<!tpu.dma_semaphore, #tpu.memory_space<semaphore_mem>>) src(%dma_wait3A_148 : memref<451584x128xf32, #tpu.memory_space<hbm>>) dst(%dma_wait3A_144 : memref<120x128xf32, #tpu.memory_space<vmem>>)
        %parallel_loop3A = arith.constant 0 : i32
        %parallel_loop3A_149 = arith.constant 40 : i32
        %parallel_loop3A_150 = arith.constant 1 : i32
        scf.for %parallel_loop3A_158 = %parallel_loop3A to %parallel_loop3A_149 step %parallel_loop3A_150  : i32 {
          %parallel_loop3A_159 = arith.constant 9 : i32
          %parallel_loop3A_160 = arith.muli %parallel_loop3A_158, %parallel_loop3A_159 : i32
          %parallel_loop3A_161 = arith.constant 0 : i32
          %parallel_loop3A_162 = arith.addi %parallel_loop3A_160, %parallel_loop3A_161 : i32
          %parallel_loop3A_163 = arith.index_cast %parallel_loop3A_162 : i32 to index
          %parallel_loop3A_164 = arith.constant 0 : index
          %parallel_loop3A_165 = tpu.vector_load %arg7[%parallel_loop3A_163, %parallel_loop3A_164] {strides = array<i32>} : memref<360x128xf32, #tpu.memory_space<vmem>>, vector<1x16xf32>,
          %parallel_loop3A_166 = vector.shape_cast %parallel_loop3A_165 : vector<1x16xf32> to vector<16xf32>
          %parallel_loop3A_167 = arith.addf %get3A_10, %parallel_loop3A_166 : vector<16xf32>
          %parallel_loop3A_168 = arith.index_cast %parallel_loop3A_162 : i32 to index
          %parallel_loop3A_169 = arith.constant 16 : index
          %parallel_loop3A_170 = tpu.vector_load %arg7[%parallel_loop3A_168, %parallel_loop3A_169] {strides = array<i32>} : memref<360x128xf32, #tpu.memory_space<vmem>>, vector<1x16xf32>,
          %parallel_loop3A_171 = vector.shape_cast %parallel_loop3A_170 : vector<1x16xf32> to vector<16xf32>
          %parallel_loop3A_172 = arith.addf %get3A_13, %parallel_loop3A_171 : vector<16xf32>
          %parallel_loop3A_173 = arith.index_cast %parallel_loop3A_162 : i32 to index
          %parallel_loop3A_174 = arith.constant 32 : index
          %parallel_loop3A_175 = tpu.vector_load %arg7[%parallel_loop3A_173, %parallel_loop3A_174] {strides = array<i32>} : memref<360x128xf32, #tpu.memory_space<vmem>>, vector<1x16xf32>,
          %parallel_loop3A_176 = vector.shape_cast %parallel_loop3A_175 : vector<1x16xf32> to vector<16xf32>
          %parallel_loop3A_177 = arith.addf %get3A_16, %parallel_loop3A_176 : vector<16xf32>
          %parallel_loop3A_178 = arith.index_cast %parallel_loop3A_162 : i32 to index
          %parallel_loop3A_179 = arith.constant 48 : index
          %parallel_loop3A_180 = tpu.vector_load %arg7[%parallel_loop3A_178, %parallel_loop3A_179] {strides = array<i32>} : memref<360x128xf32, #tpu.memory_space<vmem>>, vector<1x16xf32>,
          %parallel_loop3A_181 = vector.shape_cast %parallel_loop3A_180 : vector<1x16xf32> to vector<16xf32>
          %parallel_loop3A_182 = arith.addf %get3A_19, %parallel_loop3A_181 : vector<16xf32>
          %parallel_loop3A_183 = arith.index_cast %parallel_loop3A_162 : i32 to index
          %parallel_loop3A_184 = arith.constant 64 : index
          %parallel_loop3A_185 = tpu.vector_load %arg7[%parallel_loop3A_183, %parallel_loop3A_184] {strides = array<i32>} : memref<360x128xf32, #tpu.memory_space<vmem>>, vector<1x16xf32>,
          %parallel_loop3A_186 = vector.shape_cast %parallel_loop3A_185 : vector<1x16xf32> to vector<16xf32>
          %parallel_loop3A_187 = arith.addf %get3A_22, %parallel_loop3A_186 : vector<16xf32>
          %parallel_loop3A_188 = arith.index_cast %parallel_loop3A_162 : i32 to index
          %parallel_loop3A_189 = arith.constant 80 : index
          %parallel_loop3A_190 = tpu.vector_load %arg7[%parallel_loop3A_188, %parallel_loop3A_189] {strides = array<i32>} : memref<360x128xf32, #tpu.memory_space<vmem>>, vector<1x16xf32>,
          %parallel_loop3A_191 = vector.shape_cast %parallel_loop3A_190 : vector<1x16xf32> to vector<16xf32>
          %parallel_loop3A_192 = arith.addf %get3A_25, %parallel_loop3A_191 : vector<16xf32>
          %parallel_loop3A_193 = arith.index_cast %parallel_loop3A_162 : i32 to index
          %parallel_loop3A_194 = arith.constant 96 : index
          %parallel_loop3A_195 = tpu.vector_load %arg7[%parallel_loop3A_193, %parallel_loop3A_194] {strides = array<i32>} : memref<360x128xf32, #tpu.memory_space<vmem>>, vector<1x16xf32>,
          %parallel_loop3A_196 = vector.shape_cast %parallel_loop3A_195 : vector<1x16xf32> to vector<16xf32>
          %parallel_loop3A_197 = arith.addf %get3A_28, %parallel_loop3A_196 : vector<16xf32>
          %parallel_loop3A_198 = arith.index_cast %parallel_loop3A_162 : i32 to index
          %parallel_loop3A_199 = arith.constant 112 : index
          %parallel_loop3A_200 = tpu.vector_load %arg7[%parallel_loop3A_198, %parallel_loop3A_199] {strides = array<i32>} : memref<360x128xf32, #tpu.memory_space<vmem>>, vector<1x16xf32>,
          %parallel_loop3A_201 = vector.shape_cast %parallel_loop3A_200 : vector<1x16xf32> to vector<16xf32>
          %parallel_loop3A_202 = arith.addf %get3A_31, %parallel_loop3A_201 : vector<16xf32>
          %parallel_loop3A_203 = arith.constant 9 : i32
          %parallel_loop3A_204 = arith.muli %parallel_loop3A_158, %parallel_loop3A_203 : i32
          %parallel_loop3A_205 = arith.constant 1 : i32
          %parallel_loop3A_206 = arith.addi %parallel_loop3A_204, %parallel_loop3A_205 : i32
          %parallel_loop3A_207 = arith.index_cast %parallel_loop3A_206 : i32 to index
          %parallel_loop3A_208 = arith.constant 0 : index
          %parallel_loop3A_209 = tpu.vector_load %arg7[%parallel_loop3A_207, %parallel_loop3A_208] {strides = array<i32>} : memref<360x128xf32, #tpu.memory_space<vmem>>, vector<1x16xf32>,
          %parallel_loop3A_210 = vector.shape_cast %parallel_loop3A_209 : vector<1x16xf32> to vector<16xf32>
          %parallel_loop3A_211 = arith.addf %parallel_loop3A_167, %parallel_loop3A_210 : vector<16xf32>
          %parallel_loop3A_212 = arith.index_cast %parallel_loop3A_206 : i32 to index
          %parallel_loop3A_213 = arith.constant 16 : index
          %parallel_loop3A_214 = tpu.vector_load %arg7[%parallel_loop3A_212, %parallel_loop3A_213] {strides = array<i32>} : memref<360x128xf32, #tpu.memory_space<vmem>>, vector<1x16xf32>,
          %parallel_loop3A_215 = vector.shape_cast %parallel_loop3A_214 : vector<1x16xf32> to vector<16xf32>
          %parallel_loop3A_216 = arith.addf %parallel_loop3A_172, %parallel_loop3A_215 : vector<16xf32>
          %parallel_loop3A_217 = arith.index_cast %parallel_loop3A_206 : i32 to index
          %parallel_loop3A_218 = arith.constant 32 : index
          %parallel_loop3A_219 = tpu.vector_load %arg7[%parallel_loop3A_217, %parallel_loop3A_218] {strides = array<i32>} : memref<360x128xf32, #tpu.memory_space<vmem>>, vector<1x16xf32>,
          %parallel_loop3A_220 = vector.shape_cast %parallel_loop3A_219 : vector<1x16xf32> to vector<16xf32>
          %parallel_loop3A_221 = arith.addf %parallel_loop3A_177, %parallel_loop3A_220 : vector<16xf32>
          %parallel_loop3A_222 = arith.index_cast %parallel_loop3A_206 : i32 to index
          %parallel_loop3A_223 = arith.constant 48 : index
          %parallel_loop3A_224 = tpu.vector_load %arg7[%parallel_loop3A_222, %parallel_loop3A_223] {strides = array<i32>} : memref<360x128xf32, #tpu.memory_space<vmem>>, vector<1x16xf32>,
          %parallel_loop3A_225 = vector.shape_cast %parallel_loop3A_224 : vector<1x16xf32> to vector<16xf32>
          %parallel_loop3A_226 = arith.addf %parallel_loop3A_182, %parallel_loop3A_225 : vector<16xf32>
          %parallel_loop3A_227 = arith.index_cast %parallel_loop3A_206 : i32 to index
          %parallel_loop3A_228 = arith.constant 64 : index
          %parallel_loop3A_229 = tpu.vector_load %arg7[%parallel_loop3A_227, %parallel_loop3A_228] {strides = array<i32>} : memref<360x128xf32, #tpu.memory_space<vmem>>, vector<1x16xf32>,
          %parallel_loop3A_230 = vector.shape_cast %parallel_loop3A_229 : vector<1x16xf32> to vector<16xf32>
          %parallel_loop3A_231 = arith.addf %parallel_loop3A_187, %parallel_loop3A_230 : vector<16xf32>
          %parallel_loop3A_232 = arith.index_cast %parallel_loop3A_206 : i32 to index
          %parallel_loop3A_233 = arith.constant 80 : index
          %parallel_loop3A_234 = tpu.vector_load %arg7[%parallel_loop3A_232, %parallel_loop3A_233] {strides = array<i32>} : memref<360x128xf32, #tpu.memory_space<vmem>>, vector<1x16xf32>,
          %parallel_loop3A_235 = vector.shape_cast %parallel_loop3A_234 : vector<1x16xf32> to vector<16xf32>
          %parallel_loop3A_236 = arith.addf %parallel_loop3A_192, %parallel_loop3A_235 : vector<16xf32>
          %parallel_loop3A_237 = arith.index_cast %parallel_loop3A_206 : i32 to index
          %parallel_loop3A_238 = arith.constant 96 : index
          %parallel_loop3A_239 = tpu.vector_load %arg7[%parallel_loop3A_237, %parallel_loop3A_238] {strides = array<i32>} : memref<360x128xf32, #tpu.memory_space<vmem>>, vector<1x16xf32>,
          %parallel_loop3A_240 = vector.shape_cast %parallel_loop3A_239 : vector<1x16xf32> to vector<16xf32>
          %parallel_loop3A_241 = arith.addf %parallel_loop3A_197, %parallel_loop3A_240 : vector<16xf32>
          %parallel_loop3A_242 = arith.index_cast %parallel_loop3A_206 : i32 to index
          %parallel_loop3A_243 = arith.constant 112 : index
          %parallel_loop3A_244 = tpu.vector_load %arg7[%parallel_loop3A_242, %parallel_loop3A_243] {strides = array<i32>} : memref<360x128xf32, #tpu.memory_space<vmem>>, vector<1x16xf32>,
          %parallel_loop3A_245 = vector.shape_cast %parallel_loop3A_244 : vector<1x16xf32> to vector<16xf32>
          %parallel_loop3A_246 = arith.addf %parallel_loop3A_202, %parallel_loop3A_245 : vector<16xf32>
          %parallel_loop3A_247 = arith.constant 9 : i32
          %parallel_loop3A_248 = arith.muli %parallel_loop3A_158, %parallel_loop3A_247 : i32
          %parallel_loop3A_249 = arith.constant 2 : i32
          %parallel_loop3A_250 = arith.addi %parallel_loop3A_248, %parallel_loop3A_249 : i32
          %parallel_loop3A_251 = arith.index_cast %parallel_loop3A_250 : i32 to index
          %parallel_loop3A_252 = arith.constant 0 : index
          %parallel_loop3A_253 = tpu.vector_load %arg7[%parallel_loop3A_251, %parallel_loop3A_252] {strides = array<i32>} : memref<360x128xf32, #tpu.memory_space<vmem>>, vector<1x16xf32>,
          %parallel_loop3A_254 = vector.shape_cast %parallel_loop3A_253 : vector<1x16xf32> to vector<16xf32>
          %parallel_loop3A_255 = arith.addf %parallel_loop3A_211, %parallel_loop3A_254 : vector<16xf32>
          %parallel_loop3A_256 = arith.index_cast %parallel_loop3A_250 : i32 to index
          %parallel_loop3A_257 = arith.constant 16 : index
          %parallel_loop3A_258 = tpu.vector_load %arg7[%parallel_loop3A_256, %parallel_loop3A_257] {strides = array<i32>} : memref<360x128xf32, #tpu.memory_space<vmem>>, vector<1x16xf32>,
          %parallel_loop3A_259 = vector.shape_cast %parallel_loop3A_258 : vector<1x16xf32> to vector<16xf32>
          %parallel_loop3A_260 = arith.addf %parallel_loop3A_216, %parallel_loop3A_259 : vector<16xf32>
          %parallel_loop3A_261 = arith.index_cast %parallel_loop3A_250 : i32 to index
          %parallel_loop3A_262 = arith.constant 32 : index
          %parallel_loop3A_263 = tpu.vector_load %arg7[%parallel_loop3A_261, %parallel_loop3A_262] {strides = array<i32>} : memref<360x128xf32, #tpu.memory_space<vmem>>, vector<1x16xf32>,
          %parallel_loop3A_264 = vector.shape_cast %parallel_loop3A_263 : vector<1x16xf32> to vector<16xf32>
          %parallel_loop3A_265 = arith.addf %parallel_loop3A_221, %parallel_loop3A_264 : vector<16xf32>
          %parallel_loop3A_266 = arith.index_cast %parallel_loop3A_250 : i32 to index
          %parallel_loop3A_267 = arith.constant 48 : index
          %parallel_loop3A_268 = tpu.vector_load %arg7[%parallel_loop3A_266, %parallel_loop3A_267] {strides = array<i32>} : memref<360x128xf32, #tpu.memory_space<vmem>>, vector<1x16xf32>,
          %parallel_loop3A_269 = vector.shape_cast %parallel_loop3A_268 : vector<1x16xf32> to vector<16xf32>
          %parallel_loop3A_270 = arith.addf %parallel_loop3A_226, %parallel_loop3A_269 : vector<16xf32>
          %parallel_loop3A_271 = arith.index_cast %parallel_loop3A_250 : i32 to index
          %parallel_loop3A_272 = arith.constant 64 : index
          %parallel_loop3A_273 = tpu.vector_load %arg7[%parallel_loop3A_271, %parallel_loop3A_272] {strides = array<i32>} : memref<360x128xf32, #tpu.memory_space<vmem>>, vector<1x16xf32>,
          %parallel_loop3A_274 = vector.shape_cast %parallel_loop3A_273 : vector<1x16xf32> to vector<16xf32>
          %parallel_loop3A_275 = arith.addf %parallel_loop3A_231, %parallel_loop3A_274 : vector<16xf32>
          %parallel_loop3A_276 = arith.index_cast %parallel_loop3A_250 : i32 to index
          %parallel_loop3A_277 = arith.constant 80 : index
          %parallel_loop3A_278 = tpu.vector_load %arg7[%parallel_loop3A_276, %parallel_loop3A_277] {strides = array<i32>} : memref<360x128xf32, #tpu.memory_space<vmem>>, vector<1x16xf32>,
          %parallel_loop3A_279 = vector.shape_cast %parallel_loop3A_278 : vector<1x16xf32> to vector<16xf32>
          %parallel_loop3A_280 = arith.addf %parallel_loop3A_236, %parallel_loop3A_279 : vector<16xf32>
          %parallel_loop3A_281 = arith.index_cast %parallel_loop3A_250 : i32 to index
          %parallel_loop3A_282 = arith.constant 96 : index
          %parallel_loop3A_283 = tpu.vector_load %arg7[%parallel_loop3A_281, %parallel_loop3A_282] {strides = array<i32>} : memref<360x128xf32, #tpu.memory_space<vmem>>, vector<1x16xf32>,
          %parallel_loop3A_284 = vector.shape_cast %parallel_loop3A_283 : vector<1x16xf32> to vector<16xf32>
          %parallel_loop3A_285 = arith.addf %parallel_loop3A_241, %parallel_loop3A_284 : vector<16xf32>
          %parallel_loop3A_286 = arith.index_cast %parallel_loop3A_250 : i32 to index
          %parallel_loop3A_287 = arith.constant 112 : index
          %parallel_loop3A_288 = tpu.vector_load %arg7[%parallel_loop3A_286, %parallel_loop3A_287] {strides = array<i32>} : memref<360x128xf32, #tpu.memory_space<vmem>>, vector<1x16xf32>,
          %parallel_loop3A_289 = vector.shape_cast %parallel_loop3A_288 : vector<1x16xf32> to vector<16xf32>
          %parallel_loop3A_290 = arith.addf %parallel_loop3A_246, %parallel_loop3A_289 : vector<16xf32>
          %parallel_loop3A_291 = arith.constant 9 : i32
          %parallel_loop3A_292 = arith.muli %parallel_loop3A_158, %parallel_loop3A_291 : i32
          %parallel_loop3A_293 = arith.constant 3 : i32
          %parallel_loop3A_294 = arith.addi %parallel_loop3A_292, %parallel_loop3A_293 : i32
          %parallel_loop3A_295 = arith.index_cast %parallel_loop3A_294 : i32 to index
          %parallel_loop3A_296 = arith.constant 0 : index
          %parallel_loop3A_297 = tpu.vector_load %arg7[%parallel_loop3A_295, %parallel_loop3A_296] {strides = array<i32>} : memref<360x128xf32, #tpu.memory_space<vmem>>, vector<1x16xf32>,
          %parallel_loop3A_298 = vector.shape_cast %parallel_loop3A_297 : vector<1x16xf32> to vector<16xf32>
          %parallel_loop3A_299 = arith.addf %parallel_loop3A_255, %parallel_loop3A_298 : vector<16xf32>
          %parallel_loop3A_300 = arith.index_cast %parallel_loop3A_294 : i32 to index
          %parallel_loop3A_301 = arith.constant 16 : index
          %parallel_loop3A_302 = tpu.vector_load %arg7[%parallel_loop3A_300, %parallel_loop3A_301] {strides = array<i32>} : memref<360x128xf32, #tpu.memory_space<vmem>>, vector<1x16xf32>,
          %parallel_loop3A_303 = vector.shape_cast %parallel_loop3A_302 : vector<1x16xf32> to vector<16xf32>
          %parallel_loop3A_304 = arith.addf %parallel_loop3A_260, %parallel_loop3A_303 : vector<16xf32>
          %parallel_loop3A_305 = arith.index_cast %parallel_loop3A_294 : i32 to index
          %parallel_loop3A_306 = arith.constant 32 : index
          %parallel_loop3A_307 = tpu.vector_load %arg7[%parallel_loop3A_305, %parallel_loop3A_306] {strides = array<i32>} : memref<360x128xf32, #tpu.memory_space<vmem>>, vector<1x16xf32>,
          %parallel_loop3A_308 = vector.shape_cast %parallel_loop3A_307 : vector<1x16xf32> to vector<16xf32>
          %parallel_loop3A_309 = arith.addf %parallel_loop3A_265, %parallel_loop3A_308 : vector<16xf32>
          %parallel_loop3A_310 = arith.index_cast %parallel_loop3A_294 : i32 to index
          %parallel_loop3A_311 = arith.constant 48 : index
          %parallel_loop3A_312 = tpu.vector_load %arg7[%parallel_loop3A_310, %parallel_loop3A_311] {strides = array<i32>} : memref<360x128xf32, #tpu.memory_space<vmem>>, vector<1x16xf32>,
          %parallel_loop3A_313 = vector.shape_cast %parallel_loop3A_312 : vector<1x16xf32> to vector<16xf32>
          %parallel_loop3A_314 = arith.addf %parallel_loop3A_270, %parallel_loop3A_313 : vector<16xf32>
          %parallel_loop3A_315 = arith.index_cast %parallel_loop3A_294 : i32 to index
          %parallel_loop3A_316 = arith.constant 64 : index
          %parallel_loop3A_317 = tpu.vector_load %arg7[%parallel_loop3A_315, %parallel_loop3A_316] {strides = array<i32>} : memref<360x128xf32, #tpu.memory_space<vmem>>, vector<1x16xf32>,
          %parallel_loop3A_318 = vector.shape_cast %parallel_loop3A_317 : vector<1x16xf32> to vector<16xf32>
          %parallel_loop3A_319 = arith.addf %parallel_loop3A_275, %parallel_loop3A_318 : vector<16xf32>
          %parallel_loop3A_320 = arith.index_cast %parallel_loop3A_294 : i32 to index
          %parallel_loop3A_321 = arith.constant 80 : index
          %parallel_loop3A_322 = tpu.vector_load %arg7[%parallel_loop3A_320, %parallel_loop3A_321] {strides = array<i32>} : memref<360x128xf32, #tpu.memory_space<vmem>>, vector<1x16xf32>,
          %parallel_loop3A_323 = vector.shape_cast %parallel_loop3A_322 : vector<1x16xf32> to vector<16xf32>
          %parallel_loop3A_324 = arith.addf %parallel_loop3A_280, %parallel_loop3A_323 : vector<16xf32>
          %parallel_loop3A_325 = arith.index_cast %parallel_loop3A_294 : i32 to index
          %parallel_loop3A_326 = arith.constant 96 : index
          %parallel_loop3A_327 = tpu.vector_load %arg7[%parallel_loop3A_325, %parallel_loop3A_326] {strides = array<i32>} : memref<360x128xf32, #tpu.memory_space<vmem>>, vector<1x16xf32>,
          %parallel_loop3A_328 = vector.shape_cast %parallel_loop3A_327 : vector<1x16xf32> to vector<16xf32>
          %parallel_loop3A_329 = arith.addf %parallel_loop3A_285, %parallel_loop3A_328 : vector<16xf32>
          %parallel_loop3A_330 = arith.index_cast %parallel_loop3A_294 : i32 to index
          %parallel_loop3A_331 = arith.constant 112 : index
          %parallel_loop3A_332 = tpu.vector_load %arg7[%parallel_loop3A_330, %parallel_loop3A_331] {strides = array<i32>} : memref<360x128xf32, #tpu.memory_space<vmem>>, vector<1x16xf32>,
          %parallel_loop3A_333 = vector.shape_cast %parallel_loop3A_332 : vector<1x16xf32> to vector<16xf32>
          %parallel_loop3A_334 = arith.addf %parallel_loop3A_290, %parallel_loop3A_333 : vector<16xf32>
          %parallel_loop3A_335 = arith.constant 9 : i32
          %parallel_loop3A_336 = arith.muli %parallel_loop3A_158, %parallel_loop3A_335 : i32
          %parallel_loop3A_337 = arith.constant 4 : i32
          %parallel_loop3A_338 = arith.addi %parallel_loop3A_336, %parallel_loop3A_337 : i32
          %parallel_loop3A_339 = arith.index_cast %parallel_loop3A_338 : i32 to index
          %parallel_loop3A_340 = arith.constant 0 : index
          %parallel_loop3A_341 = tpu.vector_load %arg7[%parallel_loop3A_339, %parallel_loop3A_340] {strides = array<i32>} : memref<360x128xf32, #tpu.memory_space<vmem>>, vector<1x16xf32>,
          %parallel_loop3A_342 = vector.shape_cast %parallel_loop3A_341 : vector<1x16xf32> to vector<16xf32>
          %parallel_loop3A_343 = arith.addf %parallel_loop3A_299, %parallel_loop3A_342 : vector<16xf32>
          %parallel_loop3A_344 = arith.index_cast %parallel_loop3A_338 : i32 to index
          %parallel_loop3A_345 = arith.constant 16 : index
          %parallel_loop3A_346 = tpu.vector_load %arg7[%parallel_loop3A_344, %parallel_loop3A_345] {strides = array<i32>} : memref<360x128xf32, #tpu.memory_space<vmem>>, vector<1x16xf32>,
          %parallel_loop3A_347 = vector.shape_cast %parallel_loop3A_346 : vector<1x16xf32> to vector<16xf32>
          %parallel_loop3A_348 = arith.addf %parallel_loop3A_304, %parallel_loop3A_347 : vector<16xf32>
          %parallel_loop3A_349 = arith.index_cast %parallel_loop3A_338 : i32 to index
          %parallel_loop3A_350 = arith.constant 32 : index
          %parallel_loop3A_351 = tpu.vector_load %arg7[%parallel_loop3A_349, %parallel_loop3A_350] {strides = array<i32>} : memref<360x128xf32, #tpu.memory_space<vmem>>, vector<1x16xf32>,
          %parallel_loop3A_352 = vector.shape_cast %parallel_loop3A_351 : vector<1x16xf32> to vector<16xf32>
          %parallel_loop3A_353 = arith.addf %parallel_loop3A_309, %parallel_loop3A_352 : vector<16xf32>
          %parallel_loop3A_354 = arith.index_cast %parallel_loop3A_338 : i32 to index
          %parallel_loop3A_355 = arith.constant 48 : index
          %parallel_loop3A_356 = tpu.vector_load %arg7[%parallel_loop3A_354, %parallel_loop3A_355] {strides = array<i32>} : memref<360x128xf32, #tpu.memory_space<vmem>>, vector<1x16xf32>,
          %parallel_loop3A_357 = vector.shape_cast %parallel_loop3A_356 : vector<1x16xf32> to vector<16xf32>
          %parallel_loop3A_358 = arith.addf %parallel_loop3A_314, %parallel_loop3A_357 : vector<16xf32>
          %parallel_loop3A_359 = arith.index_cast %parallel_loop3A_338 : i32 to index
          %parallel_loop3A_360 = arith.constant 64 : index
          %parallel_loop3A_361 = tpu.vector_load %arg7[%parallel_loop3A_359, %parallel_loop3A_360] {strides = array<i32>} : memref<360x128xf32, #tpu.memory_space<vmem>>, vector<1x16xf32>,
          %parallel_loop3A_362 = vector.shape_cast %parallel_loop3A_361 : vector<1x16xf32> to vector<16xf32>
          %parallel_loop3A_363 = arith.addf %parallel_loop3A_319, %parallel_loop3A_362 : vector<16xf32>
          %parallel_loop3A_364 = arith.index_cast %parallel_loop3A_338 : i32 to index
          %parallel_loop3A_365 = arith.constant 80 : index
          %parallel_loop3A_366 = tpu.vector_load %arg7[%parallel_loop3A_364, %parallel_loop3A_365] {strides = array<i32>} : memref<360x128xf32, #tpu.memory_space<vmem>>, vector<1x16xf32>,
          %parallel_loop3A_367 = vector.shape_cast %parallel_loop3A_366 : vector<1x16xf32> to vector<16xf32>
          %parallel_loop3A_368 = arith.addf %parallel_loop3A_324, %parallel_loop3A_367 : vector<16xf32>
          %parallel_loop3A_369 = arith.index_cast %parallel_loop3A_338 : i32 to index
          %parallel_loop3A_370 = arith.constant 96 : index
          %parallel_loop3A_371 = tpu.vector_load %arg7[%parallel_loop3A_369, %parallel_loop3A_370] {strides = array<i32>} : memref<360x128xf32, #tpu.memory_space<vmem>>, vector<1x16xf32>,
          %parallel_loop3A_372 = vector.shape_cast %parallel_loop3A_371 : vector<1x16xf32> to vector<16xf32>
          %parallel_loop3A_373 = arith.addf %parallel_loop3A_329, %parallel_loop3A_372 : vector<16xf32>
          %parallel_loop3A_374 = arith.index_cast %parallel_loop3A_338 : i32 to index
          %parallel_loop3A_375 = arith.constant 112 : index
          %parallel_loop3A_376 = tpu.vector_load %arg7[%parallel_loop3A_374, %parallel_loop3A_375] {strides = array<i32>} : memref<360x128xf32, #tpu.memory_space<vmem>>, vector<1x16xf32>,
          %parallel_loop3A_377 = vector.shape_cast %parallel_loop3A_376 : vector<1x16xf32> to vector<16xf32>
          %parallel_loop3A_378 = arith.addf %parallel_loop3A_334, %parallel_loop3A_377 : vector<16xf32>
          %parallel_loop3A_379 = arith.constant 9 : i32
          %parallel_loop3A_380 = arith.muli %parallel_loop3A_158, %parallel_loop3A_379 : i32
          %parallel_loop3A_381 = arith.constant 5 : i32
          %parallel_loop3A_382 = arith.addi %parallel_loop3A_380, %parallel_loop3A_381 : i32
          %parallel_loop3A_383 = arith.index_cast %parallel_loop3A_382 : i32 to index
          %parallel_loop3A_384 = arith.constant 0 : index
          %parallel_loop3A_385 = tpu.vector_load %arg7[%parallel_loop3A_383, %parallel_loop3A_384] {strides = array<i32>} : memref<360x128xf32, #tpu.memory_space<vmem>>, vector<1x16xf32>,
          %parallel_loop3A_386 = vector.shape_cast %parallel_loop3A_385 : vector<1x16xf32> to vector<16xf32>
          %parallel_loop3A_387 = arith.addf %parallel_loop3A_343, %parallel_loop3A_386 : vector<16xf32>
          %parallel_loop3A_388 = arith.index_cast %parallel_loop3A_382 : i32 to index
          %parallel_loop3A_389 = arith.constant 16 : index
          %parallel_loop3A_390 = tpu.vector_load %arg7[%parallel_loop3A_388, %parallel_loop3A_389] {strides = array<i32>} : memref<360x128xf32, #tpu.memory_space<vmem>>, vector<1x16xf32>,
          %parallel_loop3A_391 = vector.shape_cast %parallel_loop3A_390 : vector<1x16xf32> to vector<16xf32>
          %parallel_loop3A_392 = arith.addf %parallel_loop3A_348, %parallel_loop3A_391 : vector<16xf32>
          %parallel_loop3A_393 = arith.index_cast %parallel_loop3A_382 : i32 to index
          %parallel_loop3A_394 = arith.constant 32 : index
          %parallel_loop3A_395 = tpu.vector_load %arg7[%parallel_loop3A_393, %parallel_loop3A_394] {strides = array<i32>} : memref<360x128xf32, #tpu.memory_space<vmem>>, vector<1x16xf32>,
          %parallel_loop3A_396 = vector.shape_cast %parallel_loop3A_395 : vector<1x16xf32> to vector<16xf32>
          %parallel_loop3A_397 = arith.addf %parallel_loop3A_353, %parallel_loop3A_396 : vector<16xf32>
          %parallel_loop3A_398 = arith.index_cast %parallel_loop3A_382 : i32 to index
          %parallel_loop3A_399 = arith.constant 48 : index
          %parallel_loop3A_400 = tpu.vector_load %arg7[%parallel_loop3A_398, %parallel_loop3A_399] {strides = array<i32>} : memref<360x128xf32, #tpu.memory_space<vmem>>, vector<1x16xf32>,
          %parallel_loop3A_401 = vector.shape_cast %parallel_loop3A_400 : vector<1x16xf32> to vector<16xf32>
          %parallel_loop3A_402 = arith.addf %parallel_loop3A_358, %parallel_loop3A_401 : vector<16xf32>
          %parallel_loop3A_403 = arith.index_cast %parallel_loop3A_382 : i32 to index
          %parallel_loop3A_404 = arith.constant 64 : index
          %parallel_loop3A_405 = tpu.vector_load %arg7[%parallel_loop3A_403, %parallel_loop3A_404] {strides = array<i32>} : memref<360x128xf32, #tpu.memory_space<vmem>>, vector<1x16xf32>,
          %parallel_loop3A_406 = vector.shape_cast %parallel_loop3A_405 : vector<1x16xf32> to vector<16xf32>
          %parallel_loop3A_407 = arith.addf %parallel_loop3A_363, %parallel_loop3A_406 : vector<16xf32>
          %parallel_loop3A_408 = arith.index_cast %parallel_loop3A_382 : i32 to index
          %parallel_loop3A_409 = arith.constant 80 : index
          %parallel_loop3A_410 = tpu.vector_load %arg7[%parallel_loop3A_408, %parallel_loop3A_409] {strides = array<i32>} : memref<360x128xf32, #tpu.memory_space<vmem>>, vector<1x16xf32>,
          %parallel_loop3A_411 = vector.shape_cast %parallel_loop3A_410 : vector<1x16xf32> to vector<16xf32>
          %parallel_loop3A_412 = arith.addf %parallel_loop3A_368, %parallel_loop3A_411 : vector<16xf32>
          %parallel_loop3A_413 = arith.index_cast %parallel_loop3A_382 : i32 to index
          %parallel_loop3A_414 = arith.constant 96 : index
          %parallel_loop3A_415 = tpu.vector_load %arg7[%parallel_loop3A_413, %parallel_loop3A_414] {strides = array<i32>} : memref<360x128xf32, #tpu.memory_space<vmem>>, vector<1x16xf32>,
          %parallel_loop3A_416 = vector.shape_cast %parallel_loop3A_415 : vector<1x16xf32> to vector<16xf32>
          %parallel_loop3A_417 = arith.addf %parallel_loop3A_373, %parallel_loop3A_416 : vector<16xf32>
          %parallel_loop3A_418 = arith.index_cast %parallel_loop3A_382 : i32 to index
          %parallel_loop3A_419 = arith.constant 112 : index
          %parallel_loop3A_420 = tpu.vector_load %arg7[%parallel_loop3A_418, %parallel_loop3A_419] {strides = array<i32>} : memref<360x128xf32, #tpu.memory_space<vmem>>, vector<1x16xf32>,
          %parallel_loop3A_421 = vector.shape_cast %parallel_loop3A_420 : vector<1x16xf32> to vector<16xf32>
          %parallel_loop3A_422 = arith.addf %parallel_loop3A_378, %parallel_loop3A_421 : vector<16xf32>
          %parallel_loop3A_423 = arith.constant 9 : i32
          %parallel_loop3A_424 = arith.muli %parallel_loop3A_158, %parallel_loop3A_423 : i32
          %parallel_loop3A_425 = arith.constant 6 : i32
          %parallel_loop3A_426 = arith.addi %parallel_loop3A_424, %parallel_loop3A_425 : i32
          %parallel_loop3A_427 = arith.index_cast %parallel_loop3A_426 : i32 to index
          %parallel_loop3A_428 = arith.constant 0 : index
          %parallel_loop3A_429 = tpu.vector_load %arg7[%parallel_loop3A_427, %parallel_loop3A_428] {strides = array<i32>} : memref<360x128xf32, #tpu.memory_space<vmem>>, vector<1x16xf32>,
          %parallel_loop3A_430 = vector.shape_cast %parallel_loop3A_429 : vector<1x16xf32> to vector<16xf32>
          %parallel_loop3A_431 = arith.addf %parallel_loop3A_387, %parallel_loop3A_430 : vector<16xf32>
          %parallel_loop3A_432 = arith.index_cast %parallel_loop3A_426 : i32 to index
          %parallel_loop3A_433 = arith.constant 16 : index
          %parallel_loop3A_434 = tpu.vector_load %arg7[%parallel_loop3A_432, %parallel_loop3A_433] {strides = array<i32>} : memref<360x128xf32, #tpu.memory_space<vmem>>, vector<1x16xf32>,
          %parallel_loop3A_435 = vector.shape_cast %parallel_loop3A_434 : vector<1x16xf32> to vector<16xf32>
          %parallel_loop3A_436 = arith.addf %parallel_loop3A_392, %parallel_loop3A_435 : vector<16xf32>
          %parallel_loop3A_437 = arith.index_cast %parallel_loop3A_426 : i32 to index
          %parallel_loop3A_438 = arith.constant 32 : index
          %parallel_loop3A_439 = tpu.vector_load %arg7[%parallel_loop3A_437, %parallel_loop3A_438] {strides = array<i32>} : memref<360x128xf32, #tpu.memory_space<vmem>>, vector<1x16xf32>,
          %parallel_loop3A_440 = vector.shape_cast %parallel_loop3A_439 : vector<1x16xf32> to vector<16xf32>
          %parallel_loop3A_441 = arith.addf %parallel_loop3A_397, %parallel_loop3A_440 : vector<16xf32>
          %parallel_loop3A_442 = arith.index_cast %parallel_loop3A_426 : i32 to index
          %parallel_loop3A_443 = arith.constant 48 : index
          %parallel_loop3A_444 = tpu.vector_load %arg7[%parallel_loop3A_442, %parallel_loop3A_443] {strides = array<i32>} : memref<360x128xf32, #tpu.memory_space<vmem>>, vector<1x16xf32>,
          %parallel_loop3A_445 = vector.shape_cast %parallel_loop3A_444 : vector<1x16xf32> to vector<16xf32>
          %parallel_loop3A_446 = arith.addf %parallel_loop3A_402, %parallel_loop3A_445 : vector<16xf32>
          %parallel_loop3A_447 = arith.index_cast %parallel_loop3A_426 : i32 to index
          %parallel_loop3A_448 = arith.constant 64 : index
          %parallel_loop3A_449 = tpu.vector_load %arg7[%parallel_loop3A_447, %parallel_loop3A_448] {strides = array<i32>} : memref<360x128xf32, #tpu.memory_space<vmem>>, vector<1x16xf32>,
          %parallel_loop3A_450 = vector.shape_cast %parallel_loop3A_449 : vector<1x16xf32> to vector<16xf32>
          %parallel_loop3A_451 = arith.addf %parallel_loop3A_407, %parallel_loop3A_450 : vector<16xf32>
          %parallel_loop3A_452 = arith.index_cast %parallel_loop3A_426 : i32 to index
          %parallel_loop3A_453 = arith.constant 80 : index
          %parallel_loop3A_454 = tpu.vector_load %arg7[%parallel_loop3A_452, %parallel_loop3A_453] {strides = array<i32>} : memref<360x128xf32, #tpu.memory_space<vmem>>, vector<1x16xf32>,
          %parallel_loop3A_455 = vector.shape_cast %parallel_loop3A_454 : vector<1x16xf32> to vector<16xf32>
          %parallel_loop3A_456 = arith.addf %parallel_loop3A_412, %parallel_loop3A_455 : vector<16xf32>
          %parallel_loop3A_457 = arith.index_cast %parallel_loop3A_426 : i32 to index
          %parallel_loop3A_458 = arith.constant 96 : index
          %parallel_loop3A_459 = tpu.vector_load %arg7[%parallel_loop3A_457, %parallel_loop3A_458] {strides = array<i32>} : memref<360x128xf32, #tpu.memory_space<vmem>>, vector<1x16xf32>,
          %parallel_loop3A_460 = vector.shape_cast %parallel_loop3A_459 : vector<1x16xf32> to vector<16xf32>
          %parallel_loop3A_461 = arith.addf %parallel_loop3A_417, %parallel_loop3A_460 : vector<16xf32>
          %parallel_loop3A_462 = arith.index_cast %parallel_loop3A_426 : i32 to index
          %parallel_loop3A_463 = arith.constant 112 : index
          %parallel_loop3A_464 = tpu.vector_load %arg7[%parallel_loop3A_462, %parallel_loop3A_463] {strides = array<i32>} : memref<360x128xf32, #tpu.memory_space<vmem>>, vector<1x16xf32>,
          %parallel_loop3A_465 = vector.shape_cast %parallel_loop3A_464 : vector<1x16xf32> to vector<16xf32>
          %parallel_loop3A_466 = arith.addf %parallel_loop3A_422, %parallel_loop3A_465 : vector<16xf32>
          %parallel_loop3A_467 = arith.constant 9 : i32
          %parallel_loop3A_468 = arith.muli %parallel_loop3A_158, %parallel_loop3A_467 : i32
          %parallel_loop3A_469 = arith.constant 7 : i32
          %parallel_loop3A_470 = arith.addi %parallel_loop3A_468, %parallel_loop3A_469 : i32
          %parallel_loop3A_471 = arith.index_cast %parallel_loop3A_470 : i32 to index
          %parallel_loop3A_472 = arith.constant 0 : index
          %parallel_loop3A_473 = tpu.vector_load %arg7[%parallel_loop3A_471, %parallel_loop3A_472] {strides = array<i32>} : memref<360x128xf32, #tpu.memory_space<vmem>>, vector<1x16xf32>,
          %parallel_loop3A_474 = vector.shape_cast %parallel_loop3A_473 : vector<1x16xf32> to vector<16xf32>
          %parallel_loop3A_475 = arith.addf %parallel_loop3A_431, %parallel_loop3A_474 : vector<16xf32>
          %parallel_loop3A_476 = arith.index_cast %parallel_loop3A_470 : i32 to index
          %parallel_loop3A_477 = arith.constant 16 : index
          %parallel_loop3A_478 = tpu.vector_load %arg7[%parallel_loop3A_476, %parallel_loop3A_477] {strides = array<i32>} : memref<360x128xf32, #tpu.memory_space<vmem>>, vector<1x16xf32>,
          %parallel_loop3A_479 = vector.shape_cast %parallel_loop3A_478 : vector<1x16xf32> to vector<16xf32>
          %parallel_loop3A_480 = arith.addf %parallel_loop3A_436, %parallel_loop3A_479 : vector<16xf32>
          %parallel_loop3A_481 = arith.index_cast %parallel_loop3A_470 : i32 to index
          %parallel_loop3A_482 = arith.constant 32 : index
          %parallel_loop3A_483 = tpu.vector_load %arg7[%parallel_loop3A_481, %parallel_loop3A_482] {strides = array<i32>} : memref<360x128xf32, #tpu.memory_space<vmem>>, vector<1x16xf32>,
          %parallel_loop3A_484 = vector.shape_cast %parallel_loop3A_483 : vector<1x16xf32> to vector<16xf32>
          %parallel_loop3A_485 = arith.addf %parallel_loop3A_441, %parallel_loop3A_484 : vector<16xf32>
          %parallel_loop3A_486 = arith.index_cast %parallel_loop3A_470 : i32 to index
          %parallel_loop3A_487 = arith.constant 48 : index
          %parallel_loop3A_488 = tpu.vector_load %arg7[%parallel_loop3A_486, %parallel_loop3A_487] {strides = array<i32>} : memref<360x128xf32, #tpu.memory_space<vmem>>, vector<1x16xf32>,
          %parallel_loop3A_489 = vector.shape_cast %parallel_loop3A_488 : vector<1x16xf32> to vector<16xf32>
          %parallel_loop3A_490 = arith.addf %parallel_loop3A_446, %parallel_loop3A_489 : vector<16xf32>
          %parallel_loop3A_491 = arith.index_cast %parallel_loop3A_470 : i32 to index
          %parallel_loop3A_492 = arith.constant 64 : index
          %parallel_loop3A_493 = tpu.vector_load %arg7[%parallel_loop3A_491, %parallel_loop3A_492] {strides = array<i32>} : memref<360x128xf32, #tpu.memory_space<vmem>>, vector<1x16xf32>,
          %parallel_loop3A_494 = vector.shape_cast %parallel_loop3A_493 : vector<1x16xf32> to vector<16xf32>
          %parallel_loop3A_495 = arith.addf %parallel_loop3A_451, %parallel_loop3A_494 : vector<16xf32>
          %parallel_loop3A_496 = arith.index_cast %parallel_loop3A_470 : i32 to index
          %parallel_loop3A_497 = arith.constant 80 : index
          %parallel_loop3A_498 = tpu.vector_load %arg7[%parallel_loop3A_496, %parallel_loop3A_497] {strides = array<i32>} : memref<360x128xf32, #tpu.memory_space<vmem>>, vector<1x16xf32>,
          %parallel_loop3A_499 = vector.shape_cast %parallel_loop3A_498 : vector<1x16xf32> to vector<16xf32>
          %parallel_loop3A_500 = arith.addf %parallel_loop3A_456, %parallel_loop3A_499 : vector<16xf32>
          %parallel_loop3A_501 = arith.index_cast %parallel_loop3A_470 : i32 to index
          %parallel_loop3A_502 = arith.constant 96 : index
          %parallel_loop3A_503 = tpu.vector_load %arg7[%parallel_loop3A_501, %parallel_loop3A_502] {strides = array<i32>} : memref<360x128xf32, #tpu.memory_space<vmem>>, vector<1x16xf32>,
          %parallel_loop3A_504 = vector.shape_cast %parallel_loop3A_503 : vector<1x16xf32> to vector<16xf32>
          %parallel_loop3A_505 = arith.addf %parallel_loop3A_461, %parallel_loop3A_504 : vector<16xf32>
          %parallel_loop3A_506 = arith.index_cast %parallel_loop3A_470 : i32 to index
          %parallel_loop3A_507 = arith.constant 112 : index
          %parallel_loop3A_508 = tpu.vector_load %arg7[%parallel_loop3A_506, %parallel_loop3A_507] {strides = array<i32>} : memref<360x128xf32, #tpu.memory_space<vmem>>, vector<1x16xf32>,
          %parallel_loop3A_509 = vector.shape_cast %parallel_loop3A_508 : vector<1x16xf32> to vector<16xf32>
          %parallel_loop3A_510 = arith.addf %parallel_loop3A_466, %parallel_loop3A_509 : vector<16xf32>
          %parallel_loop3A_511 = arith.constant 9 : i32
          %parallel_loop3A_512 = arith.muli %parallel_loop3A_158, %parallel_loop3A_511 : i32
          %parallel_loop3A_513 = arith.constant 8 : i32
          %parallel_loop3A_514 = arith.addi %parallel_loop3A_512, %parallel_loop3A_513 : i32
          %parallel_loop3A_515 = arith.index_cast %parallel_loop3A_514 : i32 to index
          %parallel_loop3A_516 = arith.constant 0 : index
          %parallel_loop3A_517 = tpu.vector_load %arg7[%parallel_loop3A_515, %parallel_loop3A_516] {strides = array<i32>} : memref<360x128xf32, #tpu.memory_space<vmem>>, vector<1x16xf32>,
          %parallel_loop3A_518 = vector.shape_cast %parallel_loop3A_517 : vector<1x16xf32> to vector<16xf32>
          %parallel_loop3A_519 = arith.addf %parallel_loop3A_475, %parallel_loop3A_518 : vector<16xf32>
          %parallel_loop3A_520 = arith.index_cast %parallel_loop3A_514 : i32 to index
          %parallel_loop3A_521 = arith.constant 16 : index
          %parallel_loop3A_522 = tpu.vector_load %arg7[%parallel_loop3A_520, %parallel_loop3A_521] {strides = array<i32>} : memref<360x128xf32, #tpu.memory_space<vmem>>, vector<1x16xf32>,
          %parallel_loop3A_523 = vector.shape_cast %parallel_loop3A_522 : vector<1x16xf32> to vector<16xf32>
          %parallel_loop3A_524 = arith.addf %parallel_loop3A_480, %parallel_loop3A_523 : vector<16xf32>
          %parallel_loop3A_525 = arith.index_cast %parallel_loop3A_514 : i32 to index
          %parallel_loop3A_526 = arith.constant 32 : index
          %parallel_loop3A_527 = tpu.vector_load %arg7[%parallel_loop3A_525, %parallel_loop3A_526] {strides = array<i32>} : memref<360x128xf32, #tpu.memory_space<vmem>>, vector<1x16xf32>,
          %parallel_loop3A_528 = vector.shape_cast %parallel_loop3A_527 : vector<1x16xf32> to vector<16xf32>
          %parallel_loop3A_529 = arith.addf %parallel_loop3A_485, %parallel_loop3A_528 : vector<16xf32>
          %parallel_loop3A_530 = arith.index_cast %parallel_loop3A_514 : i32 to index
          %parallel_loop3A_531 = arith.constant 48 : index
          %parallel_loop3A_532 = tpu.vector_load %arg7[%parallel_loop3A_530, %parallel_loop3A_531] {strides = array<i32>} : memref<360x128xf32, #tpu.memory_space<vmem>>, vector<1x16xf32>,
          %parallel_loop3A_533 = vector.shape_cast %parallel_loop3A_532 : vector<1x16xf32> to vector<16xf32>
          %parallel_loop3A_534 = arith.addf %parallel_loop3A_490, %parallel_loop3A_533 : vector<16xf32>
          %parallel_loop3A_535 = arith.index_cast %parallel_loop3A_514 : i32 to index
          %parallel_loop3A_536 = arith.constant 64 : index
          %parallel_loop3A_537 = tpu.vector_load %arg7[%parallel_loop3A_535, %parallel_loop3A_536] {strides = array<i32>} : memref<360x128xf32, #tpu.memory_space<vmem>>, vector<1x16xf32>,
          %parallel_loop3A_538 = vector.shape_cast %parallel_loop3A_537 : vector<1x16xf32> to vector<16xf32>
          %parallel_loop3A_539 = arith.addf %parallel_loop3A_495, %parallel_loop3A_538 : vector<16xf32>
          %parallel_loop3A_540 = arith.index_cast %parallel_loop3A_514 : i32 to index
          %parallel_loop3A_541 = arith.constant 80 : index
          %parallel_loop3A_542 = tpu.vector_load %arg7[%parallel_loop3A_540, %parallel_loop3A_541] {strides = array<i32>} : memref<360x128xf32, #tpu.memory_space<vmem>>, vector<1x16xf32>,
          %parallel_loop3A_543 = vector.shape_cast %parallel_loop3A_542 : vector<1x16xf32> to vector<16xf32>
          %parallel_loop3A_544 = arith.addf %parallel_loop3A_500, %parallel_loop3A_543 : vector<16xf32>
          %parallel_loop3A_545 = arith.index_cast %parallel_loop3A_514 : i32 to index
          %parallel_loop3A_546 = arith.constant 96 : index
          %parallel_loop3A_547 = tpu.vector_load %arg7[%parallel_loop3A_545, %parallel_loop3A_546] {strides = array<i32>} : memref<360x128xf32, #tpu.memory_space<vmem>>, vector<1x16xf32>,
          %parallel_loop3A_548 = vector.shape_cast %parallel_loop3A_547 : vector<1x16xf32> to vector<16xf32>
          %parallel_loop3A_549 = arith.addf %parallel_loop3A_505, %parallel_loop3A_548 : vector<16xf32>
          %parallel_loop3A_550 = arith.index_cast %parallel_loop3A_514 : i32 to index
          %parallel_loop3A_551 = arith.constant 112 : index
          %parallel_loop3A_552 = tpu.vector_load %arg7[%parallel_loop3A_550, %parallel_loop3A_551] {strides = array<i32>} : memref<360x128xf32, #tpu.memory_space<vmem>>, vector<1x16xf32>,
          %parallel_loop3A_553 = vector.shape_cast %parallel_loop3A_552 : vector<1x16xf32> to vector<16xf32>
          %parallel_loop3A_554 = arith.addf %parallel_loop3A_510, %parallel_loop3A_553 : vector<16xf32>
          %parallel_loop3A_555 = arith.index_cast %parallel_loop3A_158 : i32 to index
          %parallel_loop3A_556 = arith.constant 0 : index
          %parallel_loop3A_557 = tpu.vector_load %arg9[%parallel_loop3A_555, %parallel_loop3A_556] {strides = array<i32>} : memref<40x128xf32, #tpu.memory_space<vmem>>, vector<1x16xf32>,
          %parallel_loop3A_558 = vector.shape_cast %parallel_loop3A_557 : vector<1x16xf32> to vector<16xf32>
          %parallel_loop3A_559 = vector.shape_cast %parallel_loop3A_519 : vector<16xf32> to vector<1x16xf32>
          tpu.vector_store %arg9[%parallel_loop3A_555, %parallel_loop3A_556], %parallel_loop3A_559 {strides = array<i32>} : memref<40x128xf32, #tpu.memory_space<vmem>>, vector<1x16xf32>,
          %parallel_loop3A_560 = arith.index_cast %parallel_loop3A_158 : i32 to index
          %parallel_loop3A_561 = arith.constant 16 : index
          %parallel_loop3A_562 = tpu.vector_load %arg9[%parallel_loop3A_560, %parallel_loop3A_561] {strides = array<i32>} : memref<40x128xf32, #tpu.memory_space<vmem>>, vector<1x16xf32>,
          %parallel_loop3A_563 = vector.shape_cast %parallel_loop3A_562 : vector<1x16xf32> to vector<16xf32>
          %parallel_loop3A_564 = vector.shape_cast %parallel_loop3A_524 : vector<16xf32> to vector<1x16xf32>
          tpu.vector_store %arg9[%parallel_loop3A_560, %parallel_loop3A_561], %parallel_loop3A_564 {strides = array<i32>} : memref<40x128xf32, #tpu.memory_space<vmem>>, vector<1x16xf32>,
          %parallel_loop3A_565 = arith.index_cast %parallel_loop3A_158 : i32 to index
          %parallel_loop3A_566 = arith.constant 32 : index
          %parallel_loop3A_567 = tpu.vector_load %arg9[%parallel_loop3A_565, %parallel_loop3A_566] {strides = array<i32>} : memref<40x128xf32, #tpu.memory_space<vmem>>, vector<1x16xf32>,
          %parallel_loop3A_568 = vector.shape_cast %parallel_loop3A_567 : vector<1x16xf32> to vector<16xf32>
          %parallel_loop3A_569 = vector.shape_cast %parallel_loop3A_529 : vector<16xf32> to vector<1x16xf32>
          tpu.vector_store %arg9[%parallel_loop3A_565, %parallel_loop3A_566], %parallel_loop3A_569 {strides = array<i32>} : memref<40x128xf32, #tpu.memory_space<vmem>>, vector<1x16xf32>,
          %parallel_loop3A_570 = arith.index_cast %parallel_loop3A_158 : i32 to index
          %parallel_loop3A_571 = arith.constant 48 : index
          %parallel_loop3A_572 = tpu.vector_load %arg9[%parallel_loop3A_570, %parallel_loop3A_571] {strides = array<i32>} : memref<40x128xf32, #tpu.memory_space<vmem>>, vector<1x16xf32>,
          %parallel_loop3A_573 = vector.shape_cast %parallel_loop3A_572 : vector<1x16xf32> to vector<16xf32>
          %parallel_loop3A_574 = vector.shape_cast %parallel_loop3A_534 : vector<16xf32> to vector<1x16xf32>
          tpu.vector_store %arg9[%parallel_loop3A_570, %parallel_loop3A_571], %parallel_loop3A_574 {strides = array<i32>} : memref<40x128xf32, #tpu.memory_space<vmem>>, vector<1x16xf32>,
          %parallel_loop3A_575 = arith.index_cast %parallel_loop3A_158 : i32 to index
          %parallel_loop3A_576 = arith.constant 64 : index
          %parallel_loop3A_577 = tpu.vector_load %arg9[%parallel_loop3A_575, %parallel_loop3A_576] {strides = array<i32>} : memref<40x128xf32, #tpu.memory_space<vmem>>, vector<1x16xf32>,
          %parallel_loop3A_578 = vector.shape_cast %parallel_loop3A_577 : vector<1x16xf32> to vector<16xf32>
          %parallel_loop3A_579 = vector.shape_cast %parallel_loop3A_539 : vector<16xf32> to vector<1x16xf32>
          tpu.vector_store %arg9[%parallel_loop3A_575, %parallel_loop3A_576], %parallel_loop3A_579 {strides = array<i32>} : memref<40x128xf32, #tpu.memory_space<vmem>>, vector<1x16xf32>,
          %parallel_loop3A_580 = arith.index_cast %parallel_loop3A_158 : i32 to index
          %parallel_loop3A_581 = arith.constant 80 : index
          %parallel_loop3A_582 = tpu.vector_load %arg9[%parallel_loop3A_580, %parallel_loop3A_581] {strides = array<i32>} : memref<40x128xf32, #tpu.memory_space<vmem>>, vector<1x16xf32>,
          %parallel_loop3A_583 = vector.shape_cast %parallel_loop3A_582 : vector<1x16xf32> to vector<16xf32>
          %parallel_loop3A_584 = vector.shape_cast %parallel_loop3A_544 : vector<16xf32> to vector<1x16xf32>
          tpu.vector_store %arg9[%parallel_loop3A_580, %parallel_loop3A_581], %parallel_loop3A_584 {strides = array<i32>} : memref<40x128xf32, #tpu.memory_space<vmem>>, vector<1x16xf32>,
          %parallel_loop3A_585 = arith.index_cast %parallel_loop3A_158 : i32 to index
          %parallel_loop3A_586 = arith.constant 96 : index
          %parallel_loop3A_587 = tpu.vector_load %arg9[%parallel_loop3A_585, %parallel_loop3A_586] {strides = array<i32>} : memref<40x128xf32, #tpu.memory_space<vmem>>, vector<1x16xf32>,
          %parallel_loop3A_588 = vector.shape_cast %parallel_loop3A_587 : vector<1x16xf32> to vector<16xf32>
          %parallel_loop3A_589 = vector.shape_cast %parallel_loop3A_549 : vector<16xf32> to vector<1x16xf32>
          tpu.vector_store %arg9[%parallel_loop3A_585, %parallel_loop3A_586], %parallel_loop3A_589 {strides = array<i32>} : memref<40x128xf32, #tpu.memory_space<vmem>>, vector<1x16xf32>,
          %parallel_loop3A_590 = arith.index_cast %parallel_loop3A_158 : i32 to index
          %parallel_loop3A_591 = arith.constant 112 : index
          %parallel_loop3A_592 = tpu.vector_load %arg9[%parallel_loop3A_590, %parallel_loop3A_591] {strides = array<i32>} : memref<40x128xf32, #tpu.memory_space<vmem>>, vector<1x16xf32>,
          %parallel_loop3A_593 = vector.shape_cast %parallel_loop3A_592 : vector<1x16xf32> to vector<16xf32>
          %parallel_loop3A_594 = vector.shape_cast %parallel_loop3A_554 : vector<16xf32> to vector<1x16xf32>
          tpu.vector_store %arg9[%parallel_loop3A_590, %parallel_loop3A_591], %parallel_loop3A_594 {strides = array<i32>} : memref<40x128xf32, #tpu.memory_space<vmem>>, vector<1x16xf32>,
        } {sc.loop_unroll_factor = 2 : i64, sc.parallel_access}
        %mul3A_151 = arith.constant 40 : i32
        %mul3A_152 = arith.muli %mul3A_83, %mul3A_151 : i32
        %add3A_153 = arith.addi %select_n3A, %mul3A_152 : i32
        %dma_start3A_154 = arith.constant 0 : i32
        %dma_start3A_155 = tpu.memref_slice %arg5[%add3A_153, %dma_start3A_154] : memref<51200x128xf32, #tpu.memory_space<hbm>> -> memref<40x128xf32, #tpu.memory_space<hbm>>
        %dma_start3A_156 = arith.constant 0 : i32
        %dma_start3A_157 = tpu.memref_slice %arg5[%add3A_153, %dma_start3A_156] : memref<51200x128xf32, #tpu.memory_space<hbm>> -> memref<40x128xf32, #tpu.memory_space<hbm>>
        tpu.enqueue_dma source(%arg9 : memref<40x128xf32, #tpu.memory_space<vmem>>) target(%dma_start3A_157 : memref<40x128xf32, #tpu.memory_space<hbm>>) target_semaphore(%arg14 : memref<!tpu.dma_semaphore, #tpu.memory_space<semaphore_mem>>)
      } else {
      }
      %add3A_95 = arith.constant 2 : i32
      %add3A_96 = arith.addi %mul3A_83, %add3A_95 : i32
      %lt3A_97 = arith.cmpi slt, %add3A_96, %select_n3A_8 : i32
      %add3A_98 = arith.constant 2 : i32
      %add3A_99 = arith.addi %mul3A_83, %add3A_98 : i32
      %convert_element_type3A_100 = arith.extui %lt3A_97 : i1 to i32
      %cond3A_101 = arith.constant 0 : i32
      %cond3A_102 = arith.cmpi ne, %convert_element_type3A_100, %cond3A_101 : i32
      scf.if %cond3A_102 {
        %mul3A_111 = arith.constant 360 : i32
        %mul3A_112 = arith.muli %add3A_99, %mul3A_111 : i32
        %add3A_113 = arith.constant 0 : i32
        %add3A_114 = arith.addi %mul3A_112, %add3A_113 : i32
        %dma_start3A_115 = arith.constant 0 : i32
        %dma_start3A_116 = arith.constant 0 : i32
        %dma_start3A_117 = tpu.memref_slice %arg7[%dma_start3A_115, %dma_start3A_116] : memref<360x128xf32, #tpu.memory_space<vmem>> -> memref<120x128xf32, #tpu.memory_space<vmem>>
        %dma_start3A_118 = tpu.memref_slice %arg6[%add3A_114] : memref<21968xi32, #tpu.memory_space<vmem>> -> memref<120xi32, #tpu.memory_space<vmem>>
        %dma_start3A_119 = arith.constant 0 : i32
        %dma_start3A_120 = arith.constant 0 : i32
        %dma_start3A_121 = tpu.memref_slice %arg2[%dma_start3A_119, %dma_start3A_120] : memref<451584x128xf32, #tpu.memory_space<hbm>> -> memref<451584x128xf32, #tpu.memory_space<hbm>>
        tpu.enqueue_indirect_dma source(%dma_start3A_121 : memref<451584x128xf32, #tpu.memory_space<hbm>>) target(%dma_start3A_117 : memref<120x128xf32, #tpu.memory_space<vmem>>) offsets(%dma_start3A_118 : memref<120xi32, #tpu.memory_space<vmem>>) semaphore(%arg12 : memref<!tpu.dma_semaphore, #tpu.memory_space<semaphore_mem>>)
        %mul3A_122 = arith.constant 360 : i32
        %mul3A_123 = arith.muli %add3A_99, %mul3A_122 : i32
        %add3A_124 = arith.constant 120 : i32
        %add3A_125 = arith.addi %mul3A_123, %add3A_124 : i32
        %dma_start3A_126 = arith.constant 120 : i32
        %dma_start3A_127 = arith.constant 0 : i32
        %dma_start3A_128 = tpu.memref_slice %arg7[%dma_start3A_126, %dma_start3A_127] : memref<360x128xf32, #tpu.memory_space<vmem>> -> memref<120x128xf32, #tpu.memory_space<vmem>>
        %dma_start3A_129 = tpu.memref_slice %arg6[%add3A_125] : memref<21968xi32, #tpu.memory_space<vmem>> -> memref<120xi32, #tpu.memory_space<vmem>>
        %dma_start3A_130 = arith.constant 0 : i32
        %dma_start3A_131 = arith.constant 0 : i32
        %dma_start3A_132 = tpu.memref_slice %arg2[%dma_start3A_130, %dma_start3A_131] : memref<451584x128xf32, #tpu.memory_space<hbm>> -> memref<451584x128xf32, #tpu.memory_space<hbm>>
        tpu.enqueue_indirect_dma source(%dma_start3A_132 : memref<451584x128xf32, #tpu.memory_space<hbm>>) target(%dma_start3A_128 : memref<120x128xf32, #tpu.memory_space<vmem>>) offsets(%dma_start3A_129 : memref<120xi32, #tpu.memory_space<vmem>>) semaphore(%arg12 : memref<!tpu.dma_semaphore, #tpu.memory_space<semaphore_mem>>)
        %mul3A_133 = arith.constant 360 : i32
        %mul3A_134 = arith.muli %add3A_99, %mul3A_133 : i32
        %add3A_135 = arith.constant 240 : i32
        %add3A_136 = arith.addi %mul3A_134, %add3A_135 : i32
        %dma_start3A_137 = arith.constant 240 : i32
        %dma_start3A_138 = arith.constant 0 : i32
        %dma_start3A_139 = tpu.memref_slice %arg7[%dma_start3A_137, %dma_start3A_138] : memref<360x128xf32, #tpu.memory_space<vmem>> -> memref<120x128xf32, #tpu.memory_space<vmem>>
        %dma_start3A_140 = tpu.memref_slice %arg6[%add3A_136] : memref<21968xi32, #tpu.memory_space<vmem>> -> memref<120xi32, #tpu.memory_space<vmem>>
        %dma_start3A_141 = arith.constant 0 : i32
        %dma_start3A_142 = arith.constant 0 : i32
        %dma_start3A_143 = tpu.memref_slice %arg2[%dma_start3A_141, %dma_start3A_142] : memref<451584x128xf32, #tpu.memory_space<hbm>> -> memref<451584x128xf32, #tpu.memory_space<hbm>>
        tpu.enqueue_indirect_dma source(%dma_start3A_143 : memref<451584x128xf32, #tpu.memory_space<hbm>>) target(%dma_start3A_139 : memref<120x128xf32, #tpu.memory_space<vmem>>) offsets(%dma_start3A_140 : memref<120xi32, #tpu.memory_space<vmem>>) semaphore(%arg12 : memref<!tpu.dma_semaphore, #tpu.memory_space<semaphore_mem>>)
      } else {
      }
      %add3A_103 = arith.constant 1 : i32
      %add3A_104 = arith.addi %mul3A_83, %add3A_103 : i32
      %lt3A_105 = arith.cmpi slt, %add3A_104, %select_n3A_8 : i32
      %add3A_106 = arith.constant 1 : i32
      %add3A_107 = arith.addi %mul3A_83, %add3A_106 : i32
      %convert_element_type3A_108 = arith.extui %lt3A_105 : i1 to i32
      %cond3A_109 = arith.constant 0 : i32
      %cond3A_110 = arith.cmpi ne, %convert_element_type3A_108, %cond3A_109 : i32
      scf.if %cond3A_110 {
        %ge3A = arith.constant 2 : i32
        %ge3A_111 = arith.cmpi sge, %add3A_107, %ge3A : i32
        %lt3A_112 = arith.cmpi slt, %add3A_107, %select_n3A_8 : i32
        %and3A = arith.andi %ge3A_111, %lt3A_112 : i1
        %convert_element_type3A_113 = arith.extui %and3A : i1 to i32
        %cond3A_114 = arith.constant 0 : i32
        %cond3A_115 = arith.cmpi ne, %convert_element_type3A_113, %cond3A_114 : i32
        scf.if %cond3A_115 {
          %dma_wait3A_158 = arith.constant 0 : i32
          %dma_wait3A_159 = tpu.memref_slice %arg5[%select_n3A, %dma_wait3A_158] : memref<51200x128xf32, #tpu.memory_space<hbm>> -> memref<40x128xf32, #tpu.memory_space<hbm>>
          %dma_wait3A_160 = arith.constant 0 : i32
          %dma_wait3A_161 = tpu.memref_slice %arg5[%select_n3A, %dma_wait3A_160] : memref<51200x128xf32, #tpu.memory_space<hbm>> -> memref<40x128xf32, #tpu.memory_space<hbm>>
          tpu.wait_dma2 semaphore(%arg15 : memref<!tpu.dma_semaphore, #tpu.memory_space<semaphore_mem>>) src(%arg10 : memref<40x128xf32, #tpu.memory_space<vmem>>) dst(%dma_wait3A_161 : memref<40x128xf32, #tpu.memory_space<hbm>>)
        } else {
        }
        %mul3A_116 = arith.constant 360 : i32
        %mul3A_117 = arith.muli %add3A_107, %mul3A_116 : i32
        %add3A_118 = arith.constant 0 : i32
        %add3A_119 = arith.addi %mul3A_117, %add3A_118 : i32
        %dma_wait3A_120 = arith.constant 0 : i32
        %dma_wait3A_121 = arith.constant 0 : i32
        %dma_wait3A_122 = tpu.memref_slice %arg8[%dma_wait3A_120, %dma_wait3A_121] : memref<360x128xf32, #tpu.memory_space<vmem>> -> memref<120x128xf32, #tpu.memory_space<vmem>>
        %dma_wait3A_123 = tpu.memref_slice %arg6[%add3A_119] : memref<21968xi32, #tpu.memory_space<vmem>> -> memref<120xi32, #tpu.memory_space<vmem>>
        %dma_wait3A_124 = arith.constant 0 : i32
        %dma_wait3A_125 = arith.constant 0 : i32
        %dma_wait3A_126 = tpu.memref_slice %arg2[%dma_wait3A_124, %dma_wait3A_125] : memref<451584x128xf32, #tpu.memory_space<hbm>> -> memref<451584x128xf32, #tpu.memory_space<hbm>>
        tpu.wait_indirect_dma semaphore(%arg13 : memref<!tpu.dma_semaphore, #tpu.memory_space<semaphore_mem>>) src(%dma_wait3A_126 : memref<451584x128xf32, #tpu.memory_space<hbm>>) dst(%dma_wait3A_122 : memref<120x128xf32, #tpu.memory_space<vmem>>)
        %mul3A_127 = arith.constant 360 : i32
        %mul3A_128 = arith.muli %add3A_107, %mul3A_127 : i32
        %add3A_129 = arith.constant 120 : i32
        %add3A_130 = arith.addi %mul3A_128, %add3A_129 : i32
        %dma_wait3A_131 = arith.constant 120 : i32
        %dma_wait3A_132 = arith.constant 0 : i32
        %dma_wait3A_133 = tpu.memref_slice %arg8[%dma_wait3A_131, %dma_wait3A_132] : memref<360x128xf32, #tpu.memory_space<vmem>> -> memref<120x128xf32, #tpu.memory_space<vmem>>
        %dma_wait3A_134 = tpu.memref_slice %arg6[%add3A_130] : memref<21968xi32, #tpu.memory_space<vmem>> -> memref<120xi32, #tpu.memory_space<vmem>>
        %dma_wait3A_135 = arith.constant 0 : i32
        %dma_wait3A_136 = arith.constant 0 : i32
        %dma_wait3A_137 = tpu.memref_slice %arg2[%dma_wait3A_135, %dma_wait3A_136] : memref<451584x128xf32, #tpu.memory_space<hbm>> -> memref<451584x128xf32, #tpu.memory_space<hbm>>
        tpu.wait_indirect_dma semaphore(%arg13 : memref<!tpu.dma_semaphore, #tpu.memory_space<semaphore_mem>>) src(%dma_wait3A_137 : memref<451584x128xf32, #tpu.memory_space<hbm>>) dst(%dma_wait3A_133 : memref<120x128xf32, #tpu.memory_space<vmem>>)
        %mul3A_138 = arith.constant 360 : i32
        %mul3A_139 = arith.muli %add3A_107, %mul3A_138 : i32
        %add3A_140 = arith.constant 240 : i32
        %add3A_141 = arith.addi %mul3A_139, %add3A_140 : i32
        %dma_wait3A_142 = arith.constant 240 : i32
        %dma_wait3A_143 = arith.constant 0 : i32
        %dma_wait3A_144 = tpu.memref_slice %arg8[%dma_wait3A_142, %dma_wait3A_143] : memref<360x128xf32, #tpu.memory_space<vmem>> -> memref<120x128xf32, #tpu.memory_space<vmem>>
        %dma_wait3A_145 = tpu.memref_slice %arg6[%add3A_141] : memref<21968xi32, #tpu.memory_space<vmem>> -> memref<120xi32, #tpu.memory_space<vmem>>
        %dma_wait3A_146 = arith.constant 0 : i32
        %dma_wait3A_147 = arith.constant 0 : i32
        %dma_wait3A_148 = tpu.memref_slice %arg2[%dma_wait3A_146, %dma_wait3A_147] : memref<451584x128xf32, #tpu.memory_space<hbm>> -> memref<451584x128xf32, #tpu.memory_space<hbm>>
        tpu.wait_indirect_dma semaphore(%arg13 : memref<!tpu.dma_semaphore, #tpu.memory_space<semaphore_mem>>) src(%dma_wait3A_148 : memref<451584x128xf32, #tpu.memory_space<hbm>>) dst(%dma_wait3A_144 : memref<120x128xf32, #tpu.memory_space<vmem>>)
        %parallel_loop3A = arith.constant 0 : i32
        %parallel_loop3A_149 = arith.constant 40 : i32
        %parallel_loop3A_150 = arith.constant 1 : i32
        scf.for %parallel_loop3A_158 = %parallel_loop3A to %parallel_loop3A_149 step %parallel_loop3A_150  : i32 {
          %parallel_loop3A_159 = arith.constant 9 : i32
          %parallel_loop3A_160 = arith.muli %parallel_loop3A_158, %parallel_loop3A_159 : i32
          %parallel_loop3A_161 = arith.constant 0 : i32
          %parallel_loop3A_162 = arith.addi %parallel_loop3A_160, %parallel_loop3A_161 : i32
          %parallel_loop3A_163 = arith.index_cast %parallel_loop3A_162 : i32 to index
          %parallel_loop3A_164 = arith.constant 0 : index
          %parallel_loop3A_165 = tpu.vector_load %arg8[%parallel_loop3A_163, %parallel_loop3A_164] {strides = array<i32>} : memref<360x128xf32, #tpu.memory_space<vmem>>, vector<1x16xf32>,
          %parallel_loop3A_166 = vector.shape_cast %parallel_loop3A_165 : vector<1x16xf32> to vector<16xf32>
          %parallel_loop3A_167 = arith.addf %get3A_10, %parallel_loop3A_166 : vector<16xf32>
          %parallel_loop3A_168 = arith.index_cast %parallel_loop3A_162 : i32 to index
          %parallel_loop3A_169 = arith.constant 16 : index
          %parallel_loop3A_170 = tpu.vector_load %arg8[%parallel_loop3A_168, %parallel_loop3A_169] {strides = array<i32>} : memref<360x128xf32, #tpu.memory_space<vmem>>, vector<1x16xf32>,
          %parallel_loop3A_171 = vector.shape_cast %parallel_loop3A_170 : vector<1x16xf32> to vector<16xf32>
          %parallel_loop3A_172 = arith.addf %get3A_13, %parallel_loop3A_171 : vector<16xf32>
          %parallel_loop3A_173 = arith.index_cast %parallel_loop3A_162 : i32 to index
          %parallel_loop3A_174 = arith.constant 32 : index
          %parallel_loop3A_175 = tpu.vector_load %arg8[%parallel_loop3A_173, %parallel_loop3A_174] {strides = array<i32>} : memref<360x128xf32, #tpu.memory_space<vmem>>, vector<1x16xf32>,
          %parallel_loop3A_176 = vector.shape_cast %parallel_loop3A_175 : vector<1x16xf32> to vector<16xf32>
          %parallel_loop3A_177 = arith.addf %get3A_16, %parallel_loop3A_176 : vector<16xf32>
          %parallel_loop3A_178 = arith.index_cast %parallel_loop3A_162 : i32 to index
          %parallel_loop3A_179 = arith.constant 48 : index
          %parallel_loop3A_180 = tpu.vector_load %arg8[%parallel_loop3A_178, %parallel_loop3A_179] {strides = array<i32>} : memref<360x128xf32, #tpu.memory_space<vmem>>, vector<1x16xf32>,
          %parallel_loop3A_181 = vector.shape_cast %parallel_loop3A_180 : vector<1x16xf32> to vector<16xf32>
          %parallel_loop3A_182 = arith.addf %get3A_19, %parallel_loop3A_181 : vector<16xf32>
          %parallel_loop3A_183 = arith.index_cast %parallel_loop3A_162 : i32 to index
          %parallel_loop3A_184 = arith.constant 64 : index
          %parallel_loop3A_185 = tpu.vector_load %arg8[%parallel_loop3A_183, %parallel_loop3A_184] {strides = array<i32>} : memref<360x128xf32, #tpu.memory_space<vmem>>, vector<1x16xf32>,
          %parallel_loop3A_186 = vector.shape_cast %parallel_loop3A_185 : vector<1x16xf32> to vector<16xf32>
          %parallel_loop3A_187 = arith.addf %get3A_22, %parallel_loop3A_186 : vector<16xf32>
          %parallel_loop3A_188 = arith.index_cast %parallel_loop3A_162 : i32 to index
          %parallel_loop3A_189 = arith.constant 80 : index
          %parallel_loop3A_190 = tpu.vector_load %arg8[%parallel_loop3A_188, %parallel_loop3A_189] {strides = array<i32>} : memref<360x128xf32, #tpu.memory_space<vmem>>, vector<1x16xf32>,
          %parallel_loop3A_191 = vector.shape_cast %parallel_loop3A_190 : vector<1x16xf32> to vector<16xf32>
          %parallel_loop3A_192 = arith.addf %get3A_25, %parallel_loop3A_191 : vector<16xf32>
          %parallel_loop3A_193 = arith.index_cast %parallel_loop3A_162 : i32 to index
          %parallel_loop3A_194 = arith.constant 96 : index
          %parallel_loop3A_195 = tpu.vector_load %arg8[%parallel_loop3A_193, %parallel_loop3A_194] {strides = array<i32>} : memref<360x128xf32, #tpu.memory_space<vmem>>, vector<1x16xf32>,
          %parallel_loop3A_196 = vector.shape_cast %parallel_loop3A_195 : vector<1x16xf32> to vector<16xf32>
          %parallel_loop3A_197 = arith.addf %get3A_28, %parallel_loop3A_196 : vector<16xf32>
          %parallel_loop3A_198 = arith.index_cast %parallel_loop3A_162 : i32 to index
          %parallel_loop3A_199 = arith.constant 112 : index
          %parallel_loop3A_200 = tpu.vector_load %arg8[%parallel_loop3A_198, %parallel_loop3A_199] {strides = array<i32>} : memref<360x128xf32, #tpu.memory_space<vmem>>, vector<1x16xf32>,
          %parallel_loop3A_201 = vector.shape_cast %parallel_loop3A_200 : vector<1x16xf32> to vector<16xf32>
          %parallel_loop3A_202 = arith.addf %get3A_31, %parallel_loop3A_201 : vector<16xf32>
          %parallel_loop3A_203 = arith.constant 9 : i32
          %parallel_loop3A_204 = arith.muli %parallel_loop3A_158, %parallel_loop3A_203 : i32
          %parallel_loop3A_205 = arith.constant 1 : i32
          %parallel_loop3A_206 = arith.addi %parallel_loop3A_204, %parallel_loop3A_205 : i32
          %parallel_loop3A_207 = arith.index_cast %parallel_loop3A_206 : i32 to index
          %parallel_loop3A_208 = arith.constant 0 : index
          %parallel_loop3A_209 = tpu.vector_load %arg8[%parallel_loop3A_207, %parallel_loop3A_208] {strides = array<i32>} : memref<360x128xf32, #tpu.memory_space<vmem>>, vector<1x16xf32>,
          %parallel_loop3A_210 = vector.shape_cast %parallel_loop3A_209 : vector<1x16xf32> to vector<16xf32>
          %parallel_loop3A_211 = arith.addf %parallel_loop3A_167, %parallel_loop3A_210 : vector<16xf32>
          %parallel_loop3A_212 = arith.index_cast %parallel_loop3A_206 : i32 to index
          %parallel_loop3A_213 = arith.constant 16 : index
          %parallel_loop3A_214 = tpu.vector_load %arg8[%parallel_loop3A_212, %parallel_loop3A_213] {strides = array<i32>} : memref<360x128xf32, #tpu.memory_space<vmem>>, vector<1x16xf32>,
          %parallel_loop3A_215 = vector.shape_cast %parallel_loop3A_214 : vector<1x16xf32> to vector<16xf32>
          %parallel_loop3A_216 = arith.addf %parallel_loop3A_172, %parallel_loop3A_215 : vector<16xf32>
          %parallel_loop3A_217 = arith.index_cast %parallel_loop3A_206 : i32 to index
          %parallel_loop3A_218 = arith.constant 32 : index
          %parallel_loop3A_219 = tpu.vector_load %arg8[%parallel_loop3A_217, %parallel_loop3A_218] {strides = array<i32>} : memref<360x128xf32, #tpu.memory_space<vmem>>, vector<1x16xf32>,
          %parallel_loop3A_220 = vector.shape_cast %parallel_loop3A_219 : vector<1x16xf32> to vector<16xf32>
          %parallel_loop3A_221 = arith.addf %parallel_loop3A_177, %parallel_loop3A_220 : vector<16xf32>
          %parallel_loop3A_222 = arith.index_cast %parallel_loop3A_206 : i32 to index
          %parallel_loop3A_223 = arith.constant 48 : index
          %parallel_loop3A_224 = tpu.vector_load %arg8[%parallel_loop3A_222, %parallel_loop3A_223] {strides = array<i32>} : memref<360x128xf32, #tpu.memory_space<vmem>>, vector<1x16xf32>,
          %parallel_loop3A_225 = vector.shape_cast %parallel_loop3A_224 : vector<1x16xf32> to vector<16xf32>
          %parallel_loop3A_226 = arith.addf %parallel_loop3A_182, %parallel_loop3A_225 : vector<16xf32>
          %parallel_loop3A_227 = arith.index_cast %parallel_loop3A_206 : i32 to index
          %parallel_loop3A_228 = arith.constant 64 : index
          %parallel_loop3A_229 = tpu.vector_load %arg8[%parallel_loop3A_227, %parallel_loop3A_228] {strides = array<i32>} : memref<360x128xf32, #tpu.memory_space<vmem>>, vector<1x16xf32>,
          %parallel_loop3A_230 = vector.shape_cast %parallel_loop3A_229 : vector<1x16xf32> to vector<16xf32>
          %parallel_loop3A_231 = arith.addf %parallel_loop3A_187, %parallel_loop3A_230 : vector<16xf32>
          %parallel_loop3A_232 = arith.index_cast %parallel_loop3A_206 : i32 to index
          %parallel_loop3A_233 = arith.constant 80 : index
          %parallel_loop3A_234 = tpu.vector_load %arg8[%parallel_loop3A_232, %parallel_loop3A_233] {strides = array<i32>} : memref<360x128xf32, #tpu.memory_space<vmem>>, vector<1x16xf32>,
          %parallel_loop3A_235 = vector.shape_cast %parallel_loop3A_234 : vector<1x16xf32> to vector<16xf32>
          %parallel_loop3A_236 = arith.addf %parallel_loop3A_192, %parallel_loop3A_235 : vector<16xf32>
          %parallel_loop3A_237 = arith.index_cast %parallel_loop3A_206 : i32 to index
          %parallel_loop3A_238 = arith.constant 96 : index
          %parallel_loop3A_239 = tpu.vector_load %arg8[%parallel_loop3A_237, %parallel_loop3A_238] {strides = array<i32>} : memref<360x128xf32, #tpu.memory_space<vmem>>, vector<1x16xf32>,
          %parallel_loop3A_240 = vector.shape_cast %parallel_loop3A_239 : vector<1x16xf32> to vector<16xf32>
          %parallel_loop3A_241 = arith.addf %parallel_loop3A_197, %parallel_loop3A_240 : vector<16xf32>
          %parallel_loop3A_242 = arith.index_cast %parallel_loop3A_206 : i32 to index
          %parallel_loop3A_243 = arith.constant 112 : index
          %parallel_loop3A_244 = tpu.vector_load %arg8[%parallel_loop3A_242, %parallel_loop3A_243] {strides = array<i32>} : memref<360x128xf32, #tpu.memory_space<vmem>>, vector<1x16xf32>,
          %parallel_loop3A_245 = vector.shape_cast %parallel_loop3A_244 : vector<1x16xf32> to vector<16xf32>
          %parallel_loop3A_246 = arith.addf %parallel_loop3A_202, %parallel_loop3A_245 : vector<16xf32>
          %parallel_loop3A_247 = arith.constant 9 : i32
          %parallel_loop3A_248 = arith.muli %parallel_loop3A_158, %parallel_loop3A_247 : i32
          %parallel_loop3A_249 = arith.constant 2 : i32
          %parallel_loop3A_250 = arith.addi %parallel_loop3A_248, %parallel_loop3A_249 : i32
          %parallel_loop3A_251 = arith.index_cast %parallel_loop3A_250 : i32 to index
          %parallel_loop3A_252 = arith.constant 0 : index
          %parallel_loop3A_253 = tpu.vector_load %arg8[%parallel_loop3A_251, %parallel_loop3A_252] {strides = array<i32>} : memref<360x128xf32, #tpu.memory_space<vmem>>, vector<1x16xf32>,
          %parallel_loop3A_254 = vector.shape_cast %parallel_loop3A_253 : vector<1x16xf32> to vector<16xf32>
          %parallel_loop3A_255 = arith.addf %parallel_loop3A_211, %parallel_loop3A_254 : vector<16xf32>
          %parallel_loop3A_256 = arith.index_cast %parallel_loop3A_250 : i32 to index
          %parallel_loop3A_257 = arith.constant 16 : index
          %parallel_loop3A_258 = tpu.vector_load %arg8[%parallel_loop3A_256, %parallel_loop3A_257] {strides = array<i32>} : memref<360x128xf32, #tpu.memory_space<vmem>>, vector<1x16xf32>,
          %parallel_loop3A_259 = vector.shape_cast %parallel_loop3A_258 : vector<1x16xf32> to vector<16xf32>
          %parallel_loop3A_260 = arith.addf %parallel_loop3A_216, %parallel_loop3A_259 : vector<16xf32>
          %parallel_loop3A_261 = arith.index_cast %parallel_loop3A_250 : i32 to index
          %parallel_loop3A_262 = arith.constant 32 : index
          %parallel_loop3A_263 = tpu.vector_load %arg8[%parallel_loop3A_261, %parallel_loop3A_262] {strides = array<i32>} : memref<360x128xf32, #tpu.memory_space<vmem>>, vector<1x16xf32>,
          %parallel_loop3A_264 = vector.shape_cast %parallel_loop3A_263 : vector<1x16xf32> to vector<16xf32>
          %parallel_loop3A_265 = arith.addf %parallel_loop3A_221, %parallel_loop3A_264 : vector<16xf32>
          %parallel_loop3A_266 = arith.index_cast %parallel_loop3A_250 : i32 to index
          %parallel_loop3A_267 = arith.constant 48 : index
          %parallel_loop3A_268 = tpu.vector_load %arg8[%parallel_loop3A_266, %parallel_loop3A_267] {strides = array<i32>} : memref<360x128xf32, #tpu.memory_space<vmem>>, vector<1x16xf32>,
          %parallel_loop3A_269 = vector.shape_cast %parallel_loop3A_268 : vector<1x16xf32> to vector<16xf32>
          %parallel_loop3A_270 = arith.addf %parallel_loop3A_226, %parallel_loop3A_269 : vector<16xf32>
          %parallel_loop3A_271 = arith.index_cast %parallel_loop3A_250 : i32 to index
          %parallel_loop3A_272 = arith.constant 64 : index
          %parallel_loop3A_273 = tpu.vector_load %arg8[%parallel_loop3A_271, %parallel_loop3A_272] {strides = array<i32>} : memref<360x128xf32, #tpu.memory_space<vmem>>, vector<1x16xf32>,
          %parallel_loop3A_274 = vector.shape_cast %parallel_loop3A_273 : vector<1x16xf32> to vector<16xf32>
          %parallel_loop3A_275 = arith.addf %parallel_loop3A_231, %parallel_loop3A_274 : vector<16xf32>
          %parallel_loop3A_276 = arith.index_cast %parallel_loop3A_250 : i32 to index
          %parallel_loop3A_277 = arith.constant 80 : index
          %parallel_loop3A_278 = tpu.vector_load %arg8[%parallel_loop3A_276, %parallel_loop3A_277] {strides = array<i32>} : memref<360x128xf32, #tpu.memory_space<vmem>>, vector<1x16xf32>,
          %parallel_loop3A_279 = vector.shape_cast %parallel_loop3A_278 : vector<1x16xf32> to vector<16xf32>
          %parallel_loop3A_280 = arith.addf %parallel_loop3A_236, %parallel_loop3A_279 : vector<16xf32>
          %parallel_loop3A_281 = arith.index_cast %parallel_loop3A_250 : i32 to index
          %parallel_loop3A_282 = arith.constant 96 : index
          %parallel_loop3A_283 = tpu.vector_load %arg8[%parallel_loop3A_281, %parallel_loop3A_282] {strides = array<i32>} : memref<360x128xf32, #tpu.memory_space<vmem>>, vector<1x16xf32>,
          %parallel_loop3A_284 = vector.shape_cast %parallel_loop3A_283 : vector<1x16xf32> to vector<16xf32>
          %parallel_loop3A_285 = arith.addf %parallel_loop3A_241, %parallel_loop3A_284 : vector<16xf32>
          %parallel_loop3A_286 = arith.index_cast %parallel_loop3A_250 : i32 to index
          %parallel_loop3A_287 = arith.constant 112 : index
          %parallel_loop3A_288 = tpu.vector_load %arg8[%parallel_loop3A_286, %parallel_loop3A_287] {strides = array<i32>} : memref<360x128xf32, #tpu.memory_space<vmem>>, vector<1x16xf32>,
          %parallel_loop3A_289 = vector.shape_cast %parallel_loop3A_288 : vector<1x16xf32> to vector<16xf32>
          %parallel_loop3A_290 = arith.addf %parallel_loop3A_246, %parallel_loop3A_289 : vector<16xf32>
          %parallel_loop3A_291 = arith.constant 9 : i32
          %parallel_loop3A_292 = arith.muli %parallel_loop3A_158, %parallel_loop3A_291 : i32
          %parallel_loop3A_293 = arith.constant 3 : i32
          %parallel_loop3A_294 = arith.addi %parallel_loop3A_292, %parallel_loop3A_293 : i32
          %parallel_loop3A_295 = arith.index_cast %parallel_loop3A_294 : i32 to index
          %parallel_loop3A_296 = arith.constant 0 : index
          %parallel_loop3A_297 = tpu.vector_load %arg8[%parallel_loop3A_295, %parallel_loop3A_296] {strides = array<i32>} : memref<360x128xf32, #tpu.memory_space<vmem>>, vector<1x16xf32>,
          %parallel_loop3A_298 = vector.shape_cast %parallel_loop3A_297 : vector<1x16xf32> to vector<16xf32>
          %parallel_loop3A_299 = arith.addf %parallel_loop3A_255, %parallel_loop3A_298 : vector<16xf32>
          %parallel_loop3A_300 = arith.index_cast %parallel_loop3A_294 : i32 to index
          %parallel_loop3A_301 = arith.constant 16 : index
          %parallel_loop3A_302 = tpu.vector_load %arg8[%parallel_loop3A_300, %parallel_loop3A_301] {strides = array<i32>} : memref<360x128xf32, #tpu.memory_space<vmem>>, vector<1x16xf32>,
          %parallel_loop3A_303 = vector.shape_cast %parallel_loop3A_302 : vector<1x16xf32> to vector<16xf32>
          %parallel_loop3A_304 = arith.addf %parallel_loop3A_260, %parallel_loop3A_303 : vector<16xf32>
          %parallel_loop3A_305 = arith.index_cast %parallel_loop3A_294 : i32 to index
          %parallel_loop3A_306 = arith.constant 32 : index
          %parallel_loop3A_307 = tpu.vector_load %arg8[%parallel_loop3A_305, %parallel_loop3A_306] {strides = array<i32>} : memref<360x128xf32, #tpu.memory_space<vmem>>, vector<1x16xf32>,
          %parallel_loop3A_308 = vector.shape_cast %parallel_loop3A_307 : vector<1x16xf32> to vector<16xf32>
          %parallel_loop3A_309 = arith.addf %parallel_loop3A_265, %parallel_loop3A_308 : vector<16xf32>
          %parallel_loop3A_310 = arith.index_cast %parallel_loop3A_294 : i32 to index
          %parallel_loop3A_311 = arith.constant 48 : index
          %parallel_loop3A_312 = tpu.vector_load %arg8[%parallel_loop3A_310, %parallel_loop3A_311] {strides = array<i32>} : memref<360x128xf32, #tpu.memory_space<vmem>>, vector<1x16xf32>,
          %parallel_loop3A_313 = vector.shape_cast %parallel_loop3A_312 : vector<1x16xf32> to vector<16xf32>
          %parallel_loop3A_314 = arith.addf %parallel_loop3A_270, %parallel_loop3A_313 : vector<16xf32>
          %parallel_loop3A_315 = arith.index_cast %parallel_loop3A_294 : i32 to index
          %parallel_loop3A_316 = arith.constant 64 : index
          %parallel_loop3A_317 = tpu.vector_load %arg8[%parallel_loop3A_315, %parallel_loop3A_316] {strides = array<i32>} : memref<360x128xf32, #tpu.memory_space<vmem>>, vector<1x16xf32>,
          %parallel_loop3A_318 = vector.shape_cast %parallel_loop3A_317 : vector<1x16xf32> to vector<16xf32>
          %parallel_loop3A_319 = arith.addf %parallel_loop3A_275, %parallel_loop3A_318 : vector<16xf32>
          %parallel_loop3A_320 = arith.index_cast %parallel_loop3A_294 : i32 to index
          %parallel_loop3A_321 = arith.constant 80 : index
          %parallel_loop3A_322 = tpu.vector_load %arg8[%parallel_loop3A_320, %parallel_loop3A_321] {strides = array<i32>} : memref<360x128xf32, #tpu.memory_space<vmem>>, vector<1x16xf32>,
          %parallel_loop3A_323 = vector.shape_cast %parallel_loop3A_322 : vector<1x16xf32> to vector<16xf32>
          %parallel_loop3A_324 = arith.addf %parallel_loop3A_280, %parallel_loop3A_323 : vector<16xf32>
          %parallel_loop3A_325 = arith.index_cast %parallel_loop3A_294 : i32 to index
          %parallel_loop3A_326 = arith.constant 96 : index
          %parallel_loop3A_327 = tpu.vector_load %arg8[%parallel_loop3A_325, %parallel_loop3A_326] {strides = array<i32>} : memref<360x128xf32, #tpu.memory_space<vmem>>, vector<1x16xf32>,
          %parallel_loop3A_328 = vector.shape_cast %parallel_loop3A_327 : vector<1x16xf32> to vector<16xf32>
          %parallel_loop3A_329 = arith.addf %parallel_loop3A_285, %parallel_loop3A_328 : vector<16xf32>
          %parallel_loop3A_330 = arith.index_cast %parallel_loop3A_294 : i32 to index
          %parallel_loop3A_331 = arith.constant 112 : index
          %parallel_loop3A_332 = tpu.vector_load %arg8[%parallel_loop3A_330, %parallel_loop3A_331] {strides = array<i32>} : memref<360x128xf32, #tpu.memory_space<vmem>>, vector<1x16xf32>,
          %parallel_loop3A_333 = vector.shape_cast %parallel_loop3A_332 : vector<1x16xf32> to vector<16xf32>
          %parallel_loop3A_334 = arith.addf %parallel_loop3A_290, %parallel_loop3A_333 : vector<16xf32>
          %parallel_loop3A_335 = arith.constant 9 : i32
          %parallel_loop3A_336 = arith.muli %parallel_loop3A_158, %parallel_loop3A_335 : i32
          %parallel_loop3A_337 = arith.constant 4 : i32
          %parallel_loop3A_338 = arith.addi %parallel_loop3A_336, %parallel_loop3A_337 : i32
          %parallel_loop3A_339 = arith.index_cast %parallel_loop3A_338 : i32 to index
          %parallel_loop3A_340 = arith.constant 0 : index
          %parallel_loop3A_341 = tpu.vector_load %arg8[%parallel_loop3A_339, %parallel_loop3A_340] {strides = array<i32>} : memref<360x128xf32, #tpu.memory_space<vmem>>, vector<1x16xf32>,
          %parallel_loop3A_342 = vector.shape_cast %parallel_loop3A_341 : vector<1x16xf32> to vector<16xf32>
          %parallel_loop3A_343 = arith.addf %parallel_loop3A_299, %parallel_loop3A_342 : vector<16xf32>
          %parallel_loop3A_344 = arith.index_cast %parallel_loop3A_338 : i32 to index
          %parallel_loop3A_345 = arith.constant 16 : index
          %parallel_loop3A_346 = tpu.vector_load %arg8[%parallel_loop3A_344, %parallel_loop3A_345] {strides = array<i32>} : memref<360x128xf32, #tpu.memory_space<vmem>>, vector<1x16xf32>,
          %parallel_loop3A_347 = vector.shape_cast %parallel_loop3A_346 : vector<1x16xf32> to vector<16xf32>
          %parallel_loop3A_348 = arith.addf %parallel_loop3A_304, %parallel_loop3A_347 : vector<16xf32>
          %parallel_loop3A_349 = arith.index_cast %parallel_loop3A_338 : i32 to index
          %parallel_loop3A_350 = arith.constant 32 : index
          %parallel_loop3A_351 = tpu.vector_load %arg8[%parallel_loop3A_349, %parallel_loop3A_350] {strides = array<i32>} : memref<360x128xf32, #tpu.memory_space<vmem>>, vector<1x16xf32>,
          %parallel_loop3A_352 = vector.shape_cast %parallel_loop3A_351 : vector<1x16xf32> to vector<16xf32>
          %parallel_loop3A_353 = arith.addf %parallel_loop3A_309, %parallel_loop3A_352 : vector<16xf32>
          %parallel_loop3A_354 = arith.index_cast %parallel_loop3A_338 : i32 to index
          %parallel_loop3A_355 = arith.constant 48 : index
          %parallel_loop3A_356 = tpu.vector_load %arg8[%parallel_loop3A_354, %parallel_loop3A_355] {strides = array<i32>} : memref<360x128xf32, #tpu.memory_space<vmem>>, vector<1x16xf32>,
          %parallel_loop3A_357 = vector.shape_cast %parallel_loop3A_356 : vector<1x16xf32> to vector<16xf32>
          %parallel_loop3A_358 = arith.addf %parallel_loop3A_314, %parallel_loop3A_357 : vector<16xf32>
          %parallel_loop3A_359 = arith.index_cast %parallel_loop3A_338 : i32 to index
          %parallel_loop3A_360 = arith.constant 64 : index
          %parallel_loop3A_361 = tpu.vector_load %arg8[%parallel_loop3A_359, %parallel_loop3A_360] {strides = array<i32>} : memref<360x128xf32, #tpu.memory_space<vmem>>, vector<1x16xf32>,
          %parallel_loop3A_362 = vector.shape_cast %parallel_loop3A_361 : vector<1x16xf32> to vector<16xf32>
          %parallel_loop3A_363 = arith.addf %parallel_loop3A_319, %parallel_loop3A_362 : vector<16xf32>
          %parallel_loop3A_364 = arith.index_cast %parallel_loop3A_338 : i32 to index
          %parallel_loop3A_365 = arith.constant 80 : index
          %parallel_loop3A_366 = tpu.vector_load %arg8[%parallel_loop3A_364, %parallel_loop3A_365] {strides = array<i32>} : memref<360x128xf32, #tpu.memory_space<vmem>>, vector<1x16xf32>,
          %parallel_loop3A_367 = vector.shape_cast %parallel_loop3A_366 : vector<1x16xf32> to vector<16xf32>
          %parallel_loop3A_368 = arith.addf %parallel_loop3A_324, %parallel_loop3A_367 : vector<16xf32>
          %parallel_loop3A_369 = arith.index_cast %parallel_loop3A_338 : i32 to index
          %parallel_loop3A_370 = arith.constant 96 : index
          %parallel_loop3A_371 = tpu.vector_load %arg8[%parallel_loop3A_369, %parallel_loop3A_370] {strides = array<i32>} : memref<360x128xf32, #tpu.memory_space<vmem>>, vector<1x16xf32>,
          %parallel_loop3A_372 = vector.shape_cast %parallel_loop3A_371 : vector<1x16xf32> to vector<16xf32>
          %parallel_loop3A_373 = arith.addf %parallel_loop3A_329, %parallel_loop3A_372 : vector<16xf32>
          %parallel_loop3A_374 = arith.index_cast %parallel_loop3A_338 : i32 to index
          %parallel_loop3A_375 = arith.constant 112 : index
          %parallel_loop3A_376 = tpu.vector_load %arg8[%parallel_loop3A_374, %parallel_loop3A_375] {strides = array<i32>} : memref<360x128xf32, #tpu.memory_space<vmem>>, vector<1x16xf32>,
          %parallel_loop3A_377 = vector.shape_cast %parallel_loop3A_376 : vector<1x16xf32> to vector<16xf32>
          %parallel_loop3A_378 = arith.addf %parallel_loop3A_334, %parallel_loop3A_377 : vector<16xf32>
          %parallel_loop3A_379 = arith.constant 9 : i32
          %parallel_loop3A_380 = arith.muli %parallel_loop3A_158, %parallel_loop3A_379 : i32
          %parallel_loop3A_381 = arith.constant 5 : i32
          %parallel_loop3A_382 = arith.addi %parallel_loop3A_380, %parallel_loop3A_381 : i32
          %parallel_loop3A_383 = arith.index_cast %parallel_loop3A_382 : i32 to index
          %parallel_loop3A_384 = arith.constant 0 : index
          %parallel_loop3A_385 = tpu.vector_load %arg8[%parallel_loop3A_383, %parallel_loop3A_384] {strides = array<i32>} : memref<360x128xf32, #tpu.memory_space<vmem>>, vector<1x16xf32>,
          %parallel_loop3A_386 = vector.shape_cast %parallel_loop3A_385 : vector<1x16xf32> to vector<16xf32>
          %parallel_loop3A_387 = arith.addf %parallel_loop3A_343, %parallel_loop3A_386 : vector<16xf32>
          %parallel_loop3A_388 = arith.index_cast %parallel_loop3A_382 : i32 to index
          %parallel_loop3A_389 = arith.constant 16 : index
          %parallel_loop3A_390 = tpu.vector_load %arg8[%parallel_loop3A_388, %parallel_loop3A_389] {strides = array<i32>} : memref<360x128xf32, #tpu.memory_space<vmem>>, vector<1x16xf32>,
          %parallel_loop3A_391 = vector.shape_cast %parallel_loop3A_390 : vector<1x16xf32> to vector<16xf32>
          %parallel_loop3A_392 = arith.addf %parallel_loop3A_348, %parallel_loop3A_391 : vector<16xf32>
          %parallel_loop3A_393 = arith.index_cast %parallel_loop3A_382 : i32 to index
          %parallel_loop3A_394 = arith.constant 32 : index
          %parallel_loop3A_395 = tpu.vector_load %arg8[%parallel_loop3A_393, %parallel_loop3A_394] {strides = array<i32>} : memref<360x128xf32, #tpu.memory_space<vmem>>, vector<1x16xf32>,
          %parallel_loop3A_396 = vector.shape_cast %parallel_loop3A_395 : vector<1x16xf32> to vector<16xf32>
          %parallel_loop3A_397 = arith.addf %parallel_loop3A_353, %parallel_loop3A_396 : vector<16xf32>
          %parallel_loop3A_398 = arith.index_cast %parallel_loop3A_382 : i32 to index
          %parallel_loop3A_399 = arith.constant 48 : index
          %parallel_loop3A_400 = tpu.vector_load %arg8[%parallel_loop3A_398, %parallel_loop3A_399] {strides = array<i32>} : memref<360x128xf32, #tpu.memory_space<vmem>>, vector<1x16xf32>,
          %parallel_loop3A_401 = vector.shape_cast %parallel_loop3A_400 : vector<1x16xf32> to vector<16xf32>
          %parallel_loop3A_402 = arith.addf %parallel_loop3A_358, %parallel_loop3A_401 : vector<16xf32>
          %parallel_loop3A_403 = arith.index_cast %parallel_loop3A_382 : i32 to index
          %parallel_loop3A_404 = arith.constant 64 : index
          %parallel_loop3A_405 = tpu.vector_load %arg8[%parallel_loop3A_403, %parallel_loop3A_404] {strides = array<i32>} : memref<360x128xf32, #tpu.memory_space<vmem>>, vector<1x16xf32>,
          %parallel_loop3A_406 = vector.shape_cast %parallel_loop3A_405 : vector<1x16xf32> to vector<16xf32>
          %parallel_loop3A_407 = arith.addf %parallel_loop3A_363, %parallel_loop3A_406 : vector<16xf32>
          %parallel_loop3A_408 = arith.index_cast %parallel_loop3A_382 : i32 to index
          %parallel_loop3A_409 = arith.constant 80 : index
          %parallel_loop3A_410 = tpu.vector_load %arg8[%parallel_loop3A_408, %parallel_loop3A_409] {strides = array<i32>} : memref<360x128xf32, #tpu.memory_space<vmem>>, vector<1x16xf32>,
          %parallel_loop3A_411 = vector.shape_cast %parallel_loop3A_410 : vector<1x16xf32> to vector<16xf32>
          %parallel_loop3A_412 = arith.addf %parallel_loop3A_368, %parallel_loop3A_411 : vector<16xf32>
          %parallel_loop3A_413 = arith.index_cast %parallel_loop3A_382 : i32 to index
          %parallel_loop3A_414 = arith.constant 96 : index
          %parallel_loop3A_415 = tpu.vector_load %arg8[%parallel_loop3A_413, %parallel_loop3A_414] {strides = array<i32>} : memref<360x128xf32, #tpu.memory_space<vmem>>, vector<1x16xf32>,
          %parallel_loop3A_416 = vector.shape_cast %parallel_loop3A_415 : vector<1x16xf32> to vector<16xf32>
          %parallel_loop3A_417 = arith.addf %parallel_loop3A_373, %parallel_loop3A_416 : vector<16xf32>
          %parallel_loop3A_418 = arith.index_cast %parallel_loop3A_382 : i32 to index
          %parallel_loop3A_419 = arith.constant 112 : index
          %parallel_loop3A_420 = tpu.vector_load %arg8[%parallel_loop3A_418, %parallel_loop3A_419] {strides = array<i32>} : memref<360x128xf32, #tpu.memory_space<vmem>>, vector<1x16xf32>,
          %parallel_loop3A_421 = vector.shape_cast %parallel_loop3A_420 : vector<1x16xf32> to vector<16xf32>
          %parallel_loop3A_422 = arith.addf %parallel_loop3A_378, %parallel_loop3A_421 : vector<16xf32>
          %parallel_loop3A_423 = arith.constant 9 : i32
          %parallel_loop3A_424 = arith.muli %parallel_loop3A_158, %parallel_loop3A_423 : i32
          %parallel_loop3A_425 = arith.constant 6 : i32
          %parallel_loop3A_426 = arith.addi %parallel_loop3A_424, %parallel_loop3A_425 : i32
          %parallel_loop3A_427 = arith.index_cast %parallel_loop3A_426 : i32 to index
          %parallel_loop3A_428 = arith.constant 0 : index
          %parallel_loop3A_429 = tpu.vector_load %arg8[%parallel_loop3A_427, %parallel_loop3A_428] {strides = array<i32>} : memref<360x128xf32, #tpu.memory_space<vmem>>, vector<1x16xf32>,
          %parallel_loop3A_430 = vector.shape_cast %parallel_loop3A_429 : vector<1x16xf32> to vector<16xf32>
          %parallel_loop3A_431 = arith.addf %parallel_loop3A_387, %parallel_loop3A_430 : vector<16xf32>
          %parallel_loop3A_432 = arith.index_cast %parallel_loop3A_426 : i32 to index
          %parallel_loop3A_433 = arith.constant 16 : index
          %parallel_loop3A_434 = tpu.vector_load %arg8[%parallel_loop3A_432, %parallel_loop3A_433] {strides = array<i32>} : memref<360x128xf32, #tpu.memory_space<vmem>>, vector<1x16xf32>,
          %parallel_loop3A_435 = vector.shape_cast %parallel_loop3A_434 : vector<1x16xf32> to vector<16xf32>
          %parallel_loop3A_436 = arith.addf %parallel_loop3A_392, %parallel_loop3A_435 : vector<16xf32>
          %parallel_loop3A_437 = arith.index_cast %parallel_loop3A_426 : i32 to index
          %parallel_loop3A_438 = arith.constant 32 : index
          %parallel_loop3A_439 = tpu.vector_load %arg8[%parallel_loop3A_437, %parallel_loop3A_438] {strides = array<i32>} : memref<360x128xf32, #tpu.memory_space<vmem>>, vector<1x16xf32>,
          %parallel_loop3A_440 = vector.shape_cast %parallel_loop3A_439 : vector<1x16xf32> to vector<16xf32>
          %parallel_loop3A_441 = arith.addf %parallel_loop3A_397, %parallel_loop3A_440 : vector<16xf32>
          %parallel_loop3A_442 = arith.index_cast %parallel_loop3A_426 : i32 to index
          %parallel_loop3A_443 = arith.constant 48 : index
          %parallel_loop3A_444 = tpu.vector_load %arg8[%parallel_loop3A_442, %parallel_loop3A_443] {strides = array<i32>} : memref<360x128xf32, #tpu.memory_space<vmem>>, vector<1x16xf32>,
          %parallel_loop3A_445 = vector.shape_cast %parallel_loop3A_444 : vector<1x16xf32> to vector<16xf32>
          %parallel_loop3A_446 = arith.addf %parallel_loop3A_402, %parallel_loop3A_445 : vector<16xf32>
          %parallel_loop3A_447 = arith.index_cast %parallel_loop3A_426 : i32 to index
          %parallel_loop3A_448 = arith.constant 64 : index
          %parallel_loop3A_449 = tpu.vector_load %arg8[%parallel_loop3A_447, %parallel_loop3A_448] {strides = array<i32>} : memref<360x128xf32, #tpu.memory_space<vmem>>, vector<1x16xf32>,
          %parallel_loop3A_450 = vector.shape_cast %parallel_loop3A_449 : vector<1x16xf32> to vector<16xf32>
          %parallel_loop3A_451 = arith.addf %parallel_loop3A_407, %parallel_loop3A_450 : vector<16xf32>
          %parallel_loop3A_452 = arith.index_cast %parallel_loop3A_426 : i32 to index
          %parallel_loop3A_453 = arith.constant 80 : index
          %parallel_loop3A_454 = tpu.vector_load %arg8[%parallel_loop3A_452, %parallel_loop3A_453] {strides = array<i32>} : memref<360x128xf32, #tpu.memory_space<vmem>>, vector<1x16xf32>,
          %parallel_loop3A_455 = vector.shape_cast %parallel_loop3A_454 : vector<1x16xf32> to vector<16xf32>
          %parallel_loop3A_456 = arith.addf %parallel_loop3A_412, %parallel_loop3A_455 : vector<16xf32>
          %parallel_loop3A_457 = arith.index_cast %parallel_loop3A_426 : i32 to index
          %parallel_loop3A_458 = arith.constant 96 : index
          %parallel_loop3A_459 = tpu.vector_load %arg8[%parallel_loop3A_457, %parallel_loop3A_458] {strides = array<i32>} : memref<360x128xf32, #tpu.memory_space<vmem>>, vector<1x16xf32>,
          %parallel_loop3A_460 = vector.shape_cast %parallel_loop3A_459 : vector<1x16xf32> to vector<16xf32>
          %parallel_loop3A_461 = arith.addf %parallel_loop3A_417, %parallel_loop3A_460 : vector<16xf32>
          %parallel_loop3A_462 = arith.index_cast %parallel_loop3A_426 : i32 to index
          %parallel_loop3A_463 = arith.constant 112 : index
          %parallel_loop3A_464 = tpu.vector_load %arg8[%parallel_loop3A_462, %parallel_loop3A_463] {strides = array<i32>} : memref<360x128xf32, #tpu.memory_space<vmem>>, vector<1x16xf32>,
          %parallel_loop3A_465 = vector.shape_cast %parallel_loop3A_464 : vector<1x16xf32> to vector<16xf32>
          %parallel_loop3A_466 = arith.addf %parallel_loop3A_422, %parallel_loop3A_465 : vector<16xf32>
          %parallel_loop3A_467 = arith.constant 9 : i32
          %parallel_loop3A_468 = arith.muli %parallel_loop3A_158, %parallel_loop3A_467 : i32
          %parallel_loop3A_469 = arith.constant 7 : i32
          %parallel_loop3A_470 = arith.addi %parallel_loop3A_468, %parallel_loop3A_469 : i32
          %parallel_loop3A_471 = arith.index_cast %parallel_loop3A_470 : i32 to index
          %parallel_loop3A_472 = arith.constant 0 : index
          %parallel_loop3A_473 = tpu.vector_load %arg8[%parallel_loop3A_471, %parallel_loop3A_472] {strides = array<i32>} : memref<360x128xf32, #tpu.memory_space<vmem>>, vector<1x16xf32>,
          %parallel_loop3A_474 = vector.shape_cast %parallel_loop3A_473 : vector<1x16xf32> to vector<16xf32>
          %parallel_loop3A_475 = arith.addf %parallel_loop3A_431, %parallel_loop3A_474 : vector<16xf32>
          %parallel_loop3A_476 = arith.index_cast %parallel_loop3A_470 : i32 to index
          %parallel_loop3A_477 = arith.constant 16 : index
          %parallel_loop3A_478 = tpu.vector_load %arg8[%parallel_loop3A_476, %parallel_loop3A_477] {strides = array<i32>} : memref<360x128xf32, #tpu.memory_space<vmem>>, vector<1x16xf32>,
          %parallel_loop3A_479 = vector.shape_cast %parallel_loop3A_478 : vector<1x16xf32> to vector<16xf32>
          %parallel_loop3A_480 = arith.addf %parallel_loop3A_436, %parallel_loop3A_479 : vector<16xf32>
          %parallel_loop3A_481 = arith.index_cast %parallel_loop3A_470 : i32 to index
          %parallel_loop3A_482 = arith.constant 32 : index
          %parallel_loop3A_483 = tpu.vector_load %arg8[%parallel_loop3A_481, %parallel_loop3A_482] {strides = array<i32>} : memref<360x128xf32, #tpu.memory_space<vmem>>, vector<1x16xf32>,
          %parallel_loop3A_484 = vector.shape_cast %parallel_loop3A_483 : vector<1x16xf32> to vector<16xf32>
          %parallel_loop3A_485 = arith.addf %parallel_loop3A_441, %parallel_loop3A_484 : vector<16xf32>
          %parallel_loop3A_486 = arith.index_cast %parallel_loop3A_470 : i32 to index
          %parallel_loop3A_487 = arith.constant 48 : index
          %parallel_loop3A_488 = tpu.vector_load %arg8[%parallel_loop3A_486, %parallel_loop3A_487] {strides = array<i32>} : memref<360x128xf32, #tpu.memory_space<vmem>>, vector<1x16xf32>,
          %parallel_loop3A_489 = vector.shape_cast %parallel_loop3A_488 : vector<1x16xf32> to vector<16xf32>
          %parallel_loop3A_490 = arith.addf %parallel_loop3A_446, %parallel_loop3A_489 : vector<16xf32>
          %parallel_loop3A_491 = arith.index_cast %parallel_loop3A_470 : i32 to index
          %parallel_loop3A_492 = arith.constant 64 : index
          %parallel_loop3A_493 = tpu.vector_load %arg8[%parallel_loop3A_491, %parallel_loop3A_492] {strides = array<i32>} : memref<360x128xf32, #tpu.memory_space<vmem>>, vector<1x16xf32>,
          %parallel_loop3A_494 = vector.shape_cast %parallel_loop3A_493 : vector<1x16xf32> to vector<16xf32>
          %parallel_loop3A_495 = arith.addf %parallel_loop3A_451, %parallel_loop3A_494 : vector<16xf32>
          %parallel_loop3A_496 = arith.index_cast %parallel_loop3A_470 : i32 to index
          %parallel_loop3A_497 = arith.constant 80 : index
          %parallel_loop3A_498 = tpu.vector_load %arg8[%parallel_loop3A_496, %parallel_loop3A_497] {strides = array<i32>} : memref<360x128xf32, #tpu.memory_space<vmem>>, vector<1x16xf32>,
          %parallel_loop3A_499 = vector.shape_cast %parallel_loop3A_498 : vector<1x16xf32> to vector<16xf32>
          %parallel_loop3A_500 = arith.addf %parallel_loop3A_456, %parallel_loop3A_499 : vector<16xf32>
          %parallel_loop3A_501 = arith.index_cast %parallel_loop3A_470 : i32 to index
          %parallel_loop3A_502 = arith.constant 96 : index
          %parallel_loop3A_503 = tpu.vector_load %arg8[%parallel_loop3A_501, %parallel_loop3A_502] {strides = array<i32>} : memref<360x128xf32, #tpu.memory_space<vmem>>, vector<1x16xf32>,
          %parallel_loop3A_504 = vector.shape_cast %parallel_loop3A_503 : vector<1x16xf32> to vector<16xf32>
          %parallel_loop3A_505 = arith.addf %parallel_loop3A_461, %parallel_loop3A_504 : vector<16xf32>
          %parallel_loop3A_506 = arith.index_cast %parallel_loop3A_470 : i32 to index
          %parallel_loop3A_507 = arith.constant 112 : index
          %parallel_loop3A_508 = tpu.vector_load %arg8[%parallel_loop3A_506, %parallel_loop3A_507] {strides = array<i32>} : memref<360x128xf32, #tpu.memory_space<vmem>>, vector<1x16xf32>,
          %parallel_loop3A_509 = vector.shape_cast %parallel_loop3A_508 : vector<1x16xf32> to vector<16xf32>
          %parallel_loop3A_510 = arith.addf %parallel_loop3A_466, %parallel_loop3A_509 : vector<16xf32>
          %parallel_loop3A_511 = arith.constant 9 : i32
          %parallel_loop3A_512 = arith.muli %parallel_loop3A_158, %parallel_loop3A_511 : i32
          %parallel_loop3A_513 = arith.constant 8 : i32
          %parallel_loop3A_514 = arith.addi %parallel_loop3A_512, %parallel_loop3A_513 : i32
          %parallel_loop3A_515 = arith.index_cast %parallel_loop3A_514 : i32 to index
          %parallel_loop3A_516 = arith.constant 0 : index
          %parallel_loop3A_517 = tpu.vector_load %arg8[%parallel_loop3A_515, %parallel_loop3A_516] {strides = array<i32>} : memref<360x128xf32, #tpu.memory_space<vmem>>, vector<1x16xf32>,
          %parallel_loop3A_518 = vector.shape_cast %parallel_loop3A_517 : vector<1x16xf32> to vector<16xf32>
          %parallel_loop3A_519 = arith.addf %parallel_loop3A_475, %parallel_loop3A_518 : vector<16xf32>
          %parallel_loop3A_520 = arith.index_cast %parallel_loop3A_514 : i32 to index
          %parallel_loop3A_521 = arith.constant 16 : index
          %parallel_loop3A_522 = tpu.vector_load %arg8[%parallel_loop3A_520, %parallel_loop3A_521] {strides = array<i32>} : memref<360x128xf32, #tpu.memory_space<vmem>>, vector<1x16xf32>,
          %parallel_loop3A_523 = vector.shape_cast %parallel_loop3A_522 : vector<1x16xf32> to vector<16xf32>
          %parallel_loop3A_524 = arith.addf %parallel_loop3A_480, %parallel_loop3A_523 : vector<16xf32>
          %parallel_loop3A_525 = arith.index_cast %parallel_loop3A_514 : i32 to index
          %parallel_loop3A_526 = arith.constant 32 : index
          %parallel_loop3A_527 = tpu.vector_load %arg8[%parallel_loop3A_525, %parallel_loop3A_526] {strides = array<i32>} : memref<360x128xf32, #tpu.memory_space<vmem>>, vector<1x16xf32>,
          %parallel_loop3A_528 = vector.shape_cast %parallel_loop3A_527 : vector<1x16xf32> to vector<16xf32>
          %parallel_loop3A_529 = arith.addf %parallel_loop3A_485, %parallel_loop3A_528 : vector<16xf32>
          %parallel_loop3A_530 = arith.index_cast %parallel_loop3A_514 : i32 to index
          %parallel_loop3A_531 = arith.constant 48 : index
          %parallel_loop3A_532 = tpu.vector_load %arg8[%parallel_loop3A_530, %parallel_loop3A_531] {strides = array<i32>} : memref<360x128xf32, #tpu.memory_space<vmem>>, vector<1x16xf32>,
          %parallel_loop3A_533 = vector.shape_cast %parallel_loop3A_532 : vector<1x16xf32> to vector<16xf32>
          %parallel_loop3A_534 = arith.addf %parallel_loop3A_490, %parallel_loop3A_533 : vector<16xf32>
          %parallel_loop3A_535 = arith.index_cast %parallel_loop3A_514 : i32 to index
          %parallel_loop3A_536 = arith.constant 64 : index
          %parallel_loop3A_537 = tpu.vector_load %arg8[%parallel_loop3A_535, %parallel_loop3A_536] {strides = array<i32>} : memref<360x128xf32, #tpu.memory_space<vmem>>, vector<1x16xf32>,
          %parallel_loop3A_538 = vector.shape_cast %parallel_loop3A_537 : vector<1x16xf32> to vector<16xf32>
          %parallel_loop3A_539 = arith.addf %parallel_loop3A_495, %parallel_loop3A_538 : vector<16xf32>
          %parallel_loop3A_540 = arith.index_cast %parallel_loop3A_514 : i32 to index
          %parallel_loop3A_541 = arith.constant 80 : index
          %parallel_loop3A_542 = tpu.vector_load %arg8[%parallel_loop3A_540, %parallel_loop3A_541] {strides = array<i32>} : memref<360x128xf32, #tpu.memory_space<vmem>>, vector<1x16xf32>,
          %parallel_loop3A_543 = vector.shape_cast %parallel_loop3A_542 : vector<1x16xf32> to vector<16xf32>
          %parallel_loop3A_544 = arith.addf %parallel_loop3A_500, %parallel_loop3A_543 : vector<16xf32>
          %parallel_loop3A_545 = arith.index_cast %parallel_loop3A_514 : i32 to index
          %parallel_loop3A_546 = arith.constant 96 : index
          %parallel_loop3A_547 = tpu.vector_load %arg8[%parallel_loop3A_545, %parallel_loop3A_546] {strides = array<i32>} : memref<360x128xf32, #tpu.memory_space<vmem>>, vector<1x16xf32>,
          %parallel_loop3A_548 = vector.shape_cast %parallel_loop3A_547 : vector<1x16xf32> to vector<16xf32>
          %parallel_loop3A_549 = arith.addf %parallel_loop3A_505, %parallel_loop3A_548 : vector<16xf32>
          %parallel_loop3A_550 = arith.index_cast %parallel_loop3A_514 : i32 to index
          %parallel_loop3A_551 = arith.constant 112 : index
          %parallel_loop3A_552 = tpu.vector_load %arg8[%parallel_loop3A_550, %parallel_loop3A_551] {strides = array<i32>} : memref<360x128xf32, #tpu.memory_space<vmem>>, vector<1x16xf32>,
          %parallel_loop3A_553 = vector.shape_cast %parallel_loop3A_552 : vector<1x16xf32> to vector<16xf32>
          %parallel_loop3A_554 = arith.addf %parallel_loop3A_510, %parallel_loop3A_553 : vector<16xf32>
          %parallel_loop3A_555 = arith.index_cast %parallel_loop3A_158 : i32 to index
          %parallel_loop3A_556 = arith.constant 0 : index
          %parallel_loop3A_557 = tpu.vector_load %arg10[%parallel_loop3A_555, %parallel_loop3A_556] {strides = array<i32>} : memref<40x128xf32, #tpu.memory_space<vmem>>, vector<1x16xf32>,
          %parallel_loop3A_558 = vector.shape_cast %parallel_loop3A_557 : vector<1x16xf32> to vector<16xf32>
          %parallel_loop3A_559 = vector.shape_cast %parallel_loop3A_519 : vector<16xf32> to vector<1x16xf32>
          tpu.vector_store %arg10[%parallel_loop3A_555, %parallel_loop3A_556], %parallel_loop3A_559 {strides = array<i32>} : memref<40x128xf32, #tpu.memory_space<vmem>>, vector<1x16xf32>,
          %parallel_loop3A_560 = arith.index_cast %parallel_loop3A_158 : i32 to index
          %parallel_loop3A_561 = arith.constant 16 : index
          %parallel_loop3A_562 = tpu.vector_load %arg10[%parallel_loop3A_560, %parallel_loop3A_561] {strides = array<i32>} : memref<40x128xf32, #tpu.memory_space<vmem>>, vector<1x16xf32>,
          %parallel_loop3A_563 = vector.shape_cast %parallel_loop3A_562 : vector<1x16xf32> to vector<16xf32>
          %parallel_loop3A_564 = vector.shape_cast %parallel_loop3A_524 : vector<16xf32> to vector<1x16xf32>
          tpu.vector_store %arg10[%parallel_loop3A_560, %parallel_loop3A_561], %parallel_loop3A_564 {strides = array<i32>} : memref<40x128xf32, #tpu.memory_space<vmem>>, vector<1x16xf32>,
          %parallel_loop3A_565 = arith.index_cast %parallel_loop3A_158 : i32 to index
          %parallel_loop3A_566 = arith.constant 32 : index
          %parallel_loop3A_567 = tpu.vector_load %arg10[%parallel_loop3A_565, %parallel_loop3A_566] {strides = array<i32>} : memref<40x128xf32, #tpu.memory_space<vmem>>, vector<1x16xf32>,
          %parallel_loop3A_568 = vector.shape_cast %parallel_loop3A_567 : vector<1x16xf32> to vector<16xf32>
          %parallel_loop3A_569 = vector.shape_cast %parallel_loop3A_529 : vector<16xf32> to vector<1x16xf32>
          tpu.vector_store %arg10[%parallel_loop3A_565, %parallel_loop3A_566], %parallel_loop3A_569 {strides = array<i32>} : memref<40x128xf32, #tpu.memory_space<vmem>>, vector<1x16xf32>,
          %parallel_loop3A_570 = arith.index_cast %parallel_loop3A_158 : i32 to index
          %parallel_loop3A_571 = arith.constant 48 : index
          %parallel_loop3A_572 = tpu.vector_load %arg10[%parallel_loop3A_570, %parallel_loop3A_571] {strides = array<i32>} : memref<40x128xf32, #tpu.memory_space<vmem>>, vector<1x16xf32>,
          %parallel_loop3A_573 = vector.shape_cast %parallel_loop3A_572 : vector<1x16xf32> to vector<16xf32>
          %parallel_loop3A_574 = vector.shape_cast %parallel_loop3A_534 : vector<16xf32> to vector<1x16xf32>
          tpu.vector_store %arg10[%parallel_loop3A_570, %parallel_loop3A_571], %parallel_loop3A_574 {strides = array<i32>} : memref<40x128xf32, #tpu.memory_space<vmem>>, vector<1x16xf32>,
          %parallel_loop3A_575 = arith.index_cast %parallel_loop3A_158 : i32 to index
          %parallel_loop3A_576 = arith.constant 64 : index
          %parallel_loop3A_577 = tpu.vector_load %arg10[%parallel_loop3A_575, %parallel_loop3A_576] {strides = array<i32>} : memref<40x128xf32, #tpu.memory_space<vmem>>, vector<1x16xf32>,
          %parallel_loop3A_578 = vector.shape_cast %parallel_loop3A_577 : vector<1x16xf32> to vector<16xf32>
          %parallel_loop3A_579 = vector.shape_cast %parallel_loop3A_539 : vector<16xf32> to vector<1x16xf32>
          tpu.vector_store %arg10[%parallel_loop3A_575, %parallel_loop3A_576], %parallel_loop3A_579 {strides = array<i32>} : memref<40x128xf32, #tpu.memory_space<vmem>>, vector<1x16xf32>,
          %parallel_loop3A_580 = arith.index_cast %parallel_loop3A_158 : i32 to index
          %parallel_loop3A_581 = arith.constant 80 : index
          %parallel_loop3A_582 = tpu.vector_load %arg10[%parallel_loop3A_580, %parallel_loop3A_581] {strides = array<i32>} : memref<40x128xf32, #tpu.memory_space<vmem>>, vector<1x16xf32>,
          %parallel_loop3A_583 = vector.shape_cast %parallel_loop3A_582 : vector<1x16xf32> to vector<16xf32>
          %parallel_loop3A_584 = vector.shape_cast %parallel_loop3A_544 : vector<16xf32> to vector<1x16xf32>
          tpu.vector_store %arg10[%parallel_loop3A_580, %parallel_loop3A_581], %parallel_loop3A_584 {strides = array<i32>} : memref<40x128xf32, #tpu.memory_space<vmem>>, vector<1x16xf32>,
          %parallel_loop3A_585 = arith.index_cast %parallel_loop3A_158 : i32 to index
          %parallel_loop3A_586 = arith.constant 96 : index
          %parallel_loop3A_587 = tpu.vector_load %arg10[%parallel_loop3A_585, %parallel_loop3A_586] {strides = array<i32>} : memref<40x128xf32, #tpu.memory_space<vmem>>, vector<1x16xf32>,
          %parallel_loop3A_588 = vector.shape_cast %parallel_loop3A_587 : vector<1x16xf32> to vector<16xf32>
          %parallel_loop3A_589 = vector.shape_cast %parallel_loop3A_549 : vector<16xf32> to vector<1x16xf32>
          tpu.vector_store %arg10[%parallel_loop3A_585, %parallel_loop3A_586], %parallel_loop3A_589 {strides = array<i32>} : memref<40x128xf32, #tpu.memory_space<vmem>>, vector<1x16xf32>,
          %parallel_loop3A_590 = arith.index_cast %parallel_loop3A_158 : i32 to index
          %parallel_loop3A_591 = arith.constant 112 : index
          %parallel_loop3A_592 = tpu.vector_load %arg10[%parallel_loop3A_590, %parallel_loop3A_591] {strides = array<i32>} : memref<40x128xf32, #tpu.memory_space<vmem>>, vector<1x16xf32>,
          %parallel_loop3A_593 = vector.shape_cast %parallel_loop3A_592 : vector<1x16xf32> to vector<16xf32>
          %parallel_loop3A_594 = vector.shape_cast %parallel_loop3A_554 : vector<16xf32> to vector<1x16xf32>
          tpu.vector_store %arg10[%parallel_loop3A_590, %parallel_loop3A_591], %parallel_loop3A_594 {strides = array<i32>} : memref<40x128xf32, #tpu.memory_space<vmem>>, vector<1x16xf32>,
        } {sc.loop_unroll_factor = 2 : i64, sc.parallel_access}
        %mul3A_151 = arith.constant 40 : i32
        %mul3A_152 = arith.muli %add3A_107, %mul3A_151 : i32
        %add3A_153 = arith.addi %select_n3A, %mul3A_152 : i32
        %dma_start3A_154 = arith.constant 0 : i32
        %dma_start3A_155 = tpu.memref_slice %arg5[%add3A_153, %dma_start3A_154] : memref<51200x128xf32, #tpu.memory_space<hbm>> -> memref<40x128xf32, #tpu.memory_space<hbm>>
        %dma_start3A_156 = arith.constant 0 : i32
        %dma_start3A_157 = tpu.memref_slice %arg5[%add3A_153, %dma_start3A_156] : memref<51200x128xf32, #tpu.memory_space<hbm>> -> memref<40x128xf32, #tpu.memory_space<hbm>>
        tpu.enqueue_dma source(%arg10 : memref<40x128xf32, #tpu.memory_space<vmem>>) target(%dma_start3A_157 : memref<40x128xf32, #tpu.memory_space<hbm>>) target_semaphore(%arg15 : memref<!tpu.dma_semaphore, #tpu.memory_space<semaphore_mem>>)
      } else {
      }
    }
    %scan3A_73 = arith.constant 31 : i32
    %dma_wait3A = arith.constant 0 : i32
    %dma_wait3A_74 = tpu.memref_slice %arg5[%select_n3A, %dma_wait3A] : memref<51200x128xf32, #tpu.memory_space<hbm>> -> memref<40x128xf32, #tpu.memory_space<hbm>>
    %dma_wait3A_75 = arith.constant 0 : i32
    %dma_wait3A_76 = tpu.memref_slice %arg5[%select_n3A, %dma_wait3A_75] : memref<51200x128xf32, #tpu.memory_space<hbm>> -> memref<40x128xf32, #tpu.memory_space<hbm>>
    tpu.wait_dma2 semaphore(%arg14 : memref<!tpu.dma_semaphore, #tpu.memory_space<semaphore_mem>>) src(%arg9 : memref<40x128xf32, #tpu.memory_space<vmem>>) dst(%dma_wait3A_76 : memref<40x128xf32, #tpu.memory_space<hbm>>)
    %dma_wait3A_77 = arith.constant 0 : i32
    %dma_wait3A_78 = tpu.memref_slice %arg5[%select_n3A, %dma_wait3A_77] : memref<51200x128xf32, #tpu.memory_space<hbm>> -> memref<40x128xf32, #tpu.memory_space<hbm>>
    %dma_wait3A_79 = arith.constant 0 : i32
    %dma_wait3A_80 = tpu.memref_slice %arg5[%select_n3A, %dma_wait3A_79] : memref<51200x128xf32, #tpu.memory_space<hbm>> -> memref<40x128xf32, #tpu.memory_space<hbm>>
    tpu.wait_dma2 semaphore(%arg15 : memref<!tpu.dma_semaphore, #tpu.memory_space<semaphore_mem>>) src(%arg10 : memref<40x128xf32, #tpu.memory_space<vmem>>) dst(%dma_wait3A_80 : memref<40x128xf32, #tpu.memory_space<hbm>>)
    return
  }
}

module attributes {stable_mosaic.version = 14 : i64} {
  func.func @_matmul_body(%arg0: i32, %arg1: i32, %arg2: memref<25088x128xbf16, #tpu.memory_space<vmem>>, %arg3: memref<128x128xbf16, #tpu.memory_space<vmem>>, %arg4: memref<25088x128xf32, #tpu.memory_space<vmem>>) attributes {dimension_semantics = [#tpu.dimension_semantics<arbitrary>, #tpu.dimension_semantics<arbitrary>], iteration_bounds = array<i64: 2, 9>, scalar_prefetch = 0 : i64, scratch_operands = 0 : i64, tpu.core_type = #tpu.core_type<tc>, window_params = [{transform_indices = @transform_0, window_bounds = array<i64: 25088, 128>}, {transform_indices = @transform_1, window_bounds = array<i64: 128, 128>}, {transform_indices = @transform_2, window_bounds = array<i64: 25088, 128>}]} {
    %get3A = arith.constant 0 : index
    %get3A_0 = arith.constant 0 : index
    %get3A_1 = vector.load %arg2[%get3A, %get3A_0] : memref<25088x128xbf16, #tpu.memory_space<vmem>>, vector<25088x128xbf16>
    %get3A_2 = arith.constant 0 : index
    %get3A_3 = arith.constant 0 : index
    %get3A_4 = vector.load %arg3[%get3A_2, %get3A_3] : memref<128x128xbf16, #tpu.memory_space<vmem>>, vector<128x128xbf16>
    %dot_general3A = arith.constant dense<0.000000e+00> : vector<25088x128xf32>
    %dot_general3A_5 = tpu.matmul %get3A_1, %get3A_4, %dot_general3A {dimension_numbers = #tpu.dot_dimension_numbers<[1], [0], [0], [1], [0, 0, 1, 1], [], []>, transpose_lhs_hint = false} : vector<25088x128xbf16>, vector<128x128xbf16>, vector<25088x128xf32> -> vector<25088x128xf32>
    %swap3A = arith.constant 0 : index
    %swap3A_6 = arith.constant 0 : index
    %swap3A_7 = vector.load %arg4[%swap3A, %swap3A_6] : memref<25088x128xf32, #tpu.memory_space<vmem>>, vector<25088x128xf32>
    tpu.vector_store %arg4[%swap3A, %swap3A_6], %dot_general3A_5 {strides = array<i32>} : memref<25088x128xf32, #tpu.memory_space<vmem>>, vector<25088x128xf32>,
    return
  }
  func.func @transform_0(%arg0: i32, %arg1: i32) -> (i32, i32) {
    %c0_i32 = arith.constant 0 : i32
    %c0_i32_0 = arith.constant 0 : i32
    return %arg0, %c0_i32 : i32, i32
  }
  func.func @transform_1(%arg0: i32, %arg1: i32) -> (i32, i32) {
    %c0_i32 = arith.constant 0 : i32
    %c0_i32_0 = arith.constant 0 : i32
    return %c0_i32, %arg1 : i32, i32
  }
  func.func @transform_2(%arg0: i32, %arg1: i32) -> (i32, i32) {
    %mul3A = arith.constant 2 : i32
    %mul3A_0 = arith.muli %arg1, %mul3A : i32
    %add3A = arith.addi %mul3A_0, %arg0 : i32
    %c0_i32 = arith.constant 0 : i32
    %c0_i32_1 = arith.constant 0 : i32
    return %add3A, %c0_i32 : i32, i32
  }
}

</mosaic_0001>

<sc_bundles>
// kernel: kernel.4.cloned.1.call-start
scs
__scs_entry_jumppad:
0x0: {  	(pc) =	sbr.rel $0x88, $3  }
0x1: {  	(tag) =	ssettag $0x0;
	lr =	simm.s32 $0x1  }
0x2: {  	[smem:$0x3F9D] =	sst lr;
	_ =	strace $0xD0000000  }
0x3: {  	_ = 	snop  }
0x4: {  	_ = 	snop  }
0x5: {  	_ = 	snop  }
0x6: {  	_ = 	snop  }
0x7: {  	_ = 	snop  }
__scs_overlays_trampoline_lowered:
0x8: {  	[smem:$0x3FAC] =	sst s0  }
0x9: {  	[smem:$0x3FAD] =	sst s1  }
0xa: {  	[smem:$0x3FAE] =	sst s2  }
0xb: {  	[smem:$0x3FAF] =	sst s3  }
0xc: {  	[smem:$0x3FB0] =	sst s4  }
0xd: {  	[smem:$0x3FB1] =	sst s5  }
0xe: {  	[smem:$0x3FB2] =	sst s6  }
0xf: {  	[smem:$0x3FB3] =	sst s7  }
0x10: {  	[smem:$0x3FB4] =	sst s8  }
0x11: {  	[smem:$0x3FB5] =	sst s9;
	s0 =	simm.s32 @!p0 $0x0  }
0x12: {  	s1 =	sld [smem:$0x3F9B];
	s0 =	simm.s32 @p0 $0x1  }
0x13: {  	[smem:$0x3FB6] =	sst s0;
	s0 =	simm.s32 @!p1 $0x0  }
0x14: {  	s2 =	sld [smem:$0x3F9A];
	s0 =	simm.s32 @p1 $0x1  }
0x15: {  	[smem:$0x3FB7] =	sst s0;
	s0 =	simm.s32 @!p2 $0x0  }
0x16: {  	s3 =	sld [smem:$0x3FDB];
	s0 =	simm.s32 @p2 $0x1  }
0x17: {  	s4 =	simm.s32 $0x1BF5;
	[smem:$0x3FB9] =	sst s0  }
0x18: {  	s0 =	sld [smem:$0x3F9C];
	_ =	swait.ge [sflag:s4], $0x0  }
0x19: {  	s7 =	sld [smem:$0x3F9D]  }
0x1a: {  	s8 =	sadd.s32 $0xFFFFE003, lr  }
0x1b: {  	s9 =	sadd.s32 $0xFFFFFEF7, lr;
	s5 =	simm.s32 $0xFFFFFFFF;
	p2 =	slt.u32 s8, $0xFFFFF086  }
0x1c: {  	p1 =	slt.u32 s9, $0xF7A;
	s5 =	simm.s32 @!p2 $0x0  }
0x1d: {  	s5 =	simm.s32 @p1 $0x1;
	p0 =	seq.s32 s7, s2  }
0x1e: {  	s7 =	smul.u32 @!p0 $0xF7A, s2;
	p2 =	seq.s32 @!p0 s5, $0x0  }
0x1f: {  	s9 =	smul.u32 $0xF7A, s1;
	s8 =	simm.s32 @!p0 $0x1BF5;
	p2 =	por !p2, p0  }
0x20: {  	[sflag:s8] =	ssyncset.s32 @!p0 $0xFFFFF086;
	s6 =	sadd.s32 @!p0 s3, s7;
	s7 =	simm.s32 @!p0 $0x108  }
0x21: {  	s3 =	sadd.s32 s3, s9;
	s6 =	sadd.s32 @!p0 $0x88, s6;
	s7 =	simm.s32 @p2 $0x1082  }
0x22: {  	[simem:s7], [sflag:s8] =	dma.local @!p0 [hbm:s6], $0xF7A  }
0x23: {  	s9 =	sor.u32 $0xD0000000, s2;
	s6 =	simm.s32 $0x108;
	_ =	swait.ge @!p0 [sflag:s8], $0x0  }
0x24: {  	s3 =	sadd.s32 $0x88, s3;
	s6 =	simm.s32 @!p1 $0x1082;
	[sflag:s4] =	ssyncset.s32 $0xFFFFF086  }
0x25: {  	[simem:s6], [sflag:s4] =	dma.local [hbm:s3], $0xF7A  }
0x26: {  	[smem:$0x3F9D] =	sst s1;
	(tag) =	ssettag s2;
	_ =	strace s9  }
0x27: {  	s1 =	sld [smem:$0x3FAD]  }
0x28: {  	s2 =	sld [smem:$0x3FAE]  }
0x29: {  	s4 =	sld [smem:$0x3FB0]  }
0x2a: {  	p0 =	seq.s32 s5, $0x0;
	s5 =	sld [smem:$0x3FB1]  }
0x2b: {  	s6 =	sld [smem:$0x3FB2]  }
0x2c: {  	s7 =	sld [smem:$0x3FB3]  }
0x2d: {  	s3 =	simm.s32 $0x108;
	s8 =	sld [smem:$0x3FB4]  }
0x2e: {  	s3 =	simm.s32 @!p0 $0x1082;
	s9 =	sld [smem:$0x3FB5]  }
0x2f: {  	lr =	sadd.s32 s0, s3;
	s0 =	sld [smem:$0x3FAC]  }
0x30: {  	s3 =	sld [smem:$0x3FAF]  }
0x31: {  	[smem:$0x3FB8] =	sst s10  }
0x32: {  	s10 =	sld [smem:$0x3FB6];
	_ =	sdelay $0x3  }
0x33: {  	p0 =	seq.s32 s10, $0x1;
	s10 =	sld [smem:$0x3FB8];
	_ =	sdelay $0x3  }
0x34: {  	[smem:$0x3FB8] =	sst s10  }
0x35: {  	s10 =	sld [smem:$0x3FB7];
	_ =	sdelay $0x3  }
0x36: {  	p1 =	seq.s32 s10, $0x1;
	s10 =	sld [smem:$0x3FB8];
	_ =	sdelay $0x3  }
0x37: {  	[smem:$0x3FB8] =	sst s10  }
0x38: {  	s10 =	sld [smem:$0x3FB9]  }
0x39: {  	_ = 	snop;
	(pc) =	sbr.ind lr, $3  }
0x3a: {  	_ = 	snop  }
0x3b: {  	_ = 	snop  }
0x3c: {  	p2 =	seq.s32 s10, $0x1;
	s10 =	sld [smem:$0x3FB8]  }
0x3d: {  	_ =	shalt  }
0x3e: {  	_ =	shalt  }
0x3f: {  	_ =	shalt  }
0x40: {  	_ =	shalt  }
0x41: {  	_ =	shalt  }
0x42: {  	_ =	shalt  }
0x43: {  	_ =	shalt  }
0x44: {  	_ =	shalt  }
0x45: {  	_ =	shalt  }
0x46: {  	_ =	shalt  }
0x47: {  	_ =	shalt  }
0x48: {  	_ =	shalt  }
0x49: {  	_ =	shalt  }
0x4a: {  	_ =	shalt  }
0x4b: {  	_ =	shalt  }
0x4c: {  	_ =	shalt  }
0x4d: {  	_ =	shalt  }
0x4e: {  	_ =	shalt  }
0x4f: {  	_ =	shalt  }
0x50: {  	_ =	shalt  }
0x51: {  	_ =	shalt  }
0x52: {  	_ =	shalt  }
0x53: {  	_ =	shalt  }
0x54: {  	_ =	shalt  }
0x55: {  	_ =	shalt  }
0x56: {  	_ =	shalt  }
0x57: {  	_ =	shalt  }
0x58: {  	_ =	shalt  }
0x59: {  	_ =	shalt  }
0x5a: {  	_ =	shalt  }
0x5b: {  	_ =	shalt  }
0x5c: {  	_ =	shalt  }
0x5d: {  	_ =	shalt  }
0x5e: {  	_ =	shalt  }
0x5f: {  	_ =	shalt  }
0x60: {  	_ =	shalt  }
0x61: {  	_ =	shalt  }
0x62: {  	_ =	shalt  }
0x63: {  	_ =	shalt  }
0x64: {  	_ =	shalt  }
0x65: {  	_ =	shalt  }
0x66: {  	_ =	shalt  }
0x67: {  	_ =	shalt  }
0x68: {  	_ =	shalt  }
0x69: {  	_ =	shalt  }
0x6a: {  	_ =	shalt  }
0x6b: {  	_ =	shalt  }
0x6c: {  	_ =	shalt  }
0x6d: {  	_ =	shalt  }
0x6e: {  	_ =	shalt  }
0x6f: {  	_ =	shalt  }
0x70: {  	_ =	shalt  }
0x71: {  	_ =	shalt  }
0x72: {  	_ =	shalt  }
0x73: {  	_ =	shalt  }
0x74: {  	_ =	shalt  }
0x75: {  	_ =	shalt  }
0x76: {  	_ =	shalt  }
0x77: {  	_ =	shalt  }
0x78: {  	_ =	shalt  }
0x79: {  	_ =	shalt  }
0x7a: {  	_ =	shalt  }
0x7b: {  	_ =	shalt  }
0x7c: {  	_ =	shalt  }
0x7d: {  	_ =	shalt  }
0x7e: {  	_ =	shalt  }
0x7f: {  	_ =	shalt  }
0x80: {  	_ =	shalt  }
0x81: {  	_ =	shalt  }
0x82: {  	_ =	shalt  }
0x83: {  	_ =	shalt  }
0x84: {  	_ =	shalt  }
0x85: {  	_ =	shalt  }
0x86: {  	_ =	shalt  }
0x87: {  	_ =	shalt  }
.Lfunc_end0:
.L_simem_size_0:
called_computation_lowered:
.L_overlay_start_0:
0x88: {  	s2 =	sld [smem:$0x3FD9]  }
0x89: {  	s3 =	sld [smem:$0x3FFE];
	_ =	sdelay $0x1  }
0x8a: {  	s1 =	srdreg.scid  }
0x8b: {  	s0 =	sand.u32 $0x1, s1  }
0x8c: {  	s17 =	sshll.u32 s0, $0xA;
	s2 =	sadd.s32 s3, s2  }
0x8d: {  	s2 =	sadd.s32 s2, s17  }
0x8e: {  	[smem:$0x3FC4] =	sst s2  }
0x8f: {  	_ = 	snop  }
0x90: {  	s2 =	sld [smem:$0x3FC6]  }
0x91: {  	s18 =	sld [smem:$0x3FD0];
	(tm) =	ssettm $0x1  }
0x92: {  	s4 =	sld [smem:$0x3FFB];
	_ =	sdelay $0x3  }
0x93: {  	_ =	strace s4  }
0x94: {  	s4 =	sld [smem:$0x3FFC];
	_ =	sdelay $0x3  }
0x95: {  	_ =	strace s4  }
0x96: {  	s4 =	sld [smem:$0x3FFD];
	_ =	sdelay $0x3  }
0x97: {  	_ =	strace s4  }
0x98: {  	_ =	strace $0x8FFFFFFF  }
0x99: {  	s19 =	sld [smem:$0x3FDB];
	_ =	sdelay $0x1  }
0x9a: {  	s5 =	simm.s32 $_scs_section_size  }
0x9b: {  	s6 =	simm.s32 $_size__tile_overlayer_lowered;
	s7 =	simm.s32 $_tile_overlayer_lowered  }
0x9c: {  	s22 =	simm.s32 $0x1BFF;
	s21 =	sshll.u32 s7, $0x1;
	s4 =	sadd.s32 s5, s19  }
0x9d: {  	s8 =	simm.s32 $0x0;
	s20 =	sshll.u32 s6, $0x1;
	s6 =	sadd.s32 s21, s4  }
0x9e: {  	[timem:s8], [sflag:s22] =	dma.local [hbm:s6], s20  }
0x9f: {  	_ =	swait.ge [sflag:s22], s20  }
0xa0: {  	s5 =	ssub.s32 $0x0, s20;
	[sflag:s22] =	ssyncset.done $0x0  }
0xa1: {  	[sflag:s22] =	ssyncadd.s32 s5;
	_ =	sdelay $0x1  }
0xa2: {  	s23 =	simm.s32 $0x1B8B  }
0xa3: {  	_ =	swait.ge [sflag:s23], $0x1  }
0xa4: {  	[sflag:s23] =	ssyncset.done $0x0  }
0xa5: {  	s25 =	simm.s32 $0x1B8E;
	s24 =	sld [smem:$0x3FFE];
	[sflag:s23] =	ssyncadd.s32 $0xFFFFFFFF  }
0xa6: {  	s26 =	simm.s32 $execute0_lowered;
	[smem:$0x3FD2] =	sst s25  }
0xa7: {  	s6 =	sshll.u32 s26, $0x1;
	_ =	strace $0x80000046;
	[dreg:$0x1] =	wrdreg $0xFFFFFFFF  }
0xa8: {  	s28 =	simm.s32 $_size_execute0_lowered;
	s4 =	sadd.s32 s4, s6;
	[dreg:$0x0] =	wrdreg $0x0  }
0xa9: {  	s6 =	sshll.u32 s28, $0x1;
	[dreg:$0x2] =	wrdreg s4  }
0xaa: {  	[dreg:$0x3] =	wrdreg s6  }
0xab: {  	[dreg:$0x4] =	wrdreg $0xC0  }
0xac: {  	_ =	task [dreg:s8], $0x5FFFF  }
0xad: {  	[dreg:$0x1] =	wrdreg $0xFFFFFFFF  }
0xae: {  	[dreg:$0x0] =	wrdreg $0x60  }
0xaf: {  	[dreg:$0x2] =	wrdreg s24  }
0xb0: {  	[dreg:$0x3] =	wrdreg s18  }
0xb1: {  	[dreg:$0x4] =	wrdreg s2  }
0xb2: {  	[dreg:$0x5] =	wrdreg $0x9  }
0xb3: {  	_ =	task.clear_ibuf [dreg:s8], $0x6FFFF;
	_ =	strace $0x90000046  }
0xb4: {  	s29 =	simm.s32 $0x9;
	_ =	strace $0x80000048  }
0xb5: {  	_ =	swait.ge [sflag:s29], $0x1  }
0xb6: {  	[sflag:s29] =	ssyncadd.s32 $0xFFFFFFFF  }
0xb7: {  	_ =	strace $0x90000048  }
0xb8: {  	_ =	sfence  }
0xb9: {  	s30 =	sld [smem:$0x0];
	_ =	sdelay $0x2  }
0xba: {  	s31 =	sshll.u32 s1, $0xD;
	s1 =	sshrl.u32 s1, $0x2  }
0xbb: {  	s3 =	sand.u32 $0x4000, s31;
	s1 =	sadd.s32 s1, s30  }
0xbc: {  	s0 =	sor.u32 s3, s0;
	s1 =	sshll.u32 s1, $0x11  }
0xbd: {  	s0 =	sor.u32 s1, s0  }
0xbe: {  	s0 =	sadd.s32 $0x8F2B, s0  }
0xbf: {  	[sflag:s0] =	ssyncadd.remote.s32 $0x1  }
0xc0: {  	_ =	sfence.sel $0xFFFF  }
0xc1: {  	[dreg:$0x0] =	wrdreg $0xFFFFFFFF;
	(pc) =	sbr.abs _section_cstart, $3  }
0xc2: {  	[dreg:$0x1] =	wrdreg $0xFFFFFFFF  }
0xc3: {  	_ =	task.clear_ibuf [dreg:s8], $0x2FFFF;
	_ =	strace $0x9FFFFFFF  }
0xc4: {  	(tm) =	ssettm $0x7FFFFFFF  }
0xc5: {  	_ =	shalt  }
tec
execute0_lowered:
.L_overlay_start_1:
0x0: {  	(tag) =	ssettag $0x1  }
0x1: {  	s5 =	rddreg [dreg:$0x0]  }
0x2: {  	s8 =	rddreg [dreg:$0x1]  }
0x3: {  	s1 =	rddreg [dreg:$0x2]  }
0x4: {  	s0 =	rddreg [dreg:$0x3]  }
0x5: {  	s3 =	simm.s32 $0x0;
	s4 =	srdreg.scid;
	s2 =	stileid.u32  }
0x6: {  	s15 =	simm.s32 $0x9200;
	s16 =	simm.s32 $0xF0;
	s17 =	simm.s32 $0xCE00  }
0x7: {  	s18 =	simm.s32 $0x1;
	s19 =	simm.s32 $0x1BE00;
	s20 =	simm.s32 $0x2  }
0x8: {  	s21 =	simm.s32 $0x1D200;
	s22 =	simm.s32 $0x3;
	s23 =	simm.s32 $0x4  }
0x9: {  	s24 =	simm.s32 $0x0;
	[smem:$0x7FF] =	sst s3;
	s11 =	sand.u32 $0x1, s4  }
0xa: {  	s6 =	smul.u32 $0x2F8, s2;
	s4 =	sadd.s32 $0x600, s5;
	s5 =	sadd.s32 $0x6E4600, s5  }
0xb: {  	s10 =	smul.u32 $0x988, s2;
	_ =	strace $0x80000047;
	s7 =	ssub.s32 $0x2, s11  }
0xc: {  	p0 =	seq.s32 s11, $0x0;
	s9 =	sshrl.u32 s7, $0x1;
	s12 =	sadd.s32 $0x9880, s6  }
0xd: {  	s14 =	sshrl.u32 s10, $0x3;
	s13 =	ssub.s32 s7, s9;
	s6 =	smov.u32 s12  }
.Ltmp0:
0xe: {  	s7 =	simm.s32 $0x3D;
	s31 =	sshrl.u32 s12, $0x3;
	(pc) =	sbr.rel .LBB2_1-.Ltmp0, $4  }
0xf: {  	s12 =	sadd.s32 s8, s12;
	s6 =	smov.u32 @p0 s10;
	s7 =	simm.s32 @!p0 $0x13  }
0x10: {  	s10 =	sadd.s32 s8, s10;
	s8 =	sadd.s32 s31, s12;
	p0 =	sne.s32 s11, $0x0  }
0x11: {  	s11 =	simm.s32 $0x1E600;
	s12 =	simm.s32 $0x5;
	s9 =	sadd.s32 s14, s10  }
0x12: {  	v0 =	vlaneseq.u32;
	s10 =	smax.u32 s13, $0x1;
	s13 =	simm.s32 $0x78;
	s14 =	simm.s32 $0x5600  }
.LBB2_13:
0x13: {  	s24 =	sadd.s32 $0x1, s24  }
0x14: {  	_ =	swait.ge [sflag:s22], $0x1400;
	p1 =	sne.s32 s24, s10  }
.Ltmp1:
0x15: {  	[sflag:s22] =	ssyncset.done $0x0;
	(pc) =	sbr.rel @!p1 .LBB2_14-.Ltmp1, $4  }
0x16: {  	[sflag:s22] =	ssyncadd.s32 $0xFFFFEC00  }
0x17: {  	_ =	swait.ge [sflag:s23], $0x1400  }
0x18: {  	[sflag:s23] =	ssyncset.done $0x0  }
0x19: {  	[sflag:s23] =	ssyncadd.s32 $0xFFFFEC00  }
.LBB2_1:
0x1a: {  	[tilespmem:s11], [sflag:$0x5] =	stream.linear.gather [hbm4b:s1+s3], $0x80, $0x38;
	[tilespmem:$0x1E680] =	vst v63  }
0x1b: {  	_ =	swait.ge [sflag:s12], $0x80  }
0x1c: {  	[sflag:s12] =	ssyncset.done $0x0  }
0x1d: {  	[sflag:s12] =	ssyncadd.s32 $0xFFFFFF80  }
0x1e: {  	v3 =	vld [tilespmem:$0x1E600]  }
0x1f: {  	v2 =	vld [tilespmem:$0x1E610]  }
0x20: {  	v1 =	vld [tilespmem:$0x1E620]  }
0x21: {  	v4 =	vld [tilespmem:$0x1E630]  }
0x22: {  	v5 =	vld [tilespmem:$0x1E640]  }
0x23: {  	v6 =	vld [tilespmem:$0x1E650]  }
0x24: {  	s25 =	simm.s32 @p0 $0x0;
	v7 =	vld [tilespmem:$0x1E660]  }
0x25: {  	v17 =	vld [tilespmem:$0x1E670];
	[tilespmem:s25], [sflag:$0x5] =	stream.linear.gather @p0 [hbm4b:s8+s25], $0x1AB8, $0x38  }
0x26: {  	s25 =	simm.s32 @p0 $0x5  }
0x27: {  	_ =	swait.ge @p0 [sflag:s25], $0x1AB8  }
0x28: {  	[sflag:s25] =	ssyncset.done @p0 $0x0  }
0x29: {  	v9 =	vor.u32 s3, v0;
	[sflag:s25] =	ssyncadd.s32 @p0 $0xFFFFE548;
	s25 =	simm.s32 @!p0 $0x0  }
0x2a: {  	v10 =	vmulhi.u32 $0x38E38E39, v9;
	[tilespmem:s25], [sflag:$0x5] =	stream.linear.gather @!p0 [hbm4b:s9+s25], $0x55C8, $0x38;
	[tilespmem:$0x1E680] =	vst v63  }
0x2b: {  	s25 =	simm.s32 @!p0 $0x5  }
0x2c: {  	v10 =	vshrl.u32 v10, $0x1;
	_ =	swait.ge @!p0 [sflag:s25], $0x55C8  }
0x2d: {  	v10 =	vmul.u32 $0x9, v10;
	[sflag:s25] =	ssyncset.done @!p0 $0x0  }
0x2e: {  	[sflag:s25] =	ssyncadd.s32 @!p0 $0xFFFFAA38  }
0x2f: {  	v11 =	vsub.s32 v9, v10;
	v10 =	vld [tilespmem:s3+$0x0];
	_ =	sdelay $0x1  }
0x30: {  	s31 =	simm.s32 $0x10  }
0x31: {  	s26 =	simm.s32 $0x20;
	v9 =	vor.u32 s31, v0;
	v11 =	vmul.u32 $0xC400, v11;
	s25 =	simm.s32 $0x0  }
.LBB2_2:
0x32: {  	p1 =	sne.s32 s26, $0x55C0;
	v12 =	vmulhi.u32 $0x38E38E39, v9  }
0x33: {  	v10 =	vadd.s32 v11, v10  }
.Ltmp2:
0x34: {  	v11 =	vshrl.u32 v12, $0x1;
	[tilespmem:s25+$0x0] =	vst v10;
	s25 =	sadd.s32 $0x10, s25;
	(pc) =	sbr.rel @p1 .LBB2_2-.Ltmp2, $3  }
0x35: {  	v11 =	vmul.u32 $0x9, v11;
	v10 =	vld [tilespmem:s25+$0x0];
	_ =	sdelay $0x1  }
0x36: {  	v11 =	vsub.s32 v9, v11  }
0x37: {  	v9 =	vor.u32 s26, v0;
	s26 =	sadd.s32 $0x10, s26;
	v11 =	vmul.u32 $0xC400, v11  }
0x38: {  	v12 =	vmulhi.u32 $0x38E38E39, v9  }
0x39: {  	v10 =	vadd.s32 v11, v10  }
0x3a: {  	s31 =	sadd.s32 $0x10, s25;
	v60 =	vshrl.u32 v12, $0x1;
	[tilespmem:s25+$0x0] =	vst v10  }
0x3b: {  	v61 =	vmul.u32 $0x9, v60;
	v62 =	vld [tilespmem:s31+$0x0]  }
0x3c: {  	[tilespmem:$0x1FF80] =	vst v4  }
0x3d: {  	[tilespmem:$0x1FF90] =	vst v6;
	v63 =	vsub.s32 v9, v61  }
0x3e: {  	[tilespmem:$0x1FFA0] =	vst v7;
	v9 =	vmul.u32 $0xC400, v63  }
0x3f: {  	[tilespmem:$0x1FFB0] =	vst v5  }
0x40: {  	[tilespmem:$0x1FFC0] =	vst v17;
	v9 =	vadd.s32 v9, v62  }
0x41: {  	s25 =	simm.s32 $0x0;
	[tilespmem:s31+$0x0] =	vst v9  }
0x42: {  	[tilespmem:s14], [sflag:$0x1] =	stream.indirect.gather [hbm4b:s4+s13], $0x80, s25, s13, $0xb8;
	[tilespmem:$0x1E680] =	vst v63  }
.Ltmp3:
0x43: {  	[tilespmem:$0x1FFD0] =	vst v3;
	(pc) =	sbr.rel .LBB2_4-.Ltmp3, $4  }
0x44: {  	[tilespmem:$0x1FFE0] =	vst v2  }
0x45: {  	[tilespmem:s15], [sflag:$0x1] =	stream.indirect.gather [hbm4b:s4+s13], $0x80, s13, s13, $0xb8;
	[tilespmem:$0x1E680] =	vst v63  }
0x46: {  	[tilespmem:$0x1FFF0] =	vst v1  }
0x47: {  	[tilespmem:s17], [sflag:$0x1] =	stream.indirect.gather [hbm4b:s4+s13], $0x80, s16, s13, $0xb8;
	[tilespmem:$0x1E680] =	vst v63  }
.LBB2_12:
0x48: {  	s25 =	sadd.s32 $0x1, s25  }
0x49: {  	p1 =	sne.s32 s25, $0x1F  }
.Ltmp4:
0x4a: {  	_ = 	snop;
	(pc) =	sbr.rel @!p1 .LBB2_13-.Ltmp4, $1  }
0x4b: {  	_ =	sdelay $0x3  }
.LBB2_4:
0x4c: {  	s26 =	sshllo.u32 s25, $0x1  }
0x4d: {  	p1 =	sge.u32 s26, s7  }
0x4e: {  	s28 =	smul.u32 @!p1 $0x5A0, s26;
	_ =	sdelay $0x1  }
0x4f: {  	s30 =	simm.s32 @!p1 $0x78;
	s29 =	sshra.s32 @!p1 s28, $0x2;
	s28 =	simm.s32 @!p1 $0x10A00  }
0x50: {  	[tilespmem:s28], [sflag:$0x2] =	stream.indirect.gather @!p1 [hbm4b:s4+s30], $0x80, s29, s30, $0xb8;
	[tilespmem:$0x1E680] =	vst v63  }
0x51: {  	s31 =	simm.s32 @!p1 $0x14600;
	s28 =	sadd.s32 @!p1 $0x78, s29  }
0x52: {  	[tilespmem:s31], [sflag:$0x2] =	stream.indirect.gather @!p1 [hbm4b:s4+s30], $0x80, s28, s30, $0xb8;
	[tilespmem:$0x1E680] =	vst v63  }
0x53: {  	s28 =	sshll.u32 s25, $0x1  }
0x54: {  	p3 =	sge.u32 s28, s7  }
.Ltmp5:
0x55: {  	_ = 	snop;
	(pc) =	sbr.rel @p3 .LBB2_8-.Ltmp5, $3  }
0x56: {  	_ =	sdelay $0x1  }
0x57: {  	p2 =	seq.s32 s25, $0x0;
	s29 =	sadd.s32 @!p1 $0xF0, s29;
	s31 =	simm.s32 @!p1 $0x18200  }
0x58: {  	[tilespmem:s31], [sflag:$0x2] =	stream.indirect.gather @!p1 [hbm4b:s4+s30], $0x80, s29, s30, $0xb8;
	[tilespmem:$0x1E680] =	vst v63  }
0x59: {  	s29 =	simm.s32 @!p2 $0x3  }
0x5a: {  	_ =	swait.ge @!p2 [sflag:s29], $0x1400  }
0x5b: {  	[sflag:s29] =	ssyncset.done @!p2 $0x0  }
0x5c: {  	[sflag:s29] =	ssyncadd.s32 @!p2 $0xFFFFEC00  }
0x5d: {  	_ =	swait.ge [sflag:s18], $0x3C00  }
0x5e: {  	[sflag:s18] =	ssyncset.done $0x0  }
0x5f: {  	[sflag:s18] =	ssyncadd.s32 $0xFFFFC400  }
0x60: {  	_ =	swait.ge [sflag:s18], $0x3C00  }
0x61: {  	[sflag:s18] =	ssyncset.done $0x0  }
0x62: {  	[sflag:s18] =	ssyncadd.s32 $0xFFFFC400  }
0x63: {  	_ =	swait.ge [sflag:s18], $0x3C00  }
0x64: {  	[sflag:s18] =	ssyncset.done $0x0  }
0x65: {  	s30 =	simm.s32 $0x5A80;
	[sflag:s18] =	ssyncadd.s32 $0xFFFFC400  }
0x66: {  	v0 =	vld [tilespmem:s30+$0x400];
	_ =	sdelay $0x4  }
0x67: {  	[tilespmem:$0x1FF10] =	vst v0  }
0x68: {  	v0 =	vld [tilespmem:s30+$0x410];
	_ =	sdelay $0x4  }
0x69: {  	[tilespmem:$0x1FF20] =	vst v0  }
0x6a: {  	v0 =	vld [tilespmem:s30+$0x420];
	_ =	sdelay $0x4  }
0x6b: {  	[tilespmem:$0x1FF30] =	vst v0  }
0x6c: {  	v0 =	vld [tilespmem:s30+$0x430];
	_ =	sdelay $0x4  }
0x6d: {  	[tilespmem:$0x1FF40] =	vst v0  }
0x6e: {  	v0 =	vld [tilespmem:s30+$0x440];
	_ =	sdelay $0x4  }
0x6f: {  	[tilespmem:$0x1FF50] =	vst v0  }
0x70: {  	v0 =	vld [tilespmem:s30+$0x450];
	_ =	sdelay $0x4  }
0x71: {  	[tilespmem:$0x1FF60] =	vst v0  }
0x72: {  	v0 =	vld [tilespmem:s30+$0x460];
	_ =	sdelay $0x4  }
0x73: {  	[tilespmem:$0x1FF70] =	vst v0  }
0x74: {  	v0 =	vld [tilespmem:s30+$0x380];
	_ =	sdelay $0x4  }
0x75: {  	v30 =	vld [tilespmem:s30+$0x470];
	[tilespmem:$0x1FEA0] =	vst v0  }
0x76: {  	v0 =	vld [tilespmem:s30+$0x390];
	_ =	sdelay $0x4  }
0x77: {  	[tilespmem:$0x1FEB0] =	vst v0  }
0x78: {  	v0 =	vld [tilespmem:s30+$0x3A0];
	_ =	sdelay $0x4  }
0x79: {  	[tilespmem:$0x1FEC0] =	vst v0  }
0x7a: {  	v0 =	vld [tilespmem:s30+$0x3B0];
	_ =	sdelay $0x4  }
0x7b: {  	[tilespmem:$0x1FED0] =	vst v0  }
0x7c: {  	v0 =	vld [tilespmem:s30+$0x3C0];
	_ =	sdelay $0x4  }
0x7d: {  	[tilespmem:$0x1FEE0] =	vst v0  }
0x7e: {  	v0 =	vld [tilespmem:s30+$0x3D0];
	_ =	sdelay $0x4  }
0x7f: {  	[tilespmem:$0x1FEF0] =	vst v0  }
0x80: {  	v0 =	vld [tilespmem:s30+$0x3E0];
	_ =	sdelay $0x4  }
0x81: {  	[tilespmem:$0x1FF00] =	vst v0  }
0x82: {  	v0 =	vld [tilespmem:s30+$0x330];
	_ =	sdelay $0x1  }
0x83: {  	v42 =	vld [tilespmem:s30+$0x3F0]  }
0x84: {  	v29 =	vld [tilespmem:s30+$0x300]  }
0x85: {  	v28 =	vld [tilespmem:s30+$0x310]  }
0x86: {  	v27 =	vld [tilespmem:s30+$0x320];
	[tilespmem:$0x1FE60] =	vst v0  }
0x87: {  	v0 =	vld [tilespmem:s30+$0x340];
	_ =	sdelay $0x4  }
0x88: {  	[tilespmem:$0x1FE70] =	vst v0  }
0x89: {  	v0 =	vld [tilespmem:s30+$0x350];
	_ =	sdelay $0x4  }
0x8a: {  	[tilespmem:$0x1FE80] =	vst v0  }
0x8b: {  	v0 =	vld [tilespmem:s30+$0x360];
	_ =	sdelay $0x4  }
0x8c: {  	[tilespmem:$0x1FE90] =	vst v0  }
0x8d: {  	v43 =	vld [tilespmem:s30+$0x370]  }
0x8e: {  	v37 =	vld [tilespmem:s30+$0x280]  }
0x8f: {  	v36 =	vld [tilespmem:s30+$0x290]  }
0x90: {  	v35 =	vld [tilespmem:s30+$0x2A0]  }
0x91: {  	v34 =	vld [tilespmem:s30+$0x2B0]  }
0x92: {  	v33 =	vld [tilespmem:s30+$0x2C0]  }
0x93: {  	v32 =	vld [tilespmem:s30+$0x2D0]  }
0x94: {  	v31 =	vld [tilespmem:s30+$0x2E0]  }
0x95: {  	v44 =	vld [tilespmem:s30+$0x2F0]  }
0x96: {  	v45 =	vld [tilespmem:s30+$0x200]  }
0x97: {  	v46 =	vld [tilespmem:s30+$0x210]  }
0x98: {  	v47 =	vld [tilespmem:s30+$0x220]  }
0x99: {  	v41 =	vld [tilespmem:s30+$0x230]  }
0x9a: {  	v40 =	vld [tilespmem:s30+$0x240]  }
0x9b: {  	v39 =	vld [tilespmem:s30+$0x250]  }
0x9c: {  	v38 =	vld [tilespmem:s30+$0x260]  }
0x9d: {  	v48 =	vld [tilespmem:s30+$0x270]  }
0x9e: {  	v49 =	vld [tilespmem:s30+$0x180]  }
0x9f: {  	v50 =	vld [tilespmem:s30+$0x190]  }
0xa0: {  	v51 =	vld [tilespmem:s30+$0x1A0]  }
0xa1: {  	v23 =	vld [tilespmem:s30+$0x1B0]  }
0xa2: {  	v24 =	vld [tilespmem:s30+$0x1C0]  }
0xa3: {  	v25 =	vld [tilespmem:s30+$0x1D0]  }
0xa4: {  	v26 =	vld [tilespmem:s30+$0x1E0]  }
0xa5: {  	v56 =	vld [tilespmem:s30+$0x1F0]  }
0xa6: {  	v57 =	vld [tilespmem:s30+$0x70]  }
0xa7: {  	v58 =	vld [tilespmem:s30+$0x100]  }
0xa8: {  	v59 =	vld [tilespmem:s30+$0xF0]  }
0xa9: {  	v60 =	vld [tilespmem:s30+$0x110]  }
0xaa: {  	v61 =	vld [tilespmem:s30+$0x170]  }
0xab: {  	v62 =	vld [tilespmem:s30+$0x120]  }
0xac: {  	v63 =	vld [tilespmem:s30+$0x130]  }
0xad: {  	v20 =	vld [tilespmem:s30+$0x140]  }
0xae: {  	v19 =	vld [tilespmem:s30+$0x150]  }
0xaf: {  	v22 =	vld [tilespmem:s30+$0x160]  }
0xb0: {  	v10 =	vld [tilespmem:s30+$0x30]  }
0xb1: {  	v55 =	vld [tilespmem:s30+$0x80];
	v57 =	vadd.f32 v57, v17  }
0xb2: {  	v52 =	vld [tilespmem:s30+$0xB0]  }
0xb3: {  	v0 =	vld [tilespmem:s30+$0x0];
	v57 =	vadd.f32 v59, v57  }
0xb4: {  	v54 =	vld [tilespmem:s30+$0x90]  }
0xb5: {  	v10 =	vadd.f32 v10, v4;
	v57 =	vadd.f32 v61, v57;
	v61 =	vld [tilespmem:s30+$0x40]  }
0xb6: {  	v13 =	vld [tilespmem:s30+$0xC0]  }
0xb7: {  	v21 =	vld [tilespmem:s30+$0xFFFFFBF0];
	v10 =	vadd.f32 v52, v10  }
0xb8: {  	v53 =	vld [tilespmem:s30+$0xA0];
	v0 =	vadd.f32 v0, v3  }
0xb9: {  	v11 =	vld [tilespmem:s30+$0x50];
	v10 =	vadd.f32 v63, v10  }
0xba: {  	v15 =	vld [tilespmem:s30+$0xD0];
	v0 =	vadd.f32 v55, v0;
	v55 =	vadd.f32 v61, v5  }
0xbb: {  	v8 =	vmov v17;
	v14 =	vld [tilespmem:s30+$0xE0];
	v10 =	vadd.f32 v23, v10  }
0xbc: {  	v21 =	vadd.f32 v21, v8;
	v8 =	vld [tilespmem:$0x1FE60];
	v13 =	vadd.f32 v13, v55  }
0xbd: {  	v9 =	vld [tilespmem:s30+$0x10];
	v10 =	vadd.f32 v41, v10  }
0xbe: {  	v18 =	vld [tilespmem:s30+$0xFFFFFBD0];
	v11 =	vadd.f32 v11, v6;
	v13 =	vadd.f32 v20, v13  }
0xbf: {  	v56 =	vadd.f32 v56, v57;
	v57 =	vld [tilespmem:s30+$0x60];
	v10 =	vadd.f32 v34, v10  }
0xc0: {  	v16 =	vld [tilespmem:s30+$0xFFFFFB90];
	v13 =	vadd.f32 v24, v13  }
0xc1: {  	v11 =	vadd.f32 v15, v11;
	v10 =	vadd.f32 v8, v10;
	v8 =	vld [tilespmem:$0x1FE70]  }
0xc2: {  	v12 =	vld [tilespmem:s30+$0xFFFFFC00];
	v9 =	vadd.f32 v9, v2;
	v13 =	vadd.f32 v40, v13  }
0xc3: {  	v17 =	vld [tilespmem:s30+$0xFFFFFBB0];
	v18 =	vadd.f32 v18, v6;
	v11 =	vadd.f32 v19, v11  }
0xc4: {  	v6 =	vld [tilespmem:s30+$0xFFFFFD60];
	v57 =	vadd.f32 v57, v7;
	v13 =	vadd.f32 v33, v13  }
0xc5: {  	v59 =	vld [tilespmem:s30+$0x20];
	v9 =	vadd.f32 v54, v9;
	v11 =	vadd.f32 v25, v11  }
0xc6: {  	v14 =	vadd.f32 v14, v57;
	v13 =	vadd.f32 v8, v13;
	v8 =	vld [tilespmem:$0x1FE80]  }
0xc7: {  	v54 =	vld [tilespmem:s30+$0xFFFFFC20];
	v48 =	vadd.f32 v48, v56;
	v11 =	vadd.f32 v39, v11  }
0xc8: {  	v52 =	vld [tilespmem:s30+$0xFFFFFC50];
	v14 =	vadd.f32 v22, v14  }
0xc9: {  	v15 =	vld [tilespmem:s30+$0xFFFFFC60];
	v44 =	vadd.f32 v44, v48;
	v11 =	vadd.f32 v32, v11  }
0xca: {  	v0 =	vadd.f32 v58, v0;
	v19 =	vld [tilespmem:s30+$0xFFFFFC90];
	v14 =	vadd.f32 v26, v14  }
0xcb: {  	v43 =	vadd.f32 v43, v44;
	v11 =	vadd.f32 v8, v11;
	v8 =	vld [tilespmem:$0x1FE90]  }
0xcc: {  	v58 =	vld [tilespmem:s30+$0xFFFFFCE0];
	v14 =	vadd.f32 v38, v14  }
0xcd: {  	v0 =	vadd.f32 v49, v0;
	v42 =	vadd.f32 v42, v43;
	v43 =	vld [tilespmem:s30+$0xFFFFFB80]  }
0xce: {  	v9 =	vadd.f32 v60, v9;
	v60 =	vld [tilespmem:s30+$0xFFFFFD00];
	v14 =	vadd.f32 v31, v14  }
0xcf: {  	v17 =	vadd.f32 v17, v4;
	v56 =	vld [tilespmem:s30+$0xFFFFFBA0];
	v0 =	vadd.f32 v45, v0  }
0xd0: {  	v59 =	vadd.f32 v59, v1;
	v14 =	vadd.f32 v8, v14;
	v8 =	vld [tilespmem:$0x1FEA0]  }
0xd1: {  	v63 =	vld [tilespmem:s30+$0xFFFFFD30];
	v9 =	vadd.f32 v50, v9;
	v0 =	vadd.f32 v37, v0  }
0xd2: {  	v4 =	vld [tilespmem:s30+$0xFFFFFD40];
	v53 =	vadd.f32 v53, v59;
	v20 =	vadd.f32 v43, v3  }
0xd3: {  	v49 =	vld [tilespmem:s30+$0xFFFFFCC0];
	v9 =	vadd.f32 v46, v9;
	v0 =	vadd.f32 v29, v0  }
0xd4: {  	v53 =	vadd.f32 v62, v53;
	v22 =	vld [tilespmem:s30+$0xFFFFFCA0];
	v12 =	vadd.f32 v12, v20  }
0xd5: {  	v20 =	vadd.f32 v56, v1;
	v0 =	vadd.f32 v8, v0;
	v8 =	vld [tilespmem:$0x1FEB0]  }
0xd6: {  	v23 =	vld [tilespmem:s30+$0xFFFFFD10];
	v9 =	vadd.f32 v36, v9  }
0xd7: {  	v50 =	vld [tilespmem:s30+$0xFFFFFEF0];
	v51 =	vadd.f32 v51, v53;
	v20 =	vadd.f32 v54, v20  }
0xd8: {  	v18 =	vadd.f32 v52, v18;
	v52 =	vld [tilespmem:s30+$0xFFFFFF10];
	v9 =	vadd.f32 v28, v9  }
0xd9: {  	v45 =	vld [tilespmem:s30+$0xFFFFFE90];
	v20 =	vadd.f32 v22, v20;
	v22 =	vadd.f32 v47, v51  }
0xda: {  	v9 =	vadd.f32 v8, v9;
	v8 =	vld [tilespmem:$0x1FEC0]  }
0xdb: {  	v46 =	vld [tilespmem:s30+$0xFFFFFEA0];
	v22 =	vadd.f32 v35, v22  }
0xdc: {  	v59 =	vld [tilespmem:s30+$0xFFFFFC30]  }
0xdd: {  	v61 =	vld [tilespmem:s30+$0xFFFFFC40];
	v22 =	vadd.f32 v27, v22  }
0xde: {  	v48 =	vld [tilespmem:s30+$0xFFFFFBC0]  }
0xdf: {  	v22 =	vadd.f32 v8, v22;
	v8 =	vld [tilespmem:$0x1FED0]  }
0xe0: {  	v55 =	vld [tilespmem:s30+$0xFFFFFC70]  }
0xe1: {  	v62 =	vld [tilespmem:s30+$0xFFFFFD20]  }
0xe2: {  	v44 =	vld [tilespmem:s30+$0xFFFFFBE0]  }
0xe3: {  	v57 =	vld [tilespmem:s30+$0xFFFFFC80]  }
0xe4: {  	v10 =	vadd.f32 v8, v10;
	v8 =	vld [tilespmem:$0x1FEE0]  }
0xe5: {  	v53 =	vld [tilespmem:s30+$0xFFFFFF20]  }
0xe6: {  	v17 =	vadd.f32 v59, v17;
	v59 =	vld [tilespmem:s30+$0xFFFFFCF0]  }
0xe7: {  	v48 =	vadd.f32 v48, v5;
	v5 =	vld [tilespmem:s30+$0xFFFFFD50]  }
0xe8: {  	v30 =	vadd.f32 v30, v42;
	v42 =	vld [tilespmem:s30+$0xFFFFFC10]  }
0xe9: {  	v13 =	vadd.f32 v8, v13;
	v8 =	vld [tilespmem:$0x1FEF0]  }
0xea: {  	v44 =	vadd.f32 v44, v7;
	v7 =	vld [tilespmem:s30+$0xFFFFFD80]  }
0xeb: {  	v21 =	vadd.f32 v55, v21;
	v48 =	vadd.f32 v61, v48;
	v61 =	vld [tilespmem:s30+$0xFFFFFE00]  }
0xec: {  	v43 =	vld [tilespmem:s30+$0xFFFFFCB0]  }
0xed: {  	v21 =	vadd.f32 v59, v21;
	v59 =	vld [tilespmem:s30+$0xFFFFFDD0]  }
0xee: {  	v11 =	vadd.f32 v8, v11;
	v8 =	vld [tilespmem:$0x1FF00]  }
0xef: {  	v15 =	vadd.f32 v15, v44;
	v44 =	vld [tilespmem:s30+$0xFFFFFE80]  }
0xf0: {  	v16 =	vadd.f32 v16, v2;
	v55 =	vadd.f32 v49, v48;
	v48 =	vld [tilespmem:s30+$0xFFFFFEC0]  }
0xf1: {  	v49 =	vld [tilespmem:s30+$0xFFFFFEE0]  }
0xf2: {  	v16 =	vadd.f32 v42, v16;
	v42 =	vld [tilespmem:s30+$0xFFFFFCD0]  }
0xf3: {  	v14 =	vadd.f32 v8, v14;
	v8 =	vld [tilespmem:$0x1FF10]  }
0xf4: {  	v56 =	vld [tilespmem:s30+$0xFFFFFDA0]  }
0xf5: {  	v15 =	vadd.f32 v58, v15;
	v58 =	vld [tilespmem:s30+$0xFFFFFDC0]  }
0xf6: {  	v25 =	vadd.f32 v4, v55;
	v4 =	vld [tilespmem:s30+$0xFFFFFE30]  }
0xf7: {  	v55 =	vld [tilespmem:s30+$0xFFFFFF50]  }
0xf8: {  	v0 =	vadd.f32 v8, v0;
	v8 =	vld [tilespmem:$0x1FF20]  }
0xf9: {  	v16 =	vadd.f32 v19, v16;
	v19 =	vld [tilespmem:s30+$0xFFFFFD70]  }
0xfa: {  	v12 =	vadd.f32 v57, v12;
	v57 =	vld [tilespmem:s30+$0xFFFFFDB0]  }
0xfb: {  	v54 =	vld [tilespmem:s30+$0xFFFFFF40]  }
0xfc: {  	v17 =	vadd.f32 v43, v17;
	v43 =	vld [tilespmem:s30+$0xFFFFFE70]  }
0xfd: {  	v9 =	vadd.f32 v8, v9;
	v8 =	vld [tilespmem:$0x1FF30]  }
0xfe: {  	v51 =	vld [tilespmem:s30+$0xFFFFFD90]  }
0xff: {  	v12 =	vadd.f32 v60, v12;
	v60 =	vld [tilespmem:s30+$0xFFFFFDE0]  }
0x100: {  	v16 =	vadd.f32 v23, v16;
	v23 =	vld [tilespmem:s30+$0xFFFFFDF0]  }
0x101: {  	v47 =	vld [tilespmem:s30+$0xFFFFFEB0]  }
0x102: {  	v15 =	vadd.f32 v6, v15;
	v22 =	vadd.f32 v8, v22;
	v8 =	vld [tilespmem:$0x1FF40]  }
0x103: {  	v18 =	vadd.f32 v42, v18;
	v17 =	vadd.f32 v63, v17;
	v63 =	vld [tilespmem:s30+$0xFFFFFE20]  }
0x104: {  	v42 =	vld [tilespmem:s30+$0xFFFFFE60];
	v25 =	vadd.f32 v58, v25;
	v20 =	vadd.f32 v62, v20  }
0x105: {  	v62 =	vld [tilespmem:s30+$0xFFFFFE10];
	v12 =	vadd.f32 v7, v12;
	v18 =	vadd.f32 v5, v18  }
0x106: {  	v5 =	vld [tilespmem:s30+$0xFFFFFE40];
	v19 =	vadd.f32 v19, v21;
	v17 =	vadd.f32 v57, v17  }
0x107: {  	v20 =	vadd.f32 v56, v20;
	v10 =	vadd.f32 v8, v10;
	v8 =	vld [tilespmem:$0x1FF50]  }
0x108: {  	v21 =	vld [tilespmem:s30+$0xFFFFFE50];
	v12 =	vadd.f32 v61, v12;
	v16 =	vadd.f32 v51, v16  }
0x109: {  	v57 =	vld [tilespmem:s30+$0xFFFFFF70];
	v18 =	vadd.f32 v59, v18;
	v15 =	vadd.f32 v60, v15  }
0x10a: {  	v56 =	vld [tilespmem:s30+$0xFFFFFF60];
	v19 =	vadd.f32 v23, v19;
	v17 =	vadd.f32 v4, v17  }
0x10b: {  	v61 =	vld [tilespmem:s30+$0xFFFFFF90];
	v20 =	vadd.f32 v63, v20;
	v12 =	vadd.f32 v44, v12  }
0x10c: {  	v16 =	vadd.f32 v62, v16;
	v13 =	vadd.f32 v8, v13;
	v8 =	vld [tilespmem:$0x1FF60]  }
0x10d: {  	v23 =	vld [tilespmem:s30+$0xFFFFFED0];
	v15 =	vadd.f32 v42, v15;
	v19 =	vadd.f32 v43, v19  }
0x10e: {  	v51 =	vld [tilespmem:s30+$0xFFFFFF00];
	v60 =	vadd.f32 v47, v17;
	v25 =	vadd.f32 v5, v25  }
0x10f: {  	s29 =	simm.s32 $0x1BE80;
	v59 =	vld [tilespmem:s30+$0xFFFFFF80];
	v18 =	vadd.f32 v21, v18;
	v20 =	vadd.f32 v46, v20  }
0x110: {  	v62 =	vld [tilespmem:s30+$0xFFFFFFA0];
	v16 =	vadd.f32 v45, v16;
	v19 =	vadd.f32 v50, v19;
	[tilespmem:s29+$0x70] =	vst v30  }
0x111: {  	v17 =	vadd.f32 v48, v25;
	v11 =	vadd.f32 v8, v11;
	v8 =	vld [tilespmem:$0x1FF70];
	[tilespmem:s29+$0x0] =	vst v0  }
0x112: {  	v21 =	vld [tilespmem:s30+$0xFFFFFF30];
	v20 =	vadd.f32 v53, v20;
	[tilespmem:s29+$0x10] =	vst v9;
	v9 =	vadd.f32 v23, v18  }
0x113: {  	v23 =	vadd.f32 v49, v15;
	[tilespmem:s29+$0x20] =	vst v22;
	v18 =	vadd.f32 v51, v12;
	v15 =	vld [tilespmem:s30+$0xFFFFFFC0]  }
0x114: {  	[tilespmem:s29+$0x30] =	vst v10;
	v22 =	vadd.f32 v52, v16;
	v10 =	vadd.f32 v54, v17;
	v17 =	vld [tilespmem:s30+$0xFFFFFFD0]  }
0x115: {  	[tilespmem:s29+$0x50] =	vst v11;
	v11 =	vadd.f32 v55, v9;
	v63 =	vadd.f32 v59, v18;
	v18 =	vld [tilespmem:s30+$0xFFFFFFE0]  }
0x116: {  	[tilespmem:s29+$0x40] =	vst v13;
	v9 =	vadd.f32 v57, v19;
	v19 =	vld [tilespmem:s30+$0xFFFFFFF0];
	v58 =	vadd.f32 v8, v14  }
0x117: {  	v20 =	vadd.f32 v62, v20;
	v12 =	vadd.f32 v21, v60;
	v14 =	vld [tilespmem:s30+$0xFFFFFFB0];
	[tilespmem:s29+$0xFFFFFF80] =	vst v63  }
0x118: {  	s31 =	simm.s32 $0x6380;
	v16 =	vadd.f32 v56, v23;
	v21 =	vadd.f32 v61, v22;
	s30 =	simm.s32 $0x0;
	[tilespmem:s29+$0x60] =	vst v58  }
.LBB2_6:
0x119: {  	v0 =	vld [tilespmem:s31+$0x400]  }
0x11a: {  	v1 =	vld [tilespmem:s31+$0x410]  }
0x11b: {  	v54 =	vld [tilespmem:s31+$0x420]  }
0x11c: {  	v55 =	vld [tilespmem:s31+$0x430]  }
0x11d: {  	v57 =	vld [tilespmem:s31+$0x440]  }
0x11e: {  	v58 =	vld [tilespmem:s31+$0x450]  }
0x11f: {  	v59 =	vld [tilespmem:s31+$0x460]  }
0x120: {  	v50 =	vld [tilespmem:s31+$0x470]  }
0x121: {  	v22 =	vld [tilespmem:s31+$0x380]  }
0x122: {  	v60 =	vld [tilespmem:s31+$0x3E0]  }
0x123: {  	v29 =	vld [tilespmem:s31+$0x300]  }
0x124: {  	v28 =	vld [tilespmem:s31+$0x310]  }
0x125: {  	v27 =	vld [tilespmem:s31+$0x320]  }
0x126: {  	v26 =	vld [tilespmem:s31+$0x330]  }
0x127: {  	v25 =	vld [tilespmem:s31+$0x340]  }
0x128: {  	v24 =	vld [tilespmem:s31+$0x350]  }
0x129: {  	v23 =	vld [tilespmem:s31+$0x360]  }
0x12a: {  	v52 =	vld [tilespmem:s31+$0x370]  }
0x12b: {  	v36 =	vld [tilespmem:s31+$0x280]  }
0x12c: {  	v35 =	vld [tilespmem:s31+$0x290]  }
0x12d: {  	v34 =	vld [tilespmem:s31+$0x2A0]  }
0x12e: {  	v33 =	vld [tilespmem:s31+$0x2B0]  }
0x12f: {  	v32 =	vld [tilespmem:s31+$0x2C0]  }
0x130: {  	v31 =	vld [tilespmem:s31+$0x2D0]  }
0x131: {  	v30 =	vld [tilespmem:s31+$0x2E0]  }
0x132: {  	v43 =	vld [tilespmem:s31+$0x200]  }
0x133: {  	v42 =	vld [tilespmem:s31+$0x210]  }
0x134: {  	v41 =	vld [tilespmem:s31+$0x220]  }
0x135: {  	v40 =	vld [tilespmem:s31+$0x230]  }
0x136: {  	v39 =	vld [tilespmem:s31+$0x240]  }
0x137: {  	v38 =	vld [tilespmem:s31+$0x250]  }
0x138: {  	v37 =	vld [tilespmem:s31+$0x260]  }
0x139: {  	v51 =	vld [tilespmem:s31+$0x180]  }
0x13a: {  	v49 =	vld [tilespmem:s31+$0x190]  }
0x13b: {  	v48 =	vld [tilespmem:s31+$0x1A0]  }
0x13c: {  	v47 =	vld [tilespmem:s31+$0x1B0]  }
0x13d: {  	v46 =	vld [tilespmem:s31+$0x1C0]  }
0x13e: {  	v45 =	vld [tilespmem:s31+$0x1D0]  }
0x13f: {  	v44 =	vld [tilespmem:s31+$0x1E0]  }
0x140: {  	v61 =	vld [tilespmem:s31+$0x120]  }
0x141: {  	v62 =	vld [tilespmem:s31+$0x130]  }
0x142: {  	v63 =	vld [tilespmem:s31+$0x150]  }
0x143: {  	v5 =	vld [tilespmem:s31+$0x0]  }
0x144: {  	v6 =	vld [tilespmem:s31+$0x20]  }
0x145: {  	v7 =	vld [tilespmem:s31+$0x40]  }
0x146: {  	v13 =	vld [tilespmem:$0x1FFD0]  }
0x147: {  	v2 =	vld [tilespmem:$0x1FFE0]  }
0x148: {  	v8 =	vld [tilespmem:s31+$0x60]  }
0x149: {  	v4 =	vld [tilespmem:$0x1FFF0]  }
0x14a: {  	v3 =	vld [tilespmem:$0x1FFB0]  }
0x14b: {  	[tilespmem:s29+$0xFFFFFF90] =	vst v21;
	v21 =	vld [tilespmem:s31+$0x390]  }
0x14c: {  	[tilespmem:s29+$0xFFFFFFA0] =	vst v20;
	v20 =	vld [tilespmem:s31+$0x3A0]  }
0x14d: {  	v56 =	vadd.f32 v18, v16;
	v16 =	vadd.f32 v19, v9;
	v19 =	vld [tilespmem:s31+$0x3B0]  }
0x14e: {  	v18 =	vld [tilespmem:s31+$0x3C0]  }
0x14f: {  	v10 =	vadd.f32 v15, v10;
	v15 =	vld [tilespmem:$0x1FFC0]  }
0x150: {  	v53 =	vadd.f32 v14, v12;
	v12 =	vld [tilespmem:s31+$0x90]  }
0x151: {  	v9 =	vld [tilespmem:s31+$0xB0]  }
0x152: {  	v17 =	vadd.f32 v17, v11;
	v11 =	vld [tilespmem:s31+$0xD0]  }
0x153: {  	[tilespmem:$0x1FDF0] =	vst v0;
	v0 =	vld [tilespmem:s31+$0x3F0]  }
0x154: {  	[tilespmem:$0x1FE10] =	vst v54;
	v54 =	vld [tilespmem:s31+$0x270]  }
0x155: {  	[tilespmem:s29+$0xFFFFFFE0] =	vst v56;
	v56 =	vld [tilespmem:s31+$0x70]  }
0x156: {  	[tilespmem:$0x1FE20] =	vst v55;
	v55 =	vld [tilespmem:s31+$0x1F0]  }
0x157: {  	[tilespmem:$0x1FE40] =	vst v58;
	v58 =	vld [tilespmem:s31+$0xF0]  }
0x158: {  	[tilespmem:$0x1FE30] =	vst v57;
	v57 =	vld [tilespmem:s31+$0x100]  }
0x159: {  	[tilespmem:$0x1FDE0] =	vst v60;
	v60 =	vld [tilespmem:s31+$0x170]  }
0x15a: {  	[tilespmem:$0x1FE50] =	vst v59;
	v59 =	vld [tilespmem:s31+$0x110];
	v56 =	vadd.f32 v56, v15  }
0x15b: {  	[tilespmem:s29+$0xFFFFFFD0] =	vst v17;
	v17 =	vld [tilespmem:s31+$0x3D0]  }
0x15c: {  	[tilespmem:s29+$0xFFFFFFB0] =	vst v53;
	v53 =	vld [tilespmem:s31+$0x2F0];
	v56 =	vadd.f32 v58, v56  }
0x15d: {  	[tilespmem:s29+$0xFFFFFFF0] =	vst v16;
	v16 =	vld [tilespmem:s31+$0x160]  }
0x15e: {  	[tilespmem:s29+$0xFFFFFFC0] =	vst v10;
	v56 =	vadd.f32 v60, v56;
	v60 =	vld [tilespmem:s31+$0x80]  }
0x15f: {  	v14 =	vld [tilespmem:s31+$0xFFFFFB90]  }
0x160: {  	v58 =	vld [tilespmem:s31+$0x140];
	v55 =	vadd.f32 v55, v56  }
0x161: {  	v5 =	vadd.f32 v5, v13;
	v56 =	vld [tilespmem:s31+$0xA0]  }
0x162: {  	v54 =	vadd.f32 v54, v55;
	v55 =	vld [tilespmem:s31+$0xC0]  }
0x163: {  	v10 =	vadd.f32 v60, v5;
	v60 =	vld [tilespmem:s31+$0xFFFFFBA0]  }
0x164: {  	v6 =	vadd.f32 v6, v4;
	v5 =	vld [tilespmem:$0x1FF80]  }
0x165: {  	v53 =	vadd.f32 v53, v54;
	v54 =	vld [tilespmem:s31+$0xE0]  }
0x166: {  	v7 =	vadd.f32 v7, v3;
	v6 =	vadd.f32 v56, v6;
	v56 =	vld [tilespmem:s31+$0xFFFFFBC0]  }
0x167: {  	v52 =	vadd.f32 v52, v53;
	v53 =	vld [tilespmem:s31+$0x10]  }
0x168: {  	v7 =	vadd.f32 v55, v7;
	v55 =	vld [tilespmem:s31+$0xFFFFFBE0]  }
0x169: {  	v6 =	vadd.f32 v61, v6;
	v61 =	vld [tilespmem:s31+$0xFFFFFC20]  }
0x16a: {  	v0 =	vadd.f32 v0, v52;
	v52 =	vld [tilespmem:s31+$0x30]  }
0x16b: {  	v7 =	vadd.f32 v58, v7;
	v58 =	vld [tilespmem:s31+$0xFFFFFC40]  }
0x16c: {  	[tilespmem:$0x1FE00] =	vst v1;
	v1 =	vadd.f32 v50, v0;
	v50 =	vld [tilespmem:s31+$0x50]  }
0x16d: {  	s29 =	sadd.s32 $0x100, s29;
	v0 =	vld [tilespmem:$0x1FF90];
	v53 =	vadd.f32 v53, v2  }
0x16e: {  	v6 =	vadd.f32 v48, v6;
	v7 =	vadd.f32 v46, v7;
	[tilespmem:s29+$0x70] =	vst v1;
	v1 =	vld [tilespmem:$0x1FFA0]  }
0x16f: {  	v56 =	vadd.f32 v56, v3;
	v12 =	vadd.f32 v12, v53;
	v53 =	vld [tilespmem:s31+$0xFFFFFBB0]  }
0x170: {  	v6 =	vadd.f32 v41, v6;
	v7 =	vadd.f32 v39, v7;
	v39 =	vld [tilespmem:s31+$0xFFFFFDD0]  }
0x171: {  	v52 =	vadd.f32 v52, v5;
	v48 =	vadd.f32 v58, v56;
	v56 =	vld [tilespmem:s31+$0xFFFFFC90]  }
0x172: {  	v14 =	vadd.f32 v14, v2;
	v58 =	vld [tilespmem:s31+$0xFFFFFCA0]  }
0x173: {  	v6 =	vadd.f32 v34, v6;
	v9 =	vadd.f32 v9, v52;
	v52 =	vld [tilespmem:s31+$0xFFFFFBD0]  }
0x174: {  	v50 =	vadd.f32 v50, v0;
	v2 =	vadd.f32 v59, v12;
	v59 =	vld [tilespmem:s31+$0xFFFFFC10]  }
0x175: {  	v6 =	vadd.f32 v27, v6;
	v12 =	vld [tilespmem:s31+$0xFFFFFF30]  }
0x176: {  	v11 =	vadd.f32 v11, v50;
	v50 =	vadd.f32 v60, v4;
	v60 =	vld [tilespmem:s31+$0xFFFFFBF0]  }
0x177: {  	v3 =	vadd.f32 v62, v9;
	v62 =	vld [tilespmem:s31+$0xFFFFFC30]  }
0x178: {  	v6 =	vadd.f32 v20, v6;
	v20 =	vld [tilespmem:s31+$0xFFFFFE50]  }
0x179: {  	v8 =	vadd.f32 v8, v1;
	v9 =	vld [tilespmem:$0x1FDE0]  }
0x17a: {  	v53 =	vadd.f32 v53, v5;
	v5 =	vadd.f32 v57, v10;
	v57 =	vld [tilespmem:s31+$0xFFFFFC00]  }
0x17b: {  	v10 =	vld [tilespmem:s31+$0xFFFFFEF0]  }
0x17c: {  	v8 =	vadd.f32 v54, v8;
	v54 =	vld [tilespmem:s31+$0xFFFFFB80]  }
0x17d: {  	v4 =	vadd.f32 v63, v11;
	v63 =	vld [tilespmem:s31+$0xFFFFFC50]  }
0x17e: {  	v50 =	vadd.f32 v61, v50;
	v61 =	vld [tilespmem:s31+$0xFFFFFC70]  }
0x17f: {  	v55 =	vadd.f32 v55, v1;
	v11 =	vld [tilespmem:s31+$0xFFFFFF10]  }
0x180: {  	v52 =	vadd.f32 v52, v0;
	v5 =	vadd.f32 v51, v5;
	v51 =	vld [tilespmem:s31+$0xFFFFFC60]  }
0x181: {  	v0 =	vadd.f32 v59, v14;
	v59 =	vld [tilespmem:s31+$0xFFFFFCB0];
	v1 =	vadd.f32 v16, v8  }
0x182: {  	v2 =	vadd.f32 v49, v2;
	v49 =	vadd.f32 v62, v53;
	v62 =	vld [tilespmem:s31+$0xFFFFFC80]  }
0x183: {  	v53 =	vld [tilespmem:s31+$0xFFFFFCF0];
	v1 =	vadd.f32 v44, v1  }
0x184: {  	v60 =	vadd.f32 v60, v15;
	v5 =	vadd.f32 v43, v5;
	v43 =	vld [tilespmem:s31+$0xFFFFFDF0]  }
0x185: {  	v3 =	vadd.f32 v47, v3;
	v15 =	vld [tilespmem:s31+$0xFFFFFEC0];
	v1 =	vadd.f32 v37, v1  }
0x186: {  	v4 =	vadd.f32 v45, v4;
	v45 =	vadd.f32 v61, v60;
	v61 =	vld [tilespmem:s31+$0xFFFFFCC0]  }
0x187: {  	v47 =	vadd.f32 v63, v52;
	v63 =	vld [tilespmem:s31+$0xFFFFFCE0];
	v1 =	vadd.f32 v30, v1  }
0x188: {  	v3 =	vadd.f32 v40, v3;
	v52 =	vadd.f32 v58, v50;
	v50 =	vld [tilespmem:s31+$0xFFFFFD50]  }
0x189: {  	v46 =	vadd.f32 v51, v55;
	v55 =	vld [tilespmem:s31+$0xFFFFFD00];
	v1 =	vadd.f32 v23, v1  }
0x18a: {  	v5 =	vadd.f32 v36, v5;
	v41 =	vadd.f32 v59, v49;
	v59 =	vld [tilespmem:s31+$0xFFFFFD20]  }
0x18b: {  	v3 =	vadd.f32 v33, v3;
	v1 =	vadd.f32 v9, v1;
	v9 =	vld [tilespmem:$0x1FDF0]  }
0x18c: {  	v54 =	vadd.f32 v54, v13;
	v51 =	vld [tilespmem:s31+$0xFFFFFD60];
	v5 =	vadd.f32 v29, v5  }
0x18d: {  	v2 =	vadd.f32 v42, v2;
	v3 =	vadd.f32 v26, v3;
	v49 =	vld [tilespmem:s31+$0xFFFFFE30]  }
0x18e: {  	v8 =	vadd.f32 v57, v54;
	v57 =	vld [tilespmem:s31+$0xFFFFFD10];
	v5 =	vadd.f32 v22, v5  }
0x18f: {  	v2 =	vadd.f32 v35, v2;
	v3 =	vadd.f32 v19, v3;
	v19 =	vld [tilespmem:s31+$0xFFFFFE60]  }
0x190: {  	v5 =	vadd.f32 v9, v5;
	v9 =	vld [tilespmem:$0x1FE00]  }
0x191: {  	v2 =	vadd.f32 v28, v2;
	v8 =	vadd.f32 v62, v8;
	v62 =	vld [tilespmem:s31+$0xFFFFFCD0]  }
0x192: {  	v0 =	vadd.f32 v56, v0;
	v56 =	vadd.f32 v61, v48;
	v61 =	vld [tilespmem:s31+$0xFFFFFD30]  }
0x193: {  	v2 =	vadd.f32 v21, v2;
	v60 =	vadd.f32 v63, v46;
	v63 =	vld [tilespmem:s31+$0xFFFFFD40]  }
0x194: {  	v48 =	vld [tilespmem:s31+$0xFFFFFE20]  }
0x195: {  	v2 =	vadd.f32 v9, v2;
	v9 =	vld [tilespmem:$0x1FE10]  }
0x196: {  	v8 =	vadd.f32 v55, v8;
	v55 =	vld [tilespmem:s31+$0xFFFFFD80]  }
0x197: {  	v52 =	vadd.f32 v59, v52;
	v59 =	vld [tilespmem:s31+$0xFFFFFDA0]  }
0x198: {  	v0 =	vadd.f32 v57, v0;
	v57 =	vld [tilespmem:s31+$0xFFFFFD90]  }
0x199: {  	v60 =	vadd.f32 v51, v60;
	v51 =	vld [tilespmem:s31+$0xFFFFFE70]  }
0x19a: {  	v6 =	vadd.f32 v9, v6;
	v9 =	vld [tilespmem:$0x1FE20]  }
0x19b: {  	v58 =	vadd.f32 v62, v47;
	v62 =	vadd.f32 v53, v45;
	v53 =	vld [tilespmem:s31+$0xFFFFFD70]  }
0x19c: {  	v45 =	vld [tilespmem:s31+$0xFFFFFE00]  }
0x19d: {  	v7 =	vadd.f32 v32, v7;
	v47 =	vld [tilespmem:s31+$0xFFFFFE10]  }
0x19e: {  	v54 =	vadd.f32 v61, v41;
	v61 =	vld [tilespmem:s31+$0xFFFFFDB0]  }
0x19f: {  	v7 =	vadd.f32 v25, v7;
	v3 =	vadd.f32 v9, v3;
	v9 =	vld [tilespmem:$0x1FE30]  }
0x1a0: {  	v4 =	vadd.f32 v38, v4;
	v56 =	vadd.f32 v63, v56;
	v63 =	vld [tilespmem:s31+$0xFFFFFDC0]  }
0x1a1: {  	v7 =	vadd.f32 v18, v7;
	v41 =	vld [tilespmem:s31+$0xFFFFFDE0]  }
0x1a2: {  	v4 =	vadd.f32 v31, v4;
	v58 =	vadd.f32 v50, v58;
	v50 =	vld [tilespmem:s31+$0xFFFFFE40]  }
0x1a3: {  	v8 =	vadd.f32 v55, v8;
	v42 =	vadd.f32 v59, v52;
	v52 =	vld [tilespmem:s31+$0xFFFFFE80]  }
0x1a4: {  	v23 =	vadd.f32 v39, v58;
	v7 =	vadd.f32 v9, v7;
	v9 =	vld [tilespmem:$0x1FE40]  }
0x1a5: {  	v4 =	vadd.f32 v24, v4;
	v62 =	vadd.f32 v53, v62;
	v53 =	vld [tilespmem:s31+$0xFFFFFE90]  }
0x1a6: {  	v8 =	vadd.f32 v45, v8;
	v13 =	vadd.f32 v20, v23;
	v20 =	vld [tilespmem:s31+$0xFFFFFEA0]  }
0x1a7: {  	v4 =	vadd.f32 v17, v4;
	v46 =	vadd.f32 v63, v56;
	v56 =	vld [tilespmem:s31+$0xFFFFFEE0]  }
0x1a8: {  	v55 =	vadd.f32 v52, v8;
	v8 =	vld [tilespmem:s31+$0xFFFFFED0]  }
0x1a9: {  	v4 =	vadd.f32 v9, v4;
	v9 =	vld [tilespmem:$0x1FE50]  }
0x1aa: {  	v44 =	vadd.f32 v61, v54;
	v22 =	vadd.f32 v41, v60;
	v61 =	vld [tilespmem:s31+$0xFFFFFF80]  }
0x1ab: {  	v0 =	vadd.f32 v57, v0;
	v18 =	vadd.f32 v48, v42;
	v63 =	vld [tilespmem:s31+$0xFFFFFFA0]  }
0x1ac: {  	v21 =	vadd.f32 v43, v62;
	v14 =	vadd.f32 v19, v22;
	v19 =	vld [tilespmem:s31+$0xFFFFFEB0]  }
0x1ad: {  	v0 =	vadd.f32 v47, v0;
	v60 =	vadd.f32 v8, v13;
	v8 =	vld [tilespmem:s31+$0xFFFFFF20]  }
0x1ae: {  	v54 =	vadd.f32 v51, v21;
	v1 =	vadd.f32 v9, v1;
	v9 =	vld [tilespmem:s31+$0xFFFFFF00]  }
0x1af: {  	v62 =	vld [tilespmem:s31+$0xFFFFFF90];
	v0 =	vadd.f32 v53, v0  }
0x1b0: {  	[tilespmem:s29+$0x0] =	vst v5;
	v57 =	vadd.f32 v20, v18;
	v5 =	vadd.f32 v10, v54;
	v10 =	vld [tilespmem:s31+$0xFFFFFF40]  }
0x1b1: {  	v17 =	vadd.f32 v49, v44;
	v16 =	vadd.f32 v50, v46;
	v13 =	vld [tilespmem:s31+$0xFFFFFF60]  }
0x1b2: {  	s30 =	sadd.s32 $0x2, s30;
	v0 =	vadd.f32 v11, v0;
	[tilespmem:s29+$0x30] =	vst v3;
	v3 =	vadd.f32 v8, v57;
	v8 =	vld [tilespmem:s31+$0xFFFFFF70]  }
0x1b3: {  	p3 =	slt.u32 s30, $0x26;
	[tilespmem:s29+$0x10] =	vst v2;
	v58 =	vadd.f32 v19, v17;
	v2 =	vadd.f32 v9, v55;
	v9 =	vld [tilespmem:s31+$0xFFFFFF50]  }
.Ltmp6:
0x1b4: {  	v59 =	vadd.f32 v15, v16;
	v15 =	vld [tilespmem:s31+$0xFFFFFFC0];
	v21 =	vadd.f32 v62, v0;
	[tilespmem:s29+$0x20] =	vst v6;
	(pc) =	sbr.rel @p3 .LBB2_6-.Ltmp6, $4  }
0x1b5: {  	v18 =	vld [tilespmem:s31+$0xFFFFFFE0];
	v6 =	vadd.f32 v56, v14;
	v12 =	vadd.f32 v12, v58;
	[tilespmem:s29+$0x40] =	vst v7  }
0x1b6: {  	v17 =	vld [tilespmem:s31+$0xFFFFFFD0];
	v10 =	vadd.f32 v10, v59;
	[tilespmem:s29+$0x50] =	vst v4;
	v2 =	vadd.f32 v61, v2  }
0x1b7: {  	v19 =	vld [tilespmem:s31+$0xFFFFFFF0];
	v16 =	vadd.f32 v13, v6;
	v20 =	vadd.f32 v63, v3;
	[tilespmem:s29+$0x60] =	vst v1  }
0x1b8: {  	v14 =	vld [tilespmem:s31+$0xFFFFFFB0];
	s31 =	sadd.s32 $0x900, s31;
	[tilespmem:s29+$0xFFFFFF80] =	vst v2;
	v11 =	vadd.f32 v9, v60;
	v9 =	vadd.f32 v8, v5  }
0x1b9: {  	_ =	sdelay $0x1  }
0x1ba: {  	[tilespmem:s29+$0xFFFFFF90] =	vst v21;
	v1 =	vadd.f32 v15, v10  }
0x1bb: {  	[tilespmem:s29+$0xFFFFFFA0] =	vst v20;
	v2 =	vadd.f32 v17, v11  }
0x1bc: {  	[tilespmem:s29+$0xFFFFFFC0] =	vst v1;
	v0 =	vadd.f32 v14, v12  }
0x1bd: {  	v1 =	vadd.f32 v19, v9;
	[tilespmem:s29+$0xFFFFFFD0] =	vst v2  }
0x1be: {  	[tilespmem:s29+$0xFFFFFFB0] =	vst v0;
	v0 =	vadd.f32 v18, v16  }
0x1bf: {  	[tilespmem:s29+$0xFFFFFFF0] =	vst v1  }
0x1c0: {  	[tilespmem:s29+$0xFFFFFFE0] =	vst v0  }
0x1c1: {  	v3 =	vld [tilespmem:$0x1FFD0]  }
0x1c2: {  	v2 =	vld [tilespmem:$0x1FFE0]  }
0x1c3: {  	s30 =	smul.u32 $0x50, s25;
	v1 =	vld [tilespmem:$0x1FFF0]  }
0x1c4: {  	v4 =	vld [tilespmem:$0x1FF80]  }
0x1c5: {  	s30 =	sadd.s32 s6, s30;
	v5 =	vld [tilespmem:$0x1FFB0]  }
0x1c6: {  	s30 =	sshll.u32 s30, $0x4;
	v6 =	vld [tilespmem:$0x1FF90]  }
0x1c7: {  	s31 =	sadd.s32 s5, s30;
	v7 =	vld [tilespmem:$0x1FFA0]  }
0x1c8: {  	v0 =	vlaneseq.u32;
	[hbm4b:s31+s3] =	stream.linear.scatter [tilespmem:s19], [sflag:$0x3], $0x1400, $0x38;
	v17 =	vld [tilespmem:$0x1FFC0]  }
.LBB2_8:
0x1c9: {  	s28 =	sadd.s32 $0x2, s28  }
0x1ca: {  	p3 =	sge.u32 s28, s7  }
0x1cb: {  	s28 =	smul.u32 @!p3 $0x5A0, s28;
	_ =	sdelay $0x1  }
0x1cc: {  	s29 =	simm.s32 @!p3 $0x78;
	s30 =	simm.s32 @!p3 $0x5600;
	s28 =	sshra.s32 @!p3 s28, $0x2  }
0x1cd: {  	[tilespmem:s30], [sflag:$0x1] =	stream.indirect.gather @!p3 [hbm4b:s4+s29], $0x80, s28, s29, $0xb8;
	[tilespmem:$0x1E680] =	vst v63  }
.Ltmp7:
0x1ce: {  	_ = 	snop;
	(pc) =	sbr.rel @p1 .LBB2_12-.Ltmp7, $4  }
0x1cf: {  	s31 =	simm.s32 @!p3 $0x9200;
	s30 =	sadd.s32 @!p3 $0x78, s28  }
0x1d0: {  	[tilespmem:s31], [sflag:$0x1] =	stream.indirect.gather @!p3 [hbm4b:s4+s29], $0x80, s30, s29, $0xb8;
	[tilespmem:$0x1E680] =	vst v63  }
0x1d1: {  	s28 =	sadd.s32 @!p3 $0xF0, s28;
	s30 =	simm.s32 @!p3 $0xCE00  }
0x1d2: {  	[tilespmem:s30], [sflag:$0x1] =	stream.indirect.gather @!p3 [hbm4b:s4+s29], $0x80, s28, s29, $0xb8;
	[tilespmem:$0x1E680] =	vst v63  }
0x1d3: {  	s28 =	simm.s32 @!p2 $0x4  }
0x1d4: {  	_ =	swait.ge @!p2 [sflag:s28], $0x1400  }
0x1d5: {  	[sflag:s28] =	ssyncset.done @!p2 $0x0  }
0x1d6: {  	[sflag:s28] =	ssyncadd.s32 @!p2 $0xFFFFEC00  }
0x1d7: {  	_ =	swait.ge [sflag:s20], $0x3C00  }
0x1d8: {  	[sflag:s20] =	ssyncset.done $0x0  }
0x1d9: {  	[sflag:s20] =	ssyncadd.s32 $0xFFFFC400  }
0x1da: {  	_ =	swait.ge [sflag:s20], $0x3C00  }
0x1db: {  	[sflag:s20] =	ssyncset.done $0x0  }
0x1dc: {  	[sflag:s20] =	ssyncadd.s32 $0xFFFFC400  }
0x1dd: {  	_ =	swait.ge [sflag:s20], $0x3C00  }
0x1de: {  	[sflag:s20] =	ssyncset.done $0x0  }
0x1df: {  	s29 =	simm.s32 $0x10E80;
	[sflag:s20] =	ssyncadd.s32 $0xFFFFC400  }
0x1e0: {  	v0 =	vld [tilespmem:s29+$0x400];
	_ =	sdelay $0x4  }
0x1e1: {  	[tilespmem:$0x1FD70] =	vst v0  }
0x1e2: {  	v0 =	vld [tilespmem:s29+$0x410];
	_ =	sdelay $0x4  }
0x1e3: {  	[tilespmem:$0x1FD80] =	vst v0  }
0x1e4: {  	v0 =	vld [tilespmem:s29+$0x420];
	_ =	sdelay $0x4  }
0x1e5: {  	[tilespmem:$0x1FD90] =	vst v0  }
0x1e6: {  	v0 =	vld [tilespmem:s29+$0x430];
	_ =	sdelay $0x4  }
0x1e7: {  	[tilespmem:$0x1FDA0] =	vst v0  }
0x1e8: {  	v0 =	vld [tilespmem:s29+$0x440];
	_ =	sdelay $0x4  }
0x1e9: {  	[tilespmem:$0x1FDB0] =	vst v0  }
0x1ea: {  	v0 =	vld [tilespmem:s29+$0x450];
	_ =	sdelay $0x4  }
0x1eb: {  	[tilespmem:$0x1FDC0] =	vst v0  }
0x1ec: {  	v0 =	vld [tilespmem:s29+$0x460];
	_ =	sdelay $0x4  }
0x1ed: {  	[tilespmem:$0x1FDD0] =	vst v0  }
0x1ee: {  	v0 =	vld [tilespmem:s29+$0x380];
	_ =	sdelay $0x4  }
0x1ef: {  	v15 =	vld [tilespmem:s29+$0x470];
	[tilespmem:$0x1FD00] =	vst v0  }
0x1f0: {  	v0 =	vld [tilespmem:s29+$0x390];
	_ =	sdelay $0x4  }
0x1f1: {  	[tilespmem:$0x1FD10] =	vst v0  }
0x1f2: {  	v0 =	vld [tilespmem:s29+$0x3A0];
	_ =	sdelay $0x4  }
0x1f3: {  	[tilespmem:$0x1FD20] =	vst v0  }
0x1f4: {  	v0 =	vld [tilespmem:s29+$0x3B0];
	_ =	sdelay $0x4  }
0x1f5: {  	[tilespmem:$0x1FD30] =	vst v0  }
0x1f6: {  	v0 =	vld [tilespmem:s29+$0x3C0];
	_ =	sdelay $0x4  }
0x1f7: {  	[tilespmem:$0x1FD40] =	vst v0  }
0x1f8: {  	v0 =	vld [tilespmem:s29+$0x3D0];
	_ =	sdelay $0x4  }
0x1f9: {  	[tilespmem:$0x1FD50] =	vst v0  }
0x1fa: {  	v0 =	vld [tilespmem:s29+$0x3E0];
	_ =	sdelay $0x4  }
0x1fb: {  	[tilespmem:$0x1FD60] =	vst v0  }
0x1fc: {  	v0 =	vld [tilespmem:s29+$0x320];
	_ =	sdelay $0x2  }
0x1fd: {  	v12 =	vld [tilespmem:s29+$0x3F0]  }
0x1fe: {  	v29 =	vld [tilespmem:s29+$0x300]  }
0x1ff: {  	v28 =	vld [tilespmem:s29+$0x310];
	[tilespmem:$0x1FCB0] =	vst v0  }
0x200: {  	v0 =	vld [tilespmem:s29+$0x330];
	_ =	sdelay $0x4  }
0x201: {  	[tilespmem:$0x1FCC0] =	vst v0  }
0x202: {  	v0 =	vld [tilespmem:s29+$0x340];
	_ =	sdelay $0x4  }
0x203: {  	[tilespmem:$0x1FCD0] =	vst v0  }
0x204: {  	v0 =	vld [tilespmem:s29+$0x350];
	_ =	sdelay $0x4  }
0x205: {  	[tilespmem:$0x1FCE0] =	vst v0  }
0x206: {  	v0 =	vld [tilespmem:s29+$0x360];
	_ =	sdelay $0x4  }
0x207: {  	[tilespmem:$0x1FCF0] =	vst v0  }
0x208: {  	v11 =	vld [tilespmem:s29+$0x370]  }
0x209: {  	v37 =	vld [tilespmem:s29+$0x280]  }
0x20a: {  	v36 =	vld [tilespmem:s29+$0x290]  }
0x20b: {  	v35 =	vld [tilespmem:s29+$0x2A0]  }
0x20c: {  	v34 =	vld [tilespmem:s29+$0x2B0]  }
0x20d: {  	v33 =	vld [tilespmem:s29+$0x2C0]  }
0x20e: {  	v32 =	vld [tilespmem:s29+$0x2D0]  }
0x20f: {  	v31 =	vld [tilespmem:s29+$0x2E0]  }
0x210: {  	v18 =	vmov v6;
	v6 =	vld [tilespmem:s29+$0x2F0]  }
0x211: {  	v24 =	vld [tilespmem:s29+$0x200]  }
0x212: {  	v26 =	vld [tilespmem:s29+$0x210]  }
0x213: {  	v27 =	vld [tilespmem:s29+$0x220]  }
0x214: {  	v41 =	vld [tilespmem:s29+$0x230]  }
0x215: {  	v40 =	vld [tilespmem:s29+$0x240]  }
0x216: {  	v39 =	vld [tilespmem:s29+$0x250]  }
0x217: {  	v38 =	vld [tilespmem:s29+$0x260]  }
0x218: {  	v25 =	vld [tilespmem:s29+$0x270]  }
0x219: {  	v23 =	vld [tilespmem:s29+$0x180]  }
0x21a: {  	v42 =	vld [tilespmem:s29+$0x190]  }
0x21b: {  	v43 =	vld [tilespmem:s29+$0x1A0]  }
0x21c: {  	v44 =	vld [tilespmem:s29+$0x1B0]  }
0x21d: {  	v45 =	vld [tilespmem:s29+$0x1C0]  }
0x21e: {  	v46 =	vld [tilespmem:s29+$0x1D0]  }
0x21f: {  	v47 =	vld [tilespmem:s29+$0x1E0]  }
0x220: {  	v30 =	vld [tilespmem:s29+$0x1F0]  }
0x221: {  	v48 =	vld [tilespmem:s29+$0x70]  }
0x222: {  	v49 =	vld [tilespmem:s29+$0x100]  }
0x223: {  	v50 =	vld [tilespmem:s29+$0xF0]  }
0x224: {  	v51 =	vld [tilespmem:s29+$0x110]  }
0x225: {  	v52 =	vld [tilespmem:s29+$0x170]  }
0x226: {  	v53 =	vld [tilespmem:s29+$0x120]  }
0x227: {  	v54 =	vld [tilespmem:s29+$0x130]  }
0x228: {  	v55 =	vld [tilespmem:s29+$0x140]  }
0x229: {  	v56 =	vld [tilespmem:s29+$0x150]  }
0x22a: {  	v57 =	vld [tilespmem:s29+$0x160]  }
0x22b: {  	v58 =	vld [tilespmem:s29+$0x80]  }
0x22c: {  	v59 =	vld [tilespmem:s29+$0x90]  }
0x22d: {  	v60 =	vld [tilespmem:s29+$0xA0]  }
0x22e: {  	v61 =	vld [tilespmem:s29+$0xB0]  }
0x22f: {  	v62 =	vld [tilespmem:s29+$0xC0]  }
0x230: {  	v63 =	vld [tilespmem:s29+$0xD0]  }
0x231: {  	v8 =	vld [tilespmem:s29+$0xE0]  }
0x232: {  	v9 =	vmov v1;
	v1 =	vld [tilespmem:s29+$0x0]  }
0x233: {  	v16 =	vmov v4;
	v4 =	vmov v2;
	v2 =	vld [tilespmem:s29+$0x10]  }
0x234: {  	v0 =	vmov v3;
	v3 =	vld [tilespmem:s29+$0x50]  }
0x235: {  	v10 =	vmov v5;
	v5 =	vld [tilespmem:s29+$0x30]  }
0x236: {  	v14 =	vld [tilespmem:s29+$0xFFFFFB90]  }
0x237: {  	v19 =	vld [tilespmem:s29+$0xFFFFFBB0]  }
0x238: {  	v20 =	vld [tilespmem:s29+$0xFFFFFBC0];
	v48 =	vadd.f32 v48, v17  }
0x239: {  	v21 =	vld [tilespmem:s29+$0xFFFFFBD0];
	v3 =	vadd.f32 v3, v18  }
0x23a: {  	v22 =	vld [tilespmem:s29+$0xFFFFFBE0];
	v48 =	vadd.f32 v50, v48  }
0x23b: {  	v50 =	vld [tilespmem:s29+$0x20];
	v3 =	vadd.f32 v63, v3  }
0x23c: {  	v48 =	vadd.f32 v52, v48;
	v52 =	vld [tilespmem:s29+$0x40]  }
0x23d: {  	v3 =	vadd.f32 v56, v3;
	v56 =	vld [tilespmem:s29+$0xFFFFFD20]  }
0x23e: {  	v30 =	vadd.f32 v30, v48;
	v48 =	vld [tilespmem:s29+$0x60]  }
0x23f: {  	v3 =	vadd.f32 v46, v3;
	v46 =	vld [tilespmem:s29+$0xFFFFFE30]  }
0x240: {  	v13 =	vmov v7;
	v50 =	vadd.f32 v50, v9;
	v7 =	vadd.f32 v25, v30;
	v30 =	vld [tilespmem:s29+$0xFFFFFBA0]  }
0x241: {  	v25 =	vld [tilespmem:s29+$0xFFFFFBF0]  }
0x242: {  	v50 =	vadd.f32 v60, v50;
	v60 =	vld [tilespmem:s29+$0xFFFFFC40]  }
0x243: {  	v52 =	vadd.f32 v52, v10;
	v6 =	vadd.f32 v6, v7;
	v7 =	vld [tilespmem:s29+$0xFFFFFB80]  }
0x244: {  	v50 =	vadd.f32 v53, v50;
	v53 =	vld [tilespmem:s29+$0xFFFFFC90]  }
0x245: {  	v48 =	vadd.f32 v48, v13;
	v52 =	vadd.f32 v62, v52;
	v62 =	vld [tilespmem:s29+$0xFFFFFCF0]  }
0x246: {  	v6 =	vadd.f32 v11, v6;
	v11 =	vld [tilespmem:s29+$0xFFFFFC00]  }
0x247: {  	v63 =	vadd.f32 v8, v48;
	v48 =	vld [tilespmem:s29+$0xFFFFFC60];
	v52 =	vadd.f32 v55, v52  }
0x248: {  	v8 =	vadd.f32 v14, v4;
	v14 =	vld [tilespmem:s29+$0xFFFFFCB0];
	v43 =	vadd.f32 v43, v50  }
0x249: {  	v50 =	vld [tilespmem:$0x1FD40];
	v6 =	vadd.f32 v12, v6;
	v12 =	vadd.f32 v1, v0  }
0x24a: {  	v55 =	vld [tilespmem:s29+$0xFFFFFF10];
	v1 =	vadd.f32 v2, v4;
	v2 =	vadd.f32 v5, v16  }
0x24b: {  	v5 =	vadd.f32 v57, v63;
	v57 =	vadd.f32 v30, v9;
	v30 =	vld [tilespmem:s29+$0xFFFFFCC0]  }
0x24c: {  	v63 =	vld [tilespmem:s29+$0xFFFFFD00]  }
0x24d: {  	v9 =	vadd.f32 v19, v16;
	v16 =	vld [tilespmem:s29+$0xFFFFFD60]  }
0x24e: {  	v19 =	vld [tilespmem:$0x1FCB0]  }
0x24f: {  	v45 =	vadd.f32 v45, v52;
	v52 =	vld [tilespmem:$0x1FD50]  }
0x250: {  	v6 =	vadd.f32 v15, v6;
	v15 =	vld [tilespmem:s29+$0xFFFFFC10]  }
0x251: {  	v0 =	vadd.f32 v7, v0;
	v12 =	vadd.f32 v58, v12;
	v58 =	vld [tilespmem:s29+$0xFFFFFC20]  }
0x252: {  	v1 =	vadd.f32 v59, v1;
	v59 =	vld [tilespmem:s29+$0xFFFFFC30]  }
0x253: {  	v2 =	vadd.f32 v61, v2;
	v61 =	vld [tilespmem:s29+$0xFFFFFC50];
	v0 =	vadd.f32 v11, v0  }
0x254: {  	v11 =	vadd.f32 v22, v13;
	v13 =	vadd.f32 v25, v17;
	v25 =	vld [tilespmem:s29+$0xFFFFFD30]  }
0x255: {  	v17 =	vld [tilespmem:s29+$0xFFFFFD70]  }
0x256: {  	v5 =	vadd.f32 v47, v5;
	v47 =	vld [tilespmem:s29+$0xFFFFFE60]  }
0x257: {  	v22 =	vld [tilespmem:s29+$0xFFFFFEB0]  }
0x258: {  	v12 =	vadd.f32 v49, v12;
	v49 =	vld [tilespmem:s29+$0xFFFFFC70]  }
0x259: {  	v1 =	vadd.f32 v51, v1;
	v51 =	vld [tilespmem:s29+$0xFFFFFC80]  }
0x25a: {  	v2 =	vadd.f32 v54, v2;
	v54 =	vld [tilespmem:s29+$0xFFFFFCA0]  }
0x25b: {  	v11 =	vadd.f32 v48, v11;
	v48 =	vld [tilespmem:s29+$0xFFFFFD40]  }
0x25c: {  	v1 =	vadd.f32 v42, v1;
	v42 =	vld [tilespmem:s29+$0xFFFFFCE0]  }
0x25d: {  	v2 =	vadd.f32 v44, v2;
	v44 =	vld [tilespmem:s29+$0xFFFFFD10]  }
0x25e: {  	v12 =	vadd.f32 v23, v12;
	v23 =	vld [tilespmem:s29+$0xFFFFFEA0]  }
0x25f: {  	v8 =	vadd.f32 v15, v8;
	v15 =	vld [tilespmem:s29+$0xFFFFFCD0]  }
0x260: {  	v4 =	vadd.f32 v58, v57;
	v57 =	vld [tilespmem:s29+$0xFFFFFD50]  }
0x261: {  	v9 =	vadd.f32 v59, v9;
	v58 =	vld [tilespmem:s29+$0xFFFFFD80]  }
0x262: {  	v59 =	vadd.f32 v20, v10;
	v10 =	vadd.f32 v21, v18;
	v21 =	vld [tilespmem:s29+$0xFFFFFEC0]  }
0x263: {  	v20 =	vld [tilespmem:s29+$0xFFFFFED0]  }
0x264: {  	v18 =	vadd.f32 v27, v43;
	v2 =	vadd.f32 v41, v2;
	v41 =	vld [tilespmem:s29+$0xFFFFFDF0]  }
0x265: {  	v9 =	vadd.f32 v14, v9;
	v14 =	vld [tilespmem:s29+$0xFFFFFD90]  }
0x266: {  	v7 =	vadd.f32 v60, v59;
	v60 =	vld [tilespmem:s29+$0xFFFFFDA0];
	v18 =	vadd.f32 v35, v18  }
0x267: {  	v10 =	vadd.f32 v61, v10;
	v61 =	vld [tilespmem:s29+$0xFFFFFDC0]  }
0x268: {  	v18 =	vadd.f32 v19, v18;
	v19 =	vld [tilespmem:$0x1FCD0]  }
0x269: {  	v59 =	vadd.f32 v40, v45;
	v45 =	vld [tilespmem:s29+$0xFFFFFE20]  }
0x26a: {  	v13 =	vadd.f32 v49, v13;
	v0 =	vadd.f32 v51, v0;
	v49 =	vld [tilespmem:s29+$0xFFFFFE80]  }
0x26b: {  	v51 =	vld [tilespmem:s29+$0xFFFFFEF0];
	v7 =	vadd.f32 v30, v7;
	v30 =	vadd.f32 v33, v59  }
0x26c: {  	v8 =	vadd.f32 v53, v8;
	v53 =	vld [tilespmem:s29+$0xFFFFFF00]  }
0x26d: {  	v7 =	vadd.f32 v48, v7;
	v48 =	vadd.f32 v19, v30;
	v19 =	vld [tilespmem:$0x1FCF0]  }
0x26e: {  	v5 =	vadd.f32 v38, v5;
	v4 =	vadd.f32 v54, v4;
	v54 =	vld [tilespmem:$0x1FD60]  }
0x26f: {  	v13 =	vadd.f32 v62, v13;
	v62 =	vld [tilespmem:s29+$0xFFFFFDD0]  }
0x270: {  	v5 =	vadd.f32 v31, v5;
	v0 =	vadd.f32 v63, v0;
	v63 =	vld [tilespmem:s29+$0xFFFFFDE0]  }
0x271: {  	v12 =	vadd.f32 v24, v12;
	v11 =	vadd.f32 v42, v11;
	v42 =	vld [tilespmem:s29+$0xFFFFFE00]  }
0x272: {  	v5 =	vadd.f32 v19, v5;
	v19 =	vld [tilespmem:$0x1FD00]  }
0x273: {  	v12 =	vadd.f32 v37, v12;
	v8 =	vadd.f32 v44, v8;
	v44 =	vld [tilespmem:s29+$0xFFFFFE10]  }
0x274: {  	v4 =	vadd.f32 v56, v4;
	v56 =	vld [tilespmem:$0x1FD90]  }
0x275: {  	v59 =	vld [tilespmem:s29+$0xFFFFFF60];
	v12 =	vadd.f32 v29, v12  }
0x276: {  	v1 =	vadd.f32 v26, v1;
	v10 =	vadd.f32 v15, v10;
	v15 =	vld [tilespmem:s29+$0xFFFFFDB0]  }
0x277: {  	v12 =	vadd.f32 v19, v12;
	v19 =	vld [tilespmem:$0x1FD10]  }
0x278: {  	v1 =	vadd.f32 v36, v1;
	v11 =	vadd.f32 v16, v11;
	v16 =	vld [tilespmem:s29+$0xFFFFFE40]  }
0x279: {  	v8 =	vadd.f32 v14, v8;
	v14 =	vld [tilespmem:$0x1FCC0]  }
0x27a: {  	v1 =	vadd.f32 v28, v1;
	v13 =	vadd.f32 v17, v13;
	v17 =	vld [tilespmem:s29+$0xFFFFFE50]  }
0x27b: {  	v3 =	vadd.f32 v39, v3;
	v0 =	vadd.f32 v58, v0;
	v58 =	vld [tilespmem:s29+$0xFFFFFF50]  }
0x27c: {  	v2 =	vadd.f32 v34, v2;
	v1 =	vadd.f32 v19, v1;
	v19 =	vld [tilespmem:$0x1FD20]  }
0x27d: {  	v3 =	vadd.f32 v32, v3;
	v10 =	vadd.f32 v57, v10;
	v57 =	vld [tilespmem:s29+$0xFFFFFF40]  }
0x27e: {  	v9 =	vadd.f32 v25, v9;
	v2 =	vadd.f32 v14, v2;
	v14 =	vld [tilespmem:s29+$0xFFFFFE70]  }
0x27f: {  	v4 =	vadd.f32 v60, v4;
	v60 =	vld [tilespmem:s29+$0xFFFFFF70];
	v7 =	vadd.f32 v61, v7  }
0x280: {  	v13 =	vadd.f32 v41, v13;
	v61 =	vld [tilespmem:s29+$0xFFFFFF80];
	v10 =	vadd.f32 v62, v10  }
0x281: {  	v11 =	vadd.f32 v63, v11;
	v18 =	vadd.f32 v19, v18;
	v19 =	vld [tilespmem:$0x1FD30]  }
0x282: {  	v0 =	vadd.f32 v42, v0;
	v9 =	vadd.f32 v15, v9;
	v15 =	vld [tilespmem:$0x1FCE0]  }
0x283: {  	v8 =	vadd.f32 v44, v8;
	v13 =	vadd.f32 v14, v13;
	v14 =	vld [tilespmem:$0x1FDA0]  }
0x284: {  	v4 =	vadd.f32 v45, v4;
	v7 =	vadd.f32 v16, v7;
	v16 =	vld [tilespmem:$0x1FD70]  }
0x285: {  	v24 =	vadd.f32 v50, v48;
	v10 =	vadd.f32 v17, v10;
	v17 =	vld [tilespmem:$0x1FD80]  }
0x286: {  	v7 =	vadd.f32 v21, v7;
	v21 =	vld [tilespmem:s29+$0xFFFFFF90];
	v2 =	vadd.f32 v19, v2  }
0x287: {  	v11 =	vadd.f32 v47, v11;
	v62 =	vadd.f32 v20, v10;
	v20 =	vld [tilespmem:s29+$0xFFFFFFA0]  }
0x288: {  	v0 =	vadd.f32 v49, v0;
	v2 =	vadd.f32 v14, v2;
	v14 =	vld [tilespmem:$0x1FDB0]  }
0x289: {  	v4 =	vadd.f32 v23, v4;
	v9 =	vadd.f32 v46, v9;
	v19 =	vld [tilespmem:s29+$0xFFFFFEE0]  }
0x28a: {  	v0 =	vadd.f32 v53, v0;
	v3 =	vadd.f32 v15, v3;
	v15 =	vld [tilespmem:s29+$0xFFFFFE90]  }
0x28b: {  	v9 =	vadd.f32 v22, v9;
	v12 =	vadd.f32 v16, v12;
	v16 =	vld [tilespmem:s29+$0xFFFFFF20]  }
0x28c: {  	s28 =	simm.s32 $0x1D280;
	v10 =	vadd.f32 v57, v7;
	v1 =	vadd.f32 v17, v1;
	v17 =	vld [tilespmem:s29+$0xFFFFFF30]  }
0x28d: {  	v0 =	vadd.f32 v61, v0;
	v24 =	vadd.f32 v14, v24;
	v14 =	vld [tilespmem:$0x1FDC0];
	[tilespmem:s28+$0x70] =	vst v6  }
0x28e: {  	v18 =	vadd.f32 v56, v18;
	v19 =	vadd.f32 v19, v11;
	v6 =	vld [tilespmem:$0x1FDD0];
	[tilespmem:s28+$0x0] =	vst v12  }
0x28f: {  	v3 =	vadd.f32 v52, v3;
	v8 =	vadd.f32 v15, v8;
	v15 =	vld [tilespmem:s29+$0xFFFFFFC0];
	[tilespmem:s28+$0x10] =	vst v1  }
0x290: {  	v4 =	vadd.f32 v16, v4;
	v16 =	vadd.f32 v59, v19;
	v19 =	vld [tilespmem:s29+$0xFFFFFFF0];
	[tilespmem:s28+$0x20] =	vst v18  }
0x291: {  	v5 =	vadd.f32 v54, v5;
	[tilespmem:s28+$0x30] =	vst v2;
	v12 =	vadd.f32 v17, v9;
	v17 =	vld [tilespmem:s29+$0xFFFFFFD0]  }
0x292: {  	v63 =	vadd.f32 v55, v8;
	v18 =	vld [tilespmem:s29+$0xFFFFFFE0];
	[tilespmem:s28+$0x40] =	vst v24;
	v3 =	vadd.f32 v14, v3  }
0x293: {  	v13 =	vadd.f32 v51, v13;
	v14 =	vld [tilespmem:s29+$0xFFFFFFB0];
	[tilespmem:s28+$0xFFFFFF80] =	vst v0;
	v5 =	vadd.f32 v6, v5  }
0x294: {  	v21 =	vadd.f32 v21, v63;
	v20 =	vadd.f32 v20, v4;
	[tilespmem:s28+$0x50] =	vst v3  }
0x295: {  	s30 =	simm.s32 $0x11780;
	v11 =	vadd.f32 v58, v62;
	v9 =	vadd.f32 v60, v13;
	s29 =	simm.s32 $0x0;
	[tilespmem:s28+$0x60] =	vst v5  }
.LBB2_10:
0x296: {  	v0 =	vld [tilespmem:s30+$0x400]  }
0x297: {  	v1 =	vld [tilespmem:s30+$0x410]  }
0x298: {  	v2 =	vld [tilespmem:s30+$0x420]  }
0x299: {  	v55 =	vld [tilespmem:s30+$0x430]  }
0x29a: {  	v57 =	vld [tilespmem:s30+$0x440]  }
0x29b: {  	v59 =	vld [tilespmem:s30+$0x450]  }
0x29c: {  	v60 =	vld [tilespmem:s30+$0x460]  }
0x29d: {  	v50 =	vld [tilespmem:s30+$0x470]  }
0x29e: {  	v22 =	vld [tilespmem:s30+$0x380]  }
0x29f: {  	v61 =	vld [tilespmem:s30+$0x3D0]  }
0x2a0: {  	v62 =	vld [tilespmem:s30+$0x3E0]  }
0x2a1: {  	v29 =	vld [tilespmem:s30+$0x300]  }
0x2a2: {  	v28 =	vld [tilespmem:s30+$0x310]  }
0x2a3: {  	v27 =	vld [tilespmem:s30+$0x320]  }
0x2a4: {  	v26 =	vld [tilespmem:s30+$0x330]  }
0x2a5: {  	v25 =	vld [tilespmem:s30+$0x340]  }
0x2a6: {  	v24 =	vld [tilespmem:s30+$0x350]  }
0x2a7: {  	v23 =	vld [tilespmem:s30+$0x360]  }
0x2a8: {  	v36 =	vld [tilespmem:s30+$0x280]  }
0x2a9: {  	v35 =	vld [tilespmem:s30+$0x290]  }
0x2aa: {  	v34 =	vld [tilespmem:s30+$0x2A0]  }
0x2ab: {  	v33 =	vld [tilespmem:s30+$0x2B0]  }
0x2ac: {  	v32 =	vld [tilespmem:s30+$0x2C0]  }
0x2ad: {  	v31 =	vld [tilespmem:s30+$0x2D0]  }
0x2ae: {  	v30 =	vld [tilespmem:s30+$0x2E0]  }
0x2af: {  	v63 =	vld [tilespmem:s30+$0x2F0]  }
0x2b0: {  	v43 =	vld [tilespmem:s30+$0x200]  }
0x2b1: {  	v42 =	vld [tilespmem:s30+$0x210]  }
0x2b2: {  	v41 =	vld [tilespmem:s30+$0x220]  }
0x2b3: {  	v40 =	vld [tilespmem:s30+$0x230]  }
0x2b4: {  	v39 =	vld [tilespmem:s30+$0x240]  }
0x2b5: {  	v38 =	vld [tilespmem:s30+$0x250]  }
0x2b6: {  	v37 =	vld [tilespmem:s30+$0x260]  }
0x2b7: {  	v3 =	vld [tilespmem:s30+$0x270]  }
0x2b8: {  	v51 =	vld [tilespmem:s30+$0x180]  }
0x2b9: {  	v49 =	vld [tilespmem:s30+$0x190]  }
0x2ba: {  	v48 =	vld [tilespmem:s30+$0x1A0]  }
0x2bb: {  	v47 =	vld [tilespmem:s30+$0x1B0]  }
0x2bc: {  	v46 =	vld [tilespmem:s30+$0x1C0]  }
0x2bd: {  	v45 =	vld [tilespmem:s30+$0x1D0]  }
0x2be: {  	v44 =	vld [tilespmem:s30+$0x1E0]  }
0x2bf: {  	v4 =	vld [tilespmem:s30+$0x1F0]  }
0x2c0: {  	v5 =	vld [tilespmem:s30+$0x70]  }
0x2c1: {  	v7 =	vld [tilespmem:s30+$0xF0]  }
0x2c2: {  	v13 =	vld [tilespmem:$0x1FFC0]  }
0x2c3: {  	v6 =	vld [tilespmem:s30+$0xC0]  }
0x2c4: {  	[tilespmem:s28+$0xFFFFFF90] =	vst v21;
	v21 =	vld [tilespmem:s30+$0x390]  }
0x2c5: {  	[tilespmem:s28+$0xFFFFFFA0] =	vst v20;
	v20 =	vld [tilespmem:s30+$0x3A0]  }
0x2c6: {  	v58 =	vadd.f32 v19, v9;
	v19 =	vld [tilespmem:s30+$0x3B0]  }
0x2c7: {  	v56 =	vadd.f32 v18, v16;
	v18 =	vld [tilespmem:s30+$0x3C0]  }
0x2c8: {  	v16 =	vld [tilespmem:s30+$0x100]  }
0x2c9: {  	v53 =	vadd.f32 v15, v10;
	v15 =	vld [tilespmem:s30+$0x110]  }
0x2ca: {  	v54 =	vadd.f32 v17, v11;
	v17 =	vld [tilespmem:s30+$0x140]  }
0x2cb: {  	v9 =	vld [tilespmem:s30+$0xE0]  }
0x2cc: {  	v10 =	vld [tilespmem:s30+$0x30]  }
0x2cd: {  	v52 =	vadd.f32 v14, v12;
	v12 =	vld [tilespmem:$0x1FFD0]  }
0x2ce: {  	v14 =	vld [tilespmem:$0x1FFE0]  }
0x2cf: {  	[tilespmem:$0x1FC40] =	vst v0;
	v0 =	vld [tilespmem:s30+$0x3F0]  }
0x2d0: {  	[tilespmem:$0x1FC50] =	vst v1;
	v1 =	vld [tilespmem:s30+$0x370]  }
0x2d1: {  	[tilespmem:$0x1FC70] =	vst v55;
	v55 =	vld [tilespmem:s30+$0x150]  }
0x2d2: {  	[tilespmem:$0x1FC80] =	vst v57;
	v57 =	vld [tilespmem:s30+$0x90]  }
0x2d3: {  	[tilespmem:s28+$0xFFFFFFB0] =	vst v52;
	v52 =	vld [tilespmem:s30+$0x170]  }
0x2d4: {  	[tilespmem:$0x1FC90] =	vst v59;
	v5 =	vadd.f32 v5, v13;
	v59 =	vld [tilespmem:s30+$0xD0]  }
0x2d5: {  	[tilespmem:$0x1FCA0] =	vst v60;
	v60 =	vld [tilespmem:s30+$0x0]  }
0x2d6: {  	[tilespmem:$0x1FC20] =	vst v61;
	v61 =	vld [tilespmem:s30+$0x20];
	v5 =	vadd.f32 v7, v5  }
0x2d7: {  	[tilespmem:$0x1FC30] =	vst v62;
	v62 =	vld [tilespmem:s30+$0x40]  }
0x2d8: {  	[tilespmem:s28+$0xFFFFFFC0] =	vst v53;
	v53 =	vld [tilespmem:s30+$0x120];
	v5 =	vadd.f32 v52, v5  }
0x2d9: {  	[tilespmem:s28+$0xFFFFFFD0] =	vst v54;
	v54 =	vld [tilespmem:s30+$0x130]  }
0x2da: {  	[tilespmem:s28+$0xFFFFFFE0] =	vst v56;
	v56 =	vld [tilespmem:s30+$0x160];
	v4 =	vadd.f32 v4, v5  }
0x2db: {  	[tilespmem:s28+$0xFFFFFFF0] =	vst v58;
	v58 =	vld [tilespmem:s30+$0xB0]  }
0x2dc: {  	v7 =	vld [tilespmem:s30+$0xA0];
	v3 =	vadd.f32 v3, v4  }
0x2dd: {  	v52 =	vld [tilespmem:s30+$0x80]  }
0x2de: {  	[tilespmem:$0x1FC60] =	vst v2;
	v5 =	vld [tilespmem:s30+$0x10];
	v2 =	vadd.f32 v63, v3  }
0x2df: {  	v4 =	vld [tilespmem:$0x1FF80]  }
0x2e0: {  	v3 =	vld [tilespmem:$0x1FFF0];
	v1 =	vadd.f32 v1, v2  }
0x2e1: {  	v63 =	vld [tilespmem:s30+$0x60]  }
0x2e2: {  	v2 =	vld [tilespmem:$0x1FFB0];
	v0 =	vadd.f32 v0, v1  }
0x2e3: {  	v1 =	vadd.f32 v5, v14;
	v5 =	vld [tilespmem:s30+$0xFFFFFB90]  }
0x2e4: {  	v0 =	vadd.f32 v50, v0;
	v50 =	vadd.f32 v60, v12;
	v60 =	vld [tilespmem:s30+$0x50]  }
0x2e5: {  	v61 =	vadd.f32 v61, v3;
	v8 =	vadd.f32 v57, v1;
	v57 =	vld [tilespmem:s30+$0xFFFFFBB0]  }
0x2e6: {  	v10 =	vadd.f32 v10, v4;
	v1 =	vld [tilespmem:$0x1FFA0]  }
0x2e7: {  	v11 =	vadd.f32 v7, v61;
	v61 =	vld [tilespmem:s30+$0xFFFFFBC0]  }
0x2e8: {  	v7 =	vadd.f32 v58, v10;
	v58 =	vld [tilespmem:s30+$0xFFFFFBD0]  }
0x2e9: {  	s28 =	sadd.s32 $0x100, s28;
	v62 =	vadd.f32 v62, v2;
	v50 =	vadd.f32 v52, v50;
	v52 =	vld [tilespmem:s30+$0xFFFFFBA0]  }
0x2ea: {  	[tilespmem:s28+$0x70] =	vst v0;
	v0 =	vld [tilespmem:$0x1FF90]  }
0x2eb: {  	v10 =	vadd.f32 v6, v62;
	v14 =	vadd.f32 v5, v14;
	v62 =	vld [tilespmem:s30+$0xFFFFFBE0]  }
0x2ec: {  	v5 =	vadd.f32 v53, v11;
	v11 =	vld [tilespmem:s30+$0xFFFFFEF0];
	v6 =	vadd.f32 v16, v50  }
0x2ed: {  	v50 =	vadd.f32 v61, v2;
	v61 =	vld [tilespmem:s30+$0xFFFFFC00]  }
0x2ee: {  	v63 =	vadd.f32 v63, v1;
	v6 =	vadd.f32 v51, v6;
	v51 =	vld [tilespmem:s30+$0xFFFFFC60]  }
0x2ef: {  	v57 =	vadd.f32 v57, v4;
	v2 =	vadd.f32 v15, v8;
	v15 =	vld [tilespmem:s30+$0xFFFFFEC0]  }
0x2f0: {  	v5 =	vadd.f32 v48, v5;
	v9 =	vadd.f32 v9, v63;
	v63 =	vld [tilespmem:s30+$0xFFFFFB80]  }
0x2f1: {  	v4 =	vadd.f32 v17, v10;
	v8 =	vadd.f32 v58, v0;
	v58 =	vld [tilespmem:s30+$0xFFFFFC10]  }
0x2f2: {  	v60 =	vadd.f32 v60, v0;
	v5 =	vadd.f32 v41, v5;
	v41 =	vld [tilespmem:s30+$0xFFFFFDE0]  }
0x2f3: {  	v53 =	vadd.f32 v62, v1;
	v62 =	vld [tilespmem:s30+$0xFFFFFC20]  }
0x2f4: {  	v4 =	vadd.f32 v46, v4;
	v59 =	vadd.f32 v59, v60;
	v60 =	vld [tilespmem:s30+$0xFFFFFBF0]  }
0x2f5: {  	v52 =	vadd.f32 v52, v3;
	v3 =	vadd.f32 v56, v9;
	v56 =	vld [tilespmem:s30+$0xFFFFFCF0]  }
0x2f6: {  	v1 =	vadd.f32 v54, v7;
	v4 =	vadd.f32 v39, v4;
	v39 =	vld [tilespmem:s30+$0xFFFFFDD0]  }
0x2f7: {  	v9 =	vld [tilespmem:$0x1FC20]  }
0x2f8: {  	v1 =	vadd.f32 v47, v1;
	v47 =	vld [tilespmem:s30+$0xFFFFFE10]  }
0x2f9: {  	v55 =	vadd.f32 v55, v59;
	v59 =	vld [tilespmem:s30+$0xFFFFFC50]  }
0x2fa: {  	v46 =	vadd.f32 v51, v53;
	v51 =	vld [tilespmem:s30+$0xFFFFFD50]  }
0x2fb: {  	v5 =	vadd.f32 v34, v5;
	v7 =	vadd.f32 v63, v12;
	v63 =	vld [tilespmem:s30+$0xFFFFFC40]  }
0x2fc: {  	v0 =	vadd.f32 v58, v14;
	v58 =	vld [tilespmem:s30+$0xFFFFFC90];
	v45 =	vadd.f32 v45, v55  }
0x2fd: {  	v5 =	vadd.f32 v27, v5;
	v12 =	vld [tilespmem:s30+$0xFFFFFF10]  }
0x2fe: {  	v52 =	vadd.f32 v62, v52;
	v62 =	vld [tilespmem:s30+$0xFFFFFC80];
	v38 =	vadd.f32 v38, v45  }
0x2ff: {  	v5 =	vadd.f32 v20, v5;
	v20 =	vld [tilespmem:s30+$0xFFFFFE50]  }
0x300: {  	v54 =	vadd.f32 v60, v13;
	v60 =	vld [tilespmem:s30+$0xFFFFFC30];
	v31 =	vadd.f32 v31, v38  }
0x301: {  	v3 =	vadd.f32 v44, v3;
	v7 =	vadd.f32 v61, v7;
	v61 =	vld [tilespmem:s30+$0xFFFFFC70]  }
0x302: {  	v13 =	vld [tilespmem:s30+$0xFFFFFEA0];
	v24 =	vadd.f32 v24, v31  }
0x303: {  	v3 =	vadd.f32 v37, v3;
	v45 =	vld [tilespmem:s30+$0xFFFFFE00]  }
0x304: {  	v6 =	vadd.f32 v43, v6;
	v17 =	vadd.f32 v9, v24;
	v9 =	vld [tilespmem:$0x1FC30]  }
0x305: {  	v3 =	vadd.f32 v30, v3;
	v8 =	vadd.f32 v59, v8;
	v59 =	vld [tilespmem:s30+$0xFFFFFCA0]  }
0x306: {  	v1 =	vadd.f32 v40, v1;
	v48 =	vadd.f32 v63, v50;
	v63 =	vld [tilespmem:s30+$0xFFFFFCE0]  }
0x307: {  	v0 =	vadd.f32 v58, v0;
	v58 =	vld [tilespmem:s30+$0xFFFFFD00];
	v3 =	vadd.f32 v23, v3  }
0x308: {  	v6 =	vadd.f32 v36, v6;
	v1 =	vadd.f32 v33, v1;
	v50 =	vld [tilespmem:s30+$0xFFFFFD40]  }
0x309: {  	v2 =	vadd.f32 v49, v2;
	v3 =	vadd.f32 v9, v3;
	v9 =	vld [tilespmem:$0x1FC40]  }
0x30a: {  	v6 =	vadd.f32 v29, v6;
	v1 =	vadd.f32 v26, v1;
	v23 =	vld [tilespmem:s30+$0xFFFFFE20]  }
0x30b: {  	v2 =	vadd.f32 v42, v2;
	v7 =	vadd.f32 v62, v7;
	v62 =	vld [tilespmem:s30+$0xFFFFFCD0]  }
0x30c: {  	v6 =	vadd.f32 v22, v6;
	v1 =	vadd.f32 v19, v1;
	v19 =	vld [tilespmem:s30+$0xFFFFFE60]  }
0x30d: {  	v2 =	vadd.f32 v35, v2;
	v49 =	vadd.f32 v60, v57;
	v60 =	vld [tilespmem:s30+$0xFFFFFCB0]  }
0x30e: {  	v6 =	vadd.f32 v9, v6;
	v9 =	vld [tilespmem:$0x1FC50]  }
0x30f: {  	v2 =	vadd.f32 v28, v2;
	v53 =	vadd.f32 v61, v54;
	v61 =	vld [tilespmem:s30+$0xFFFFFCC0]  }
0x310: {  	v54 =	vld [tilespmem:s30+$0xFFFFFD70]  }
0x311: {  	v2 =	vadd.f32 v21, v2;
	v55 =	vadd.f32 v59, v52;
	v52 =	vld [tilespmem:s30+$0xFFFFFD60]  }
0x312: {  	v43 =	vadd.f32 v63, v46;
	v63 =	vadd.f32 v56, v53;
	v56 =	vld [tilespmem:s30+$0xFFFFFD80]  }
0x313: {  	v2 =	vadd.f32 v9, v2;
	v9 =	vld [tilespmem:$0x1FC60]  }
0x314: {  	v7 =	vadd.f32 v58, v7;
	v58 =	vld [tilespmem:s30+$0xFFFFFD90]  }
0x315: {  	v8 =	vadd.f32 v62, v8;
	v62 =	vld [tilespmem:s30+$0xFFFFFD30]  }
0x316: {  	v57 =	vadd.f32 v60, v49;
	v60 =	vld [tilespmem:s30+$0xFFFFFD10]  }
0x317: {  	v59 =	vadd.f32 v61, v48;
	v61 =	vld [tilespmem:s30+$0xFFFFFD20]  }
0x318: {  	v5 =	vadd.f32 v9, v5;
	v9 =	vld [tilespmem:$0x1FC70]  }
0x319: {  	v48 =	vld [tilespmem:s30+$0xFFFFFE30]  }
0x31a: {  	v4 =	vadd.f32 v32, v4;
	v49 =	vld [tilespmem:s30+$0xFFFFFE40]  }
0x31b: {  	v8 =	vadd.f32 v51, v8;
	v51 =	vld [tilespmem:s30+$0xFFFFFE80]  }
0x31c: {  	v4 =	vadd.f32 v25, v4;
	v7 =	vadd.f32 v56, v7;
	v56 =	vld [tilespmem:s30+$0xFFFFFEE0]  }
0x31d: {  	v53 =	vadd.f32 v61, v55;
	v1 =	vadd.f32 v9, v1;
	v9 =	vld [tilespmem:$0x1FC80]  }
0x31e: {  	v55 =	vadd.f32 v62, v57;
	v57 =	vadd.f32 v50, v59;
	v59 =	vld [tilespmem:s30+$0xFFFFFDA0]  }
0x31f: {  	v61 =	vld [tilespmem:s30+$0xFFFFFDB0]  }
0x320: {  	v4 =	vadd.f32 v18, v4;
	v62 =	vadd.f32 v54, v63;
	v63 =	vld [tilespmem:s30+$0xFFFFFDC0]  }
0x321: {  	v0 =	vadd.f32 v60, v0;
	v60 =	vadd.f32 v52, v43;
	v43 =	vld [tilespmem:s30+$0xFFFFFDF0]  }
0x322: {  	v4 =	vadd.f32 v9, v4;
	v9 =	vld [tilespmem:$0x1FC90]  }
0x323: {  	v8 =	vadd.f32 v39, v8;
	v52 =	vld [tilespmem:s30+$0xFFFFFE90]  }
0x324: {  	v22 =	vadd.f32 v41, v60;
	v44 =	vadd.f32 v61, v55;
	v55 =	vld [tilespmem:s30+$0xFFFFFED0]  }
0x325: {  	v8 =	vadd.f32 v20, v8;
	v60 =	vld [tilespmem:s30+$0xFFFFFF20]  }
0x326: {  	v14 =	vadd.f32 v19, v22;
	v19 =	vld [tilespmem:s30+$0xFFFFFEB0];
	v42 =	vadd.f32 v59, v53  }
0x327: {  	v0 =	vadd.f32 v58, v0;
	v10 =	vadd.f32 v9, v17;
	v9 =	vld [tilespmem:$0x1FCA0]  }
0x328: {  	v18 =	vadd.f32 v23, v42;
	v23 =	vld [tilespmem:s30+$0xFFFFFE70]  }
0x329: {  	v0 =	vadd.f32 v47, v0;
	v59 =	vadd.f32 v55, v8;
	v8 =	vld [tilespmem:s30+$0xFFFFFF30]  }
0x32a: {  	v7 =	vadd.f32 v45, v7;
	v61 =	vld [tilespmem:s30+$0xFFFFFF70];
	v50 =	vadd.f32 v48, v44  }
0x32b: {  	v21 =	vadd.f32 v43, v62;
	v62 =	vld [tilespmem:s30+$0xFFFFFF80];
	v0 =	vadd.f32 v52, v0  }
0x32c: {  	v58 =	vadd.f32 v19, v50;
	v3 =	vadd.f32 v9, v3;
	v9 =	vld [tilespmem:s30+$0xFFFFFF00]  }
0x32d: {  	v46 =	vadd.f32 v63, v57;
	v63 =	vld [tilespmem:s30+$0xFFFFFFA0];
	v0 =	vadd.f32 v12, v0  }
0x32e: {  	v53 =	vadd.f32 v23, v21;
	v12 =	vadd.f32 v8, v58;
	v8 =	vld [tilespmem:s30+$0xFFFFFF90]  }
0x32f: {  	v54 =	vadd.f32 v51, v7;
	[tilespmem:s28+$0x0] =	vst v6;
	v57 =	vadd.f32 v13, v18;
	v13 =	vld [tilespmem:s30+$0xFFFFFF60]  }
0x330: {  	s29 =	sadd.s32 $0x2, s29;
	[tilespmem:s28+$0x10] =	vst v2;
	v6 =	vadd.f32 v11, v53;
	v11 =	vld [tilespmem:s30+$0xFFFFFF40]  }
0x331: {  	p1 =	slt.u32 s29, $0x26;
	v16 =	vadd.f32 v49, v46;
	[tilespmem:s28+$0x20] =	vst v5;
	v2 =	vadd.f32 v9, v54;
	v9 =	vld [tilespmem:s30+$0xFFFFFF50]  }
.Ltmp8:
0x332: {  	v18 =	vld [tilespmem:s30+$0xFFFFFFE0];
	v5 =	vadd.f32 v56, v14;
	[tilespmem:s28+$0x30] =	vst v1;
	v1 =	vadd.f32 v60, v57;
	(pc) =	sbr.rel @p1 .LBB2_10-.Ltmp8, $4  }
0x333: {  	v19 =	vld [tilespmem:s30+$0xFFFFFFF0];
	v21 =	vadd.f32 v8, v0;
	[tilespmem:s28+$0x50] =	vst v10;
	v10 =	vadd.f32 v15, v16  }
0x334: {  	v14 =	vld [tilespmem:s30+$0xFFFFFFB0];
	v20 =	vadd.f32 v63, v1;
	[tilespmem:s28+$0x40] =	vst v4;
	v2 =	vadd.f32 v62, v2  }
0x335: {  	v17 =	vld [tilespmem:s30+$0xFFFFFFD0];
	v16 =	vadd.f32 v13, v5;
	v10 =	vadd.f32 v11, v10;
	[tilespmem:s28+$0x60] =	vst v3  }
0x336: {  	v15 =	vld [tilespmem:s30+$0xFFFFFFC0];
	s30 =	sadd.s32 $0x900, s30;
	[tilespmem:s28+$0xFFFFFF80] =	vst v2;
	v11 =	vadd.f32 v9, v59;
	v9 =	vadd.f32 v61, v6  }
0x337: {  	_ =	sdelay $0x1  }
0x338: {  	[tilespmem:s28+$0xFFFFFF90] =	vst v21;
	v0 =	vadd.f32 v14, v12  }
0x339: {  	[tilespmem:s28+$0xFFFFFFA0] =	vst v20;
	v2 =	vadd.f32 v17, v11  }
0x33a: {  	v1 =	vadd.f32 v15, v10;
	[tilespmem:s28+$0xFFFFFFB0] =	vst v0  }
0x33b: {  	v0 =	vadd.f32 v18, v16;
	[tilespmem:s28+$0xFFFFFFD0] =	vst v2  }
0x33c: {  	[tilespmem:s28+$0xFFFFFFC0] =	vst v1;
	v1 =	vadd.f32 v19, v9  }
0x33d: {  	[tilespmem:s28+$0xFFFFFFE0] =	vst v0  }
0x33e: {  	[tilespmem:s28+$0xFFFFFFF0] =	vst v1  }
0x33f: {  	v3 =	vld [tilespmem:$0x1FFD0]  }
0x340: {  	v2 =	vld [tilespmem:$0x1FFE0]  }
0x341: {  	s26 =	smul.u32 $0x28, s26;
	v1 =	vld [tilespmem:$0x1FFF0]  }
.Ltmp9:
0x342: {  	v4 =	vld [tilespmem:$0x1FF80];
	(pc) =	sbr.rel .LBB2_12-.Ltmp9, $4  }
0x343: {  	s26 =	sadd.s32 s6, s26;
	v5 =	vld [tilespmem:$0x1FFB0]  }
0x344: {  	s26 =	sshll.u32 s26, $0x4;
	v6 =	vld [tilespmem:$0x1FF90]  }
0x345: {  	s26 =	sadd.s32 s5, s26;
	v7 =	vld [tilespmem:$0x1FFA0]  }
0x346: {  	v0 =	vlaneseq.u32;
	[hbm4b:s26+s3] =	stream.linear.scatter [tilespmem:s21], [sflag:$0x4], $0x1400, $0x38;
	v17 =	vld [tilespmem:$0x1FFC0]  }
.LBB2_14:
0x347: {  	_ =	sfence.sel $0x180000  }
0x348: {  	[bflag:$0x0] =	sbarrier.arrive $0xFFFF  }
0x349: {  	p0 =	sne.s32 s2, $0x0;
	_ =	strace $0x90000047  }
0x34a: {  	s0 =	sadd.s32 @!p0 $0x100000, s0;
	[bflag:$0x2] =	sbarrier.arrive $0xFFFF  }
0x34b: {  	[sflag:s0] =	ssyncadd.tile.s32 @!p0 $0x1;
	_ =	shalt  }
.Lfunc_end2:
_tile_overlayer_lowered:
.L_overlay_start_2:
0x34c: {  	(tag) =	ssettag $0x2  }
0x34d: {  	s0 =	rddreg [dreg:$0x0];
	s2 =	stileid.u32  }
0x34e: {  	s1 =	rddreg [dreg:$0x1];
	p0 =	sne.s32 s2, $0x0  }
0x34f: {  	s3 =	rddreg [dreg:$0x2];
	[bflag:$0x3] =	sbarrier.arrive $0xFFFF;
	s2 =	simm.s32 @!p0 $0x1C05  }
0x350: {  	[timem:s3], [sflag:s2] =	dma.local @!p0 [hbm:s0], s1  }
0x351: {  	s0 =	simm.s32 @!p0 $0x5  }
0x352: {  	_ =	swait.ge @!p0 [sflag:s0], s1  }
0x353: {  	s1 =	ssub.s32 @!p0 $0x0, s1;
	[sflag:s0] =	ssyncset.done @!p0 $0x0  }
0x354: {  	[sflag:s0] =	ssyncadd.s32 @!p0 s1  }
0x355: {  	[bflag:$0x3] =	sbarrier.arrive $0xFFFF  }
0x356: {  	_ =	shalt  }

</sc_bundles>
